<compile_context>
chip_gen: v7x
topology: tpu7x:2x2x1
jax: 0.10.2.dev20260603
libtpu: 0.0.44.dev20260713+nightly
codegen_flags: <defaults>
</compile_context>

<pallas_src>
import functools

import jax
import jax.numpy as jnp
from jax import lax
from jax.experimental import pallas as pl
from jax.experimental.pallas import tpu as pltpu
from jax.experimental.pallas import tpu_sc as plsc

L = 16


@functools.lru_cache(maxsize=None)
def _make_kernel(N, C, NC, NS):
    NW = NC * NS
    R = N // NW
    NT = (C + 127) // 128
    NV = R // L

    mesh = plsc.VectorSubcoreMesh(core_axis_name="c", subcore_axis_name="s")
    dnums = lax.GatherDimensionNumbers(
        offset_dims=(), collapsed_slice_dims=(0,), start_index_map=(0,))

    def lane_gather(v, idx):
        return lax.gather(v, idx.reshape(L, 1), dnums, (1,),
                          mode=lax.GatherScatterMode.PROMISE_IN_BOUNDS)

    @functools.partial(
        pl.kernel,
        mesh=mesh,
        out_type=(jax.ShapeDtypeStruct((NC, L), jnp.float32),
                  jax.ShapeDtypeStruct((NW, L), jnp.float32)),
        scratch_types=[
            pltpu.VMEM((R,), jnp.int32),
            pltpu.VMEM((R,), jnp.float32),
            pltpu.VMEM((2 * NT * 8, 128), jnp.float32),
            pltpu.VMEM((L,), jnp.float32),
            pltpu.VMEM((NS, L), jnp.float32),
            pltpu.SemaphoreType.DMA,
        ],
    )
    def ganloss_kernel(prob_hbm, probb_hbm, tgt_hbm, rew_hbm, out_hbm,
                       part_hbm, tgt_v, rew_v, slab_v, stage_v, red_v, sem):
        cid = lax.axis_index("c")
        sid = lax.axis_index("s")
        wid = cid * NS + sid
        base = wid * R

        pltpu.sync_copy(tgt_hbm.at[pl.ds(base, R)], tgt_v)
        pltpu.sync_copy(rew_hbm.at[pl.ds(base, R)], rew_v)

        lane = lax.iota(jnp.int32, L)

        def body(g, acc):
            t16 = tgt_v[pl.ds(g * L, L)]
            r16 = rew_v[pl.ds(g * L, L)]
            ts = [t16[j] for j in range(L)]
            jhs = [t >> 7 for t in ts]
            for half in range(2):
                row0 = base + g * L + half * 8
                for jh in range(NT):
                    need = (jhs[half * 8] == jh)
                    for j in range(1, 8):
                        need = need | (jhs[half * 8 + j] == jh)
                    @pl.when(need)
                    def _(row0=row0, jh=jh, half=half):
                        src = (prob_hbm.at[pl.ds(row0, 8),
                                           pl.ds(jh * 128, 128)]
                               if (jh + 1) * 128 <= C
                               else probb_hbm.at[pl.ds(row0, 8), :])
                        pltpu.async_copy(
                            src,
                            slab_v.at[pl.ds((half * NT + jh) * 8, 8), :],
                            sem)
            for half in range(2):
                row0 = base + g * L + half * 8
                for jh in range(NT):
                    need = (jhs[half * 8] == jh)
                    for j in range(1, 8):
                        need = need | (jhs[half * 8 + j] == jh)
                    @pl.when(need)
                    def _(row0=row0, jh=jh, half=half):
                        src = (prob_hbm.at[pl.ds(row0, 8),
                                           pl.ds(jh * 128, 128)]
                               if (jh + 1) * 128 <= C
                               else probb_hbm.at[pl.ds(row0, 8), :])
                        pltpu.make_async_copy(
                            src,
                            slab_v.at[pl.ds((half * NT + jh) * 8, 8), :],
                            sem).wait()
            for j in range(L):
                t = ts[j]
                half = j // 8
                row = (half * NT + jhs[j]) * 8 + (j - half * 8)
                v = slab_v[row, pl.ds(((t >> 4) & 7) * 16, L)]
                val = lane_gather(v, jnp.full((L,), t & 15, jnp.int32))
                acc = acc + jnp.where(lane == j, val * r16[j], 0.0)
            return acc

        acc = lax.fori_loop(0, NV, body, jnp.zeros((L,), jnp.float32))

        stage_v[...] = acc
        pltpu.sync_copy(stage_v, part_hbm.at[wid])
        plsc.subcore_barrier()

        @pl.when(sid == 0)
        def _():
            pltpu.sync_copy(part_hbm.at[pl.ds(cid * NS, NS)], red_v)
            tot = jnp.zeros((L,), jnp.float32)
            for s in range(NS):
                tot = tot + red_v[s, :]
            for sh in (8, 4, 2, 1):
                tot = tot + lane_gather(tot, (lane + sh) & (L - 1))
            stage_v[...] = tot * (-1.0 / N)
            pltpu.sync_copy(stage_v, out_hbm.at[cid])

    return ganloss_kernel


def kernel(prob, target, reward):
    N, C = prob.shape
    info = plsc.get_sparse_core_info()
    k = _make_kernel(N, C, info.num_cores, info.num_subcores)
    nt = (C + 127) // 128
    probb = jnp.pad(prob[:, (nt - 1) * 128:], ((0, 0), (0, nt * 128 - C)))
    out, _ = k(prob, probb,
               target.astype(jnp.int32),
               reward.astype(jnp.float32))
    return jnp.sum(out[:, 0])

# --- scband reference (transcript-rebuilt; emitter-appended) ---
"""Pipeline reference for scband-ganloss-7541962572282 (READ-ONLY COPY).

The authoritative reference and input builder live on the scoring server;
editing this copy changes nothing except your own understanding.
"""

import jax, jax.numpy as jnp
import numpy as np


def setup_inputs(seed: int = 0) -> dict:
    key = jax.random.key(seed)
    k1, k2, k3 = jax.random.split(key, 3)
    N, C = 16384, 1000
    prob = jax.random.normal(k1, (N, C), dtype=jnp.float32)
    target = jax.random.randint(k2, (N,), 0, C, dtype=jnp.int64)
    reward = jax.random.uniform(k3, (N,), dtype=jnp.float32)
    return {"prob": prob, "target": target, "reward": reward}


def reference(prob, target, reward):
    # masked_select with a one-hot mask over dim 1 is equivalent to gathering
    # prob[i, target[i]] for each row i (one True per row, row-major order).
    gathered = jnp.take_along_axis(prob, target.reshape(-1, 1), axis=1).squeeze(-1)  # (N,)
    loss = gathered * reward
    loss = -jnp.sum(loss) / loss.shape[0]
    return loss

if __name__ == "__main__":
    import jax
    _d = setup_inputs()
    print(jax.jit(kernel)(*tuple(_d.values())))

</pallas_src>

<mosaic_0001>
#map = affine_map<(d0, d1) -> (0, 0)>
#map1 = affine_map<(d0, d1) -> (0)>
module attributes {stable_mosaic.version = 14 : i64} {
  func.func @ganloss_kernel(%arg0: i32, %arg1: i32, %arg2: memref<16384x1000xf32, #tpu.memory_space<hbm>>, %arg3: memref<16384x128xf32, #tpu.memory_space<hbm>>, %arg4: memref<16384xi32, #tpu.memory_space<hbm>>, %arg5: memref<16384xf32, #tpu.memory_space<hbm>>, %arg6: memref<2x16xf32, #tpu.memory_space<hbm>>, %arg7: memref<32x16xf32, #tpu.memory_space<hbm>>, %arg8: memref<512xi32, #tpu.memory_space<vmem>>, %arg9: memref<512xf32, #tpu.memory_space<vmem>>, %arg10: memref<128x128xf32, #tpu.memory_space<vmem>>, %arg11: memref<16xf32, #tpu.memory_space<vmem>>, %arg12: memref<16x16xf32, #tpu.memory_space<vmem>>, %arg13: memref<!tpu.dma_semaphore, #tpu.memory_space<semaphore_mem>>) attributes {dimension_semantics = [#tpu.dimension_semantics<core_parallel>, #tpu.dimension_semantics<subcore_parallel>], iteration_bounds = array<i64: 2, 16>, scalar_prefetch = 0 : i64, scratch_operands = 6 : i64, tpu.core_type = #tpu.core_type<sc_vector_subcore>, window_params = [{transform_indices = #map}, {transform_indices = #map}, {transform_indices = #map1}, {transform_indices = #map1}, {transform_indices = #map}, {transform_indices = #map}]} {
    %mul3A = arith.constant 16 : i32
    %mul3A_0 = arith.muli %arg0, %mul3A : i32
    %add3A = arith.addi %mul3A_0, %arg1 : i32
    %mul3A_1 = arith.constant 512 : i32
    %mul3A_2 = arith.muli %add3A, %mul3A_1 : i32
    "tpu.region"() ({
      %run_scoped3A = tpu.sem_alloc : memref<!tpu.dma_semaphore, #tpu.memory_space<semaphore_mem>>
      %dma_start3A = tpu.memref_slice %arg4[%mul3A_2] : memref<16384xi32, #tpu.memory_space<hbm>> -> memref<512xi32, #tpu.memory_space<hbm>>
      %dma_start3A_14 = tpu.memref_slice %arg4[%mul3A_2] : memref<16384xi32, #tpu.memory_space<hbm>> -> memref<512xi32, #tpu.memory_space<hbm>>
      tpu.enqueue_dma source(%dma_start3A_14 : memref<512xi32, #tpu.memory_space<hbm>>) target(%arg8 : memref<512xi32, #tpu.memory_space<vmem>>) target_semaphore(%run_scoped3A : memref<!tpu.dma_semaphore, #tpu.memory_space<semaphore_mem>>)
      %dma_wait3A = tpu.memref_slice %arg4[%mul3A_2] : memref<16384xi32, #tpu.memory_space<hbm>> -> memref<512xi32, #tpu.memory_space<hbm>>
      %dma_wait3A_15 = tpu.memref_slice %arg4[%mul3A_2] : memref<16384xi32, #tpu.memory_space<hbm>> -> memref<512xi32, #tpu.memory_space<hbm>>
      tpu.wait_dma2 semaphore(%run_scoped3A : memref<!tpu.dma_semaphore, #tpu.memory_space<semaphore_mem>>) src(%dma_wait3A_15 : memref<512xi32, #tpu.memory_space<hbm>>) dst(%arg8 : memref<512xi32, #tpu.memory_space<vmem>>)
      tpu.yield
    }) : () -> ()
    "tpu.region"() ({
      %run_scoped3A = tpu.sem_alloc : memref<!tpu.dma_semaphore, #tpu.memory_space<semaphore_mem>>
      %dma_start3A = tpu.memref_slice %arg5[%mul3A_2] : memref<16384xf32, #tpu.memory_space<hbm>> -> memref<512xf32, #tpu.memory_space<hbm>>
      %dma_start3A_14 = tpu.memref_slice %arg5[%mul3A_2] : memref<16384xf32, #tpu.memory_space<hbm>> -> memref<512xf32, #tpu.memory_space<hbm>>
      tpu.enqueue_dma source(%dma_start3A_14 : memref<512xf32, #tpu.memory_space<hbm>>) target(%arg9 : memref<512xf32, #tpu.memory_space<vmem>>) target_semaphore(%run_scoped3A : memref<!tpu.dma_semaphore, #tpu.memory_space<semaphore_mem>>)
      %dma_wait3A = tpu.memref_slice %arg5[%mul3A_2] : memref<16384xf32, #tpu.memory_space<hbm>> -> memref<512xf32, #tpu.memory_space<hbm>>
      %dma_wait3A_15 = tpu.memref_slice %arg5[%mul3A_2] : memref<16384xf32, #tpu.memory_space<hbm>> -> memref<512xf32, #tpu.memory_space<hbm>>
      tpu.wait_dma2 semaphore(%run_scoped3A : memref<!tpu.dma_semaphore, #tpu.memory_space<semaphore_mem>>) src(%dma_wait3A_15 : memref<512xf32, #tpu.memory_space<hbm>>) dst(%arg9 : memref<512xf32, #tpu.memory_space<vmem>>)
      tpu.yield
    }) : () -> ()
    %iota3A = tpu.iota {dimensions = array<i32: 0>} : vector<16xi32>
    %broadcast_in_dim3A = arith.constant 0.000000e+00 : f32
    %broadcast_in_dim3A_3 = vector.broadcast %broadcast_in_dim3A : f32 to vector<16xf32>
    %scan3A = arith.constant 0 : i32
    %scan3A_4 = arith.constant 32 : i32
    %scan3A_5 = arith.addi %scan3A, %scan3A_4 : i32
    %scan3A_6 = arith.constant 1 : i32
    %scan3A_7 = scf.for %scan3A_14 = %scan3A to %scan3A_5 step %scan3A_6 iter_args(%scan3A_15 = %broadcast_in_dim3A_3) -> (vector<16xf32>)  : i32 {
      %mul3A_16 = arith.constant 16 : i32
      %mul3A_17 = arith.muli %scan3A_14, %mul3A_16 : i32
      %get3A = arith.index_cast %mul3A_17 : i32 to index
      %get3A_18 = tpu.vector_load %arg8[%get3A] {strides = array<i32>} : memref<512xi32, #tpu.memory_space<vmem>>, vector<16xi32>,
      %get3A_19 = vector.shape_cast %get3A_18 : vector<16xi32> to vector<16xi32>
      %mul3A_20 = arith.constant 16 : i32
      %mul3A_21 = arith.muli %scan3A_14, %mul3A_20 : i32
      %get3A_22 = arith.index_cast %mul3A_21 : i32 to index
      %get3A_23 = tpu.vector_load %arg9[%get3A_22] {strides = array<i32>} : memref<512xf32, #tpu.memory_space<vmem>>, vector<16xf32>,
      %get3A_24 = vector.shape_cast %get3A_23 : vector<16xf32> to vector<16xf32>
      %slice3A = vector.extract_strided_slice %get3A_19 {offsets = [0], sizes = [1], strides = [1]} : vector<16xi32> to vector<1xi32>
      %squeeze3A = vector.extract %slice3A[0] : i32 from vector<1xi32>
      %slice3A_25 = vector.extract_strided_slice %get3A_19 {offsets = [1], sizes = [1], strides = [1]} : vector<16xi32> to vector<1xi32>
      %squeeze3A_26 = vector.extract %slice3A_25[0] : i32 from vector<1xi32>
      %slice3A_27 = vector.extract_strided_slice %get3A_19 {offsets = [2], sizes = [1], strides = [1]} : vector<16xi32> to vector<1xi32>
      %squeeze3A_28 = vector.extract %slice3A_27[0] : i32 from vector<1xi32>
      %slice3A_29 = vector.extract_strided_slice %get3A_19 {offsets = [3], sizes = [1], strides = [1]} : vector<16xi32> to vector<1xi32>
      %squeeze3A_30 = vector.extract %slice3A_29[0] : i32 from vector<1xi32>
      %slice3A_31 = vector.extract_strided_slice %get3A_19 {offsets = [4], sizes = [1], strides = [1]} : vector<16xi32> to vector<1xi32>
      %squeeze3A_32 = vector.extract %slice3A_31[0] : i32 from vector<1xi32>
      %slice3A_33 = vector.extract_strided_slice %get3A_19 {offsets = [5], sizes = [1], strides = [1]} : vector<16xi32> to vector<1xi32>
      %squeeze3A_34 = vector.extract %slice3A_33[0] : i32 from vector<1xi32>
      %slice3A_35 = vector.extract_strided_slice %get3A_19 {offsets = [6], sizes = [1], strides = [1]} : vector<16xi32> to vector<1xi32>
      %squeeze3A_36 = vector.extract %slice3A_35[0] : i32 from vector<1xi32>
      %slice3A_37 = vector.extract_strided_slice %get3A_19 {offsets = [7], sizes = [1], strides = [1]} : vector<16xi32> to vector<1xi32>
      %squeeze3A_38 = vector.extract %slice3A_37[0] : i32 from vector<1xi32>
      %slice3A_39 = vector.extract_strided_slice %get3A_19 {offsets = [8], sizes = [1], strides = [1]} : vector<16xi32> to vector<1xi32>
      %squeeze3A_40 = vector.extract %slice3A_39[0] : i32 from vector<1xi32>
      %slice3A_41 = vector.extract_strided_slice %get3A_19 {offsets = [9], sizes = [1], strides = [1]} : vector<16xi32> to vector<1xi32>
      %squeeze3A_42 = vector.extract %slice3A_41[0] : i32 from vector<1xi32>
      %slice3A_43 = vector.extract_strided_slice %get3A_19 {offsets = [10], sizes = [1], strides = [1]} : vector<16xi32> to vector<1xi32>
      %squeeze3A_44 = vector.extract %slice3A_43[0] : i32 from vector<1xi32>
      %slice3A_45 = vector.extract_strided_slice %get3A_19 {offsets = [11], sizes = [1], strides = [1]} : vector<16xi32> to vector<1xi32>
      %squeeze3A_46 = vector.extract %slice3A_45[0] : i32 from vector<1xi32>
      %slice3A_47 = vector.extract_strided_slice %get3A_19 {offsets = [12], sizes = [1], strides = [1]} : vector<16xi32> to vector<1xi32>
      %squeeze3A_48 = vector.extract %slice3A_47[0] : i32 from vector<1xi32>
      %slice3A_49 = vector.extract_strided_slice %get3A_19 {offsets = [13], sizes = [1], strides = [1]} : vector<16xi32> to vector<1xi32>
      %squeeze3A_50 = vector.extract %slice3A_49[0] : i32 from vector<1xi32>
      %slice3A_51 = vector.extract_strided_slice %get3A_19 {offsets = [14], sizes = [1], strides = [1]} : vector<16xi32> to vector<1xi32>
      %squeeze3A_52 = vector.extract %slice3A_51[0] : i32 from vector<1xi32>
      %slice3A_53 = vector.extract_strided_slice %get3A_19 {offsets = [15], sizes = [1], strides = [1]} : vector<16xi32> to vector<1xi32>
      %squeeze3A_54 = vector.extract %slice3A_53[0] : i32 from vector<1xi32>
      %shift_right_arithmetic3A = arith.constant 7 : i32
      %shift_right_arithmetic3A_55 = arith.shrsi %squeeze3A, %shift_right_arithmetic3A : i32
      %shift_right_arithmetic3A_56 = arith.constant 7 : i32
      %shift_right_arithmetic3A_57 = arith.shrsi %squeeze3A_26, %shift_right_arithmetic3A_56 : i32
      %shift_right_arithmetic3A_58 = arith.constant 7 : i32
      %shift_right_arithmetic3A_59 = arith.shrsi %squeeze3A_28, %shift_right_arithmetic3A_58 : i32
      %shift_right_arithmetic3A_60 = arith.constant 7 : i32
      %shift_right_arithmetic3A_61 = arith.shrsi %squeeze3A_30, %shift_right_arithmetic3A_60 : i32
      %shift_right_arithmetic3A_62 = arith.constant 7 : i32
      %shift_right_arithmetic3A_63 = arith.shrsi %squeeze3A_32, %shift_right_arithmetic3A_62 : i32
      %shift_right_arithmetic3A_64 = arith.constant 7 : i32
      %shift_right_arithmetic3A_65 = arith.shrsi %squeeze3A_34, %shift_right_arithmetic3A_64 : i32
      %shift_right_arithmetic3A_66 = arith.constant 7 : i32
      %shift_right_arithmetic3A_67 = arith.shrsi %squeeze3A_36, %shift_right_arithmetic3A_66 : i32
      %shift_right_arithmetic3A_68 = arith.constant 7 : i32
      %shift_right_arithmetic3A_69 = arith.shrsi %squeeze3A_38, %shift_right_arithmetic3A_68 : i32
      %shift_right_arithmetic3A_70 = arith.constant 7 : i32
      %shift_right_arithmetic3A_71 = arith.shrsi %squeeze3A_40, %shift_right_arithmetic3A_70 : i32
      %shift_right_arithmetic3A_72 = arith.constant 7 : i32
      %shift_right_arithmetic3A_73 = arith.shrsi %squeeze3A_42, %shift_right_arithmetic3A_72 : i32
      %shift_right_arithmetic3A_74 = arith.constant 7 : i32
      %shift_right_arithmetic3A_75 = arith.shrsi %squeeze3A_44, %shift_right_arithmetic3A_74 : i32
      %shift_right_arithmetic3A_76 = arith.constant 7 : i32
      %shift_right_arithmetic3A_77 = arith.shrsi %squeeze3A_46, %shift_right_arithmetic3A_76 : i32
      %shift_right_arithmetic3A_78 = arith.constant 7 : i32
      %shift_right_arithmetic3A_79 = arith.shrsi %squeeze3A_48, %shift_right_arithmetic3A_78 : i32
      %shift_right_arithmetic3A_80 = arith.constant 7 : i32
      %shift_right_arithmetic3A_81 = arith.shrsi %squeeze3A_50, %shift_right_arithmetic3A_80 : i32
      %shift_right_arithmetic3A_82 = arith.constant 7 : i32
      %shift_right_arithmetic3A_83 = arith.shrsi %squeeze3A_52, %shift_right_arithmetic3A_82 : i32
      %shift_right_arithmetic3A_84 = arith.constant 7 : i32
      %shift_right_arithmetic3A_85 = arith.shrsi %squeeze3A_54, %shift_right_arithmetic3A_84 : i32
      %mul3A_86 = arith.constant 16 : i32
      %mul3A_87 = arith.muli %scan3A_14, %mul3A_86 : i32
      %add3A_88 = arith.addi %mul3A_2, %mul3A_87 : i32
      %add3A_89 = arith.constant 0 : i32
      %add3A_90 = arith.addi %add3A_88, %add3A_89 : i32
      %eq3A_91 = arith.constant 0 : i32
      %eq3A_92 = arith.cmpi eq, %shift_right_arithmetic3A_55, %eq3A_91 : i32
      %eq3A_93 = arith.constant 0 : i32
      %eq3A_94 = arith.cmpi eq, %shift_right_arithmetic3A_57, %eq3A_93 : i32
      %or3A = arith.ori %eq3A_92, %eq3A_94 : i1
      %eq3A_95 = arith.constant 0 : i32
      %eq3A_96 = arith.cmpi eq, %shift_right_arithmetic3A_59, %eq3A_95 : i32
      %or3A_97 = arith.ori %or3A, %eq3A_96 : i1
      %eq3A_98 = arith.constant 0 : i32
      %eq3A_99 = arith.cmpi eq, %shift_right_arithmetic3A_61, %eq3A_98 : i32
      %or3A_100 = arith.ori %or3A_97, %eq3A_99 : i1
      %eq3A_101 = arith.constant 0 : i32
      %eq3A_102 = arith.cmpi eq, %shift_right_arithmetic3A_63, %eq3A_101 : i32
      %or3A_103 = arith.ori %or3A_100, %eq3A_102 : i1
      %eq3A_104 = arith.constant 0 : i32
      %eq3A_105 = arith.cmpi eq, %shift_right_arithmetic3A_65, %eq3A_104 : i32
      %or3A_106 = arith.ori %or3A_103, %eq3A_105 : i1
      %eq3A_107 = arith.constant 0 : i32
      %eq3A_108 = arith.cmpi eq, %shift_right_arithmetic3A_67, %eq3A_107 : i32
      %or3A_109 = arith.ori %or3A_106, %eq3A_108 : i1
      %eq3A_110 = arith.constant 0 : i32
      %eq3A_111 = arith.cmpi eq, %shift_right_arithmetic3A_69, %eq3A_110 : i32
      %or3A_112 = arith.ori %or3A_109, %eq3A_111 : i1
      %convert_element_type3A_113 = arith.extui %or3A_112 : i1 to i32
      %cond3A_114 = arith.constant 0 : i32
      %cond3A_115 = arith.cmpi ne, %convert_element_type3A_113, %cond3A_114 : i32
      scf.if %cond3A_115 {
        %dma_start3A = arith.constant 0 : i32
        %dma_start3A_1460 = arith.constant 0 : i32
        %dma_start3A_1461 = tpu.memref_slice %arg10[%dma_start3A, %dma_start3A_1460] : memref<128x128xf32, #tpu.memory_space<vmem>> -> memref<8x128xf32, #tpu.memory_space<vmem>>
        %dma_start3A_1462 = arith.constant 0 : i32
        %dma_start3A_1463 = tpu.memref_slice %arg2[%add3A_90, %dma_start3A_1462] : memref<16384x1000xf32, #tpu.memory_space<hbm>> -> memref<8x128xf32, #tpu.memory_space<hbm>>
        %dma_start3A_1464 = arith.constant 0 : i32
        %dma_start3A_1465 = arith.constant 0 : i32
        %dma_start3A_1466 = tpu.memref_slice %arg10[%dma_start3A_1464, %dma_start3A_1465] : memref<128x128xf32, #tpu.memory_space<vmem>> -> memref<8x128xf32, #tpu.memory_space<vmem>>
        %dma_start3A_1467 = arith.constant 0 : i32
        %dma_start3A_1468 = tpu.memref_slice %arg2[%add3A_90, %dma_start3A_1467] : memref<16384x1000xf32, #tpu.memory_space<hbm>> -> memref<8x128xf32, #tpu.memory_space<hbm>>
        tpu.enqueue_dma source(%dma_start3A_1468 : memref<8x128xf32, #tpu.memory_space<hbm>>) target(%dma_start3A_1466 : memref<8x128xf32, #tpu.memory_space<vmem>>) target_semaphore(%arg13 : memref<!tpu.dma_semaphore, #tpu.memory_space<semaphore_mem>>)
      } else {
      }
      %eq3A_116 = arith.constant 1 : i32
      %eq3A_117 = arith.cmpi eq, %shift_right_arithmetic3A_55, %eq3A_116 : i32
      %eq3A_118 = arith.constant 1 : i32
      %eq3A_119 = arith.cmpi eq, %shift_right_arithmetic3A_57, %eq3A_118 : i32
      %or3A_120 = arith.ori %eq3A_117, %eq3A_119 : i1
      %eq3A_121 = arith.constant 1 : i32
      %eq3A_122 = arith.cmpi eq, %shift_right_arithmetic3A_59, %eq3A_121 : i32
      %or3A_123 = arith.ori %or3A_120, %eq3A_122 : i1
      %eq3A_124 = arith.constant 1 : i32
      %eq3A_125 = arith.cmpi eq, %shift_right_arithmetic3A_61, %eq3A_124 : i32
      %or3A_126 = arith.ori %or3A_123, %eq3A_125 : i1
      %eq3A_127 = arith.constant 1 : i32
      %eq3A_128 = arith.cmpi eq, %shift_right_arithmetic3A_63, %eq3A_127 : i32
      %or3A_129 = arith.ori %or3A_126, %eq3A_128 : i1
      %eq3A_130 = arith.constant 1 : i32
      %eq3A_131 = arith.cmpi eq, %shift_right_arithmetic3A_65, %eq3A_130 : i32
      %or3A_132 = arith.ori %or3A_129, %eq3A_131 : i1
      %eq3A_133 = arith.constant 1 : i32
      %eq3A_134 = arith.cmpi eq, %shift_right_arithmetic3A_67, %eq3A_133 : i32
      %or3A_135 = arith.ori %or3A_132, %eq3A_134 : i1
      %eq3A_136 = arith.constant 1 : i32
      %eq3A_137 = arith.cmpi eq, %shift_right_arithmetic3A_69, %eq3A_136 : i32
      %or3A_138 = arith.ori %or3A_135, %eq3A_137 : i1
      %convert_element_type3A_139 = arith.extui %or3A_138 : i1 to i32
      %cond3A_140 = arith.constant 0 : i32
      %cond3A_141 = arith.cmpi ne, %convert_element_type3A_139, %cond3A_140 : i32
      scf.if %cond3A_141 {
        %dma_start3A = arith.constant 8 : i32
        %dma_start3A_1460 = arith.constant 0 : i32
        %dma_start3A_1461 = tpu.memref_slice %arg10[%dma_start3A, %dma_start3A_1460] : memref<128x128xf32, #tpu.memory_space<vmem>> -> memref<8x128xf32, #tpu.memory_space<vmem>>
        %dma_start3A_1462 = arith.constant 128 : i32
        %dma_start3A_1463 = tpu.memref_slice %arg2[%add3A_90, %dma_start3A_1462] : memref<16384x1000xf32, #tpu.memory_space<hbm>> -> memref<8x128xf32, #tpu.memory_space<hbm>>
        %dma_start3A_1464 = arith.constant 8 : i32
        %dma_start3A_1465 = arith.constant 0 : i32
        %dma_start3A_1466 = tpu.memref_slice %arg10[%dma_start3A_1464, %dma_start3A_1465] : memref<128x128xf32, #tpu.memory_space<vmem>> -> memref<8x128xf32, #tpu.memory_space<vmem>>
        %dma_start3A_1467 = arith.constant 128 : i32
        %dma_start3A_1468 = tpu.memref_slice %arg2[%add3A_90, %dma_start3A_1467] : memref<16384x1000xf32, #tpu.memory_space<hbm>> -> memref<8x128xf32, #tpu.memory_space<hbm>>
        tpu.enqueue_dma source(%dma_start3A_1468 : memref<8x128xf32, #tpu.memory_space<hbm>>) target(%dma_start3A_1466 : memref<8x128xf32, #tpu.memory_space<vmem>>) target_semaphore(%arg13 : memref<!tpu.dma_semaphore, #tpu.memory_space<semaphore_mem>>)
      } else {
      }
      %eq3A_142 = arith.constant 2 : i32
      %eq3A_143 = arith.cmpi eq, %shift_right_arithmetic3A_55, %eq3A_142 : i32
      %eq3A_144 = arith.constant 2 : i32
      %eq3A_145 = arith.cmpi eq, %shift_right_arithmetic3A_57, %eq3A_144 : i32
      %or3A_146 = arith.ori %eq3A_143, %eq3A_145 : i1
      %eq3A_147 = arith.constant 2 : i32
      %eq3A_148 = arith.cmpi eq, %shift_right_arithmetic3A_59, %eq3A_147 : i32
      %or3A_149 = arith.ori %or3A_146, %eq3A_148 : i1
      %eq3A_150 = arith.constant 2 : i32
      %eq3A_151 = arith.cmpi eq, %shift_right_arithmetic3A_61, %eq3A_150 : i32
      %or3A_152 = arith.ori %or3A_149, %eq3A_151 : i1
      %eq3A_153 = arith.constant 2 : i32
      %eq3A_154 = arith.cmpi eq, %shift_right_arithmetic3A_63, %eq3A_153 : i32
      %or3A_155 = arith.ori %or3A_152, %eq3A_154 : i1
      %eq3A_156 = arith.constant 2 : i32
      %eq3A_157 = arith.cmpi eq, %shift_right_arithmetic3A_65, %eq3A_156 : i32
      %or3A_158 = arith.ori %or3A_155, %eq3A_157 : i1
      %eq3A_159 = arith.constant 2 : i32
      %eq3A_160 = arith.cmpi eq, %shift_right_arithmetic3A_67, %eq3A_159 : i32
      %or3A_161 = arith.ori %or3A_158, %eq3A_160 : i1
      %eq3A_162 = arith.constant 2 : i32
      %eq3A_163 = arith.cmpi eq, %shift_right_arithmetic3A_69, %eq3A_162 : i32
      %or3A_164 = arith.ori %or3A_161, %eq3A_163 : i1
      %convert_element_type3A_165 = arith.extui %or3A_164 : i1 to i32
      %cond3A_166 = arith.constant 0 : i32
      %cond3A_167 = arith.cmpi ne, %convert_element_type3A_165, %cond3A_166 : i32
      scf.if %cond3A_167 {
        %dma_start3A = arith.constant 16 : i32
        %dma_start3A_1460 = arith.constant 0 : i32
        %dma_start3A_1461 = tpu.memref_slice %arg10[%dma_start3A, %dma_start3A_1460] : memref<128x128xf32, #tpu.memory_space<vmem>> -> memref<8x128xf32, #tpu.memory_space<vmem>>
        %dma_start3A_1462 = arith.constant 256 : i32
        %dma_start3A_1463 = tpu.memref_slice %arg2[%add3A_90, %dma_start3A_1462] : memref<16384x1000xf32, #tpu.memory_space<hbm>> -> memref<8x128xf32, #tpu.memory_space<hbm>>
        %dma_start3A_1464 = arith.constant 16 : i32
        %dma_start3A_1465 = arith.constant 0 : i32
        %dma_start3A_1466 = tpu.memref_slice %arg10[%dma_start3A_1464, %dma_start3A_1465] : memref<128x128xf32, #tpu.memory_space<vmem>> -> memref<8x128xf32, #tpu.memory_space<vmem>>
        %dma_start3A_1467 = arith.constant 256 : i32
        %dma_start3A_1468 = tpu.memref_slice %arg2[%add3A_90, %dma_start3A_1467] : memref<16384x1000xf32, #tpu.memory_space<hbm>> -> memref<8x128xf32, #tpu.memory_space<hbm>>
        tpu.enqueue_dma source(%dma_start3A_1468 : memref<8x128xf32, #tpu.memory_space<hbm>>) target(%dma_start3A_1466 : memref<8x128xf32, #tpu.memory_space<vmem>>) target_semaphore(%arg13 : memref<!tpu.dma_semaphore, #tpu.memory_space<semaphore_mem>>)
      } else {
      }
      %eq3A_168 = arith.constant 3 : i32
      %eq3A_169 = arith.cmpi eq, %shift_right_arithmetic3A_55, %eq3A_168 : i32
      %eq3A_170 = arith.constant 3 : i32
      %eq3A_171 = arith.cmpi eq, %shift_right_arithmetic3A_57, %eq3A_170 : i32
      %or3A_172 = arith.ori %eq3A_169, %eq3A_171 : i1
      %eq3A_173 = arith.constant 3 : i32
      %eq3A_174 = arith.cmpi eq, %shift_right_arithmetic3A_59, %eq3A_173 : i32
      %or3A_175 = arith.ori %or3A_172, %eq3A_174 : i1
      %eq3A_176 = arith.constant 3 : i32
      %eq3A_177 = arith.cmpi eq, %shift_right_arithmetic3A_61, %eq3A_176 : i32
      %or3A_178 = arith.ori %or3A_175, %eq3A_177 : i1
      %eq3A_179 = arith.constant 3 : i32
      %eq3A_180 = arith.cmpi eq, %shift_right_arithmetic3A_63, %eq3A_179 : i32
      %or3A_181 = arith.ori %or3A_178, %eq3A_180 : i1
      %eq3A_182 = arith.constant 3 : i32
      %eq3A_183 = arith.cmpi eq, %shift_right_arithmetic3A_65, %eq3A_182 : i32
      %or3A_184 = arith.ori %or3A_181, %eq3A_183 : i1
      %eq3A_185 = arith.constant 3 : i32
      %eq3A_186 = arith.cmpi eq, %shift_right_arithmetic3A_67, %eq3A_185 : i32
      %or3A_187 = arith.ori %or3A_184, %eq3A_186 : i1
      %eq3A_188 = arith.constant 3 : i32
      %eq3A_189 = arith.cmpi eq, %shift_right_arithmetic3A_69, %eq3A_188 : i32
      %or3A_190 = arith.ori %or3A_187, %eq3A_189 : i1
      %convert_element_type3A_191 = arith.extui %or3A_190 : i1 to i32
      %cond3A_192 = arith.constant 0 : i32
      %cond3A_193 = arith.cmpi ne, %convert_element_type3A_191, %cond3A_192 : i32
      scf.if %cond3A_193 {
        %dma_start3A = arith.constant 24 : i32
        %dma_start3A_1460 = arith.constant 0 : i32
        %dma_start3A_1461 = tpu.memref_slice %arg10[%dma_start3A, %dma_start3A_1460] : memref<128x128xf32, #tpu.memory_space<vmem>> -> memref<8x128xf32, #tpu.memory_space<vmem>>
        %dma_start3A_1462 = arith.constant 384 : i32
        %dma_start3A_1463 = tpu.memref_slice %arg2[%add3A_90, %dma_start3A_1462] : memref<16384x1000xf32, #tpu.memory_space<hbm>> -> memref<8x128xf32, #tpu.memory_space<hbm>>
        %dma_start3A_1464 = arith.constant 24 : i32
        %dma_start3A_1465 = arith.constant 0 : i32
        %dma_start3A_1466 = tpu.memref_slice %arg10[%dma_start3A_1464, %dma_start3A_1465] : memref<128x128xf32, #tpu.memory_space<vmem>> -> memref<8x128xf32, #tpu.memory_space<vmem>>
        %dma_start3A_1467 = arith.constant 384 : i32
        %dma_start3A_1468 = tpu.memref_slice %arg2[%add3A_90, %dma_start3A_1467] : memref<16384x1000xf32, #tpu.memory_space<hbm>> -> memref<8x128xf32, #tpu.memory_space<hbm>>
        tpu.enqueue_dma source(%dma_start3A_1468 : memref<8x128xf32, #tpu.memory_space<hbm>>) target(%dma_start3A_1466 : memref<8x128xf32, #tpu.memory_space<vmem>>) target_semaphore(%arg13 : memref<!tpu.dma_semaphore, #tpu.memory_space<semaphore_mem>>)
      } else {
      }
      %eq3A_194 = arith.constant 4 : i32
      %eq3A_195 = arith.cmpi eq, %shift_right_arithmetic3A_55, %eq3A_194 : i32
      %eq3A_196 = arith.constant 4 : i32
      %eq3A_197 = arith.cmpi eq, %shift_right_arithmetic3A_57, %eq3A_196 : i32
      %or3A_198 = arith.ori %eq3A_195, %eq3A_197 : i1
      %eq3A_199 = arith.constant 4 : i32
      %eq3A_200 = arith.cmpi eq, %shift_right_arithmetic3A_59, %eq3A_199 : i32
      %or3A_201 = arith.ori %or3A_198, %eq3A_200 : i1
      %eq3A_202 = arith.constant 4 : i32
      %eq3A_203 = arith.cmpi eq, %shift_right_arithmetic3A_61, %eq3A_202 : i32
      %or3A_204 = arith.ori %or3A_201, %eq3A_203 : i1
      %eq3A_205 = arith.constant 4 : i32
      %eq3A_206 = arith.cmpi eq, %shift_right_arithmetic3A_63, %eq3A_205 : i32
      %or3A_207 = arith.ori %or3A_204, %eq3A_206 : i1
      %eq3A_208 = arith.constant 4 : i32
      %eq3A_209 = arith.cmpi eq, %shift_right_arithmetic3A_65, %eq3A_208 : i32
      %or3A_210 = arith.ori %or3A_207, %eq3A_209 : i1
      %eq3A_211 = arith.constant 4 : i32
      %eq3A_212 = arith.cmpi eq, %shift_right_arithmetic3A_67, %eq3A_211 : i32
      %or3A_213 = arith.ori %or3A_210, %eq3A_212 : i1
      %eq3A_214 = arith.constant 4 : i32
      %eq3A_215 = arith.cmpi eq, %shift_right_arithmetic3A_69, %eq3A_214 : i32
      %or3A_216 = arith.ori %or3A_213, %eq3A_215 : i1
      %convert_element_type3A_217 = arith.extui %or3A_216 : i1 to i32
      %cond3A_218 = arith.constant 0 : i32
      %cond3A_219 = arith.cmpi ne, %convert_element_type3A_217, %cond3A_218 : i32
      scf.if %cond3A_219 {
        %dma_start3A = arith.constant 32 : i32
        %dma_start3A_1460 = arith.constant 0 : i32
        %dma_start3A_1461 = tpu.memref_slice %arg10[%dma_start3A, %dma_start3A_1460] : memref<128x128xf32, #tpu.memory_space<vmem>> -> memref<8x128xf32, #tpu.memory_space<vmem>>
        %dma_start3A_1462 = arith.constant 512 : i32
        %dma_start3A_1463 = tpu.memref_slice %arg2[%add3A_90, %dma_start3A_1462] : memref<16384x1000xf32, #tpu.memory_space<hbm>> -> memref<8x128xf32, #tpu.memory_space<hbm>>
        %dma_start3A_1464 = arith.constant 32 : i32
        %dma_start3A_1465 = arith.constant 0 : i32
        %dma_start3A_1466 = tpu.memref_slice %arg10[%dma_start3A_1464, %dma_start3A_1465] : memref<128x128xf32, #tpu.memory_space<vmem>> -> memref<8x128xf32, #tpu.memory_space<vmem>>
        %dma_start3A_1467 = arith.constant 512 : i32
        %dma_start3A_1468 = tpu.memref_slice %arg2[%add3A_90, %dma_start3A_1467] : memref<16384x1000xf32, #tpu.memory_space<hbm>> -> memref<8x128xf32, #tpu.memory_space<hbm>>
        tpu.enqueue_dma source(%dma_start3A_1468 : memref<8x128xf32, #tpu.memory_space<hbm>>) target(%dma_start3A_1466 : memref<8x128xf32, #tpu.memory_space<vmem>>) target_semaphore(%arg13 : memref<!tpu.dma_semaphore, #tpu.memory_space<semaphore_mem>>)
      } else {
      }
      %eq3A_220 = arith.constant 5 : i32
      %eq3A_221 = arith.cmpi eq, %shift_right_arithmetic3A_55, %eq3A_220 : i32
      %eq3A_222 = arith.constant 5 : i32
      %eq3A_223 = arith.cmpi eq, %shift_right_arithmetic3A_57, %eq3A_222 : i32
      %or3A_224 = arith.ori %eq3A_221, %eq3A_223 : i1
      %eq3A_225 = arith.constant 5 : i32
      %eq3A_226 = arith.cmpi eq, %shift_right_arithmetic3A_59, %eq3A_225 : i32
      %or3A_227 = arith.ori %or3A_224, %eq3A_226 : i1
      %eq3A_228 = arith.constant 5 : i32
      %eq3A_229 = arith.cmpi eq, %shift_right_arithmetic3A_61, %eq3A_228 : i32
      %or3A_230 = arith.ori %or3A_227, %eq3A_229 : i1
      %eq3A_231 = arith.constant 5 : i32
      %eq3A_232 = arith.cmpi eq, %shift_right_arithmetic3A_63, %eq3A_231 : i32
      %or3A_233 = arith.ori %or3A_230, %eq3A_232 : i1
      %eq3A_234 = arith.constant 5 : i32
      %eq3A_235 = arith.cmpi eq, %shift_right_arithmetic3A_65, %eq3A_234 : i32
      %or3A_236 = arith.ori %or3A_233, %eq3A_235 : i1
      %eq3A_237 = arith.constant 5 : i32
      %eq3A_238 = arith.cmpi eq, %shift_right_arithmetic3A_67, %eq3A_237 : i32
      %or3A_239 = arith.ori %or3A_236, %eq3A_238 : i1
      %eq3A_240 = arith.constant 5 : i32
      %eq3A_241 = arith.cmpi eq, %shift_right_arithmetic3A_69, %eq3A_240 : i32
      %or3A_242 = arith.ori %or3A_239, %eq3A_241 : i1
      %convert_element_type3A_243 = arith.extui %or3A_242 : i1 to i32
      %cond3A_244 = arith.constant 0 : i32
      %cond3A_245 = arith.cmpi ne, %convert_element_type3A_243, %cond3A_244 : i32
      scf.if %cond3A_245 {
        %dma_start3A = arith.constant 40 : i32
        %dma_start3A_1460 = arith.constant 0 : i32
        %dma_start3A_1461 = tpu.memref_slice %arg10[%dma_start3A, %dma_start3A_1460] : memref<128x128xf32, #tpu.memory_space<vmem>> -> memref<8x128xf32, #tpu.memory_space<vmem>>
        %dma_start3A_1462 = arith.constant 640 : i32
        %dma_start3A_1463 = tpu.memref_slice %arg2[%add3A_90, %dma_start3A_1462] : memref<16384x1000xf32, #tpu.memory_space<hbm>> -> memref<8x128xf32, #tpu.memory_space<hbm>>
        %dma_start3A_1464 = arith.constant 40 : i32
        %dma_start3A_1465 = arith.constant 0 : i32
        %dma_start3A_1466 = tpu.memref_slice %arg10[%dma_start3A_1464, %dma_start3A_1465] : memref<128x128xf32, #tpu.memory_space<vmem>> -> memref<8x128xf32, #tpu.memory_space<vmem>>
        %dma_start3A_1467 = arith.constant 640 : i32
        %dma_start3A_1468 = tpu.memref_slice %arg2[%add3A_90, %dma_start3A_1467] : memref<16384x1000xf32, #tpu.memory_space<hbm>> -> memref<8x128xf32, #tpu.memory_space<hbm>>
        tpu.enqueue_dma source(%dma_start3A_1468 : memref<8x128xf32, #tpu.memory_space<hbm>>) target(%dma_start3A_1466 : memref<8x128xf32, #tpu.memory_space<vmem>>) target_semaphore(%arg13 : memref<!tpu.dma_semaphore, #tpu.memory_space<semaphore_mem>>)
      } else {
      }
      %eq3A_246 = arith.constant 6 : i32
      %eq3A_247 = arith.cmpi eq, %shift_right_arithmetic3A_55, %eq3A_246 : i32
      %eq3A_248 = arith.constant 6 : i32
      %eq3A_249 = arith.cmpi eq, %shift_right_arithmetic3A_57, %eq3A_248 : i32
      %or3A_250 = arith.ori %eq3A_247, %eq3A_249 : i1
      %eq3A_251 = arith.constant 6 : i32
      %eq3A_252 = arith.cmpi eq, %shift_right_arithmetic3A_59, %eq3A_251 : i32
      %or3A_253 = arith.ori %or3A_250, %eq3A_252 : i1
      %eq3A_254 = arith.constant 6 : i32
      %eq3A_255 = arith.cmpi eq, %shift_right_arithmetic3A_61, %eq3A_254 : i32
      %or3A_256 = arith.ori %or3A_253, %eq3A_255 : i1
      %eq3A_257 = arith.constant 6 : i32
      %eq3A_258 = arith.cmpi eq, %shift_right_arithmetic3A_63, %eq3A_257 : i32
      %or3A_259 = arith.ori %or3A_256, %eq3A_258 : i1
      %eq3A_260 = arith.constant 6 : i32
      %eq3A_261 = arith.cmpi eq, %shift_right_arithmetic3A_65, %eq3A_260 : i32
      %or3A_262 = arith.ori %or3A_259, %eq3A_261 : i1
      %eq3A_263 = arith.constant 6 : i32
      %eq3A_264 = arith.cmpi eq, %shift_right_arithmetic3A_67, %eq3A_263 : i32
      %or3A_265 = arith.ori %or3A_262, %eq3A_264 : i1
      %eq3A_266 = arith.constant 6 : i32
      %eq3A_267 = arith.cmpi eq, %shift_right_arithmetic3A_69, %eq3A_266 : i32
      %or3A_268 = arith.ori %or3A_265, %eq3A_267 : i1
      %convert_element_type3A_269 = arith.extui %or3A_268 : i1 to i32
      %cond3A_270 = arith.constant 0 : i32
      %cond3A_271 = arith.cmpi ne, %convert_element_type3A_269, %cond3A_270 : i32
      scf.if %cond3A_271 {
        %dma_start3A = arith.constant 48 : i32
        %dma_start3A_1460 = arith.constant 0 : i32
        %dma_start3A_1461 = tpu.memref_slice %arg10[%dma_start3A, %dma_start3A_1460] : memref<128x128xf32, #tpu.memory_space<vmem>> -> memref<8x128xf32, #tpu.memory_space<vmem>>
        %dma_start3A_1462 = arith.constant 768 : i32
        %dma_start3A_1463 = tpu.memref_slice %arg2[%add3A_90, %dma_start3A_1462] : memref<16384x1000xf32, #tpu.memory_space<hbm>> -> memref<8x128xf32, #tpu.memory_space<hbm>>
        %dma_start3A_1464 = arith.constant 48 : i32
        %dma_start3A_1465 = arith.constant 0 : i32
        %dma_start3A_1466 = tpu.memref_slice %arg10[%dma_start3A_1464, %dma_start3A_1465] : memref<128x128xf32, #tpu.memory_space<vmem>> -> memref<8x128xf32, #tpu.memory_space<vmem>>
        %dma_start3A_1467 = arith.constant 768 : i32
        %dma_start3A_1468 = tpu.memref_slice %arg2[%add3A_90, %dma_start3A_1467] : memref<16384x1000xf32, #tpu.memory_space<hbm>> -> memref<8x128xf32, #tpu.memory_space<hbm>>
        tpu.enqueue_dma source(%dma_start3A_1468 : memref<8x128xf32, #tpu.memory_space<hbm>>) target(%dma_start3A_1466 : memref<8x128xf32, #tpu.memory_space<vmem>>) target_semaphore(%arg13 : memref<!tpu.dma_semaphore, #tpu.memory_space<semaphore_mem>>)
      } else {
      }
      %eq3A_272 = arith.constant 7 : i32
      %eq3A_273 = arith.cmpi eq, %shift_right_arithmetic3A_55, %eq3A_272 : i32
      %eq3A_274 = arith.constant 7 : i32
      %eq3A_275 = arith.cmpi eq, %shift_right_arithmetic3A_57, %eq3A_274 : i32
      %or3A_276 = arith.ori %eq3A_273, %eq3A_275 : i1
      %eq3A_277 = arith.constant 7 : i32
      %eq3A_278 = arith.cmpi eq, %shift_right_arithmetic3A_59, %eq3A_277 : i32
      %or3A_279 = arith.ori %or3A_276, %eq3A_278 : i1
      %eq3A_280 = arith.constant 7 : i32
      %eq3A_281 = arith.cmpi eq, %shift_right_arithmetic3A_61, %eq3A_280 : i32
      %or3A_282 = arith.ori %or3A_279, %eq3A_281 : i1
      %eq3A_283 = arith.constant 7 : i32
      %eq3A_284 = arith.cmpi eq, %shift_right_arithmetic3A_63, %eq3A_283 : i32
      %or3A_285 = arith.ori %or3A_282, %eq3A_284 : i1
      %eq3A_286 = arith.constant 7 : i32
      %eq3A_287 = arith.cmpi eq, %shift_right_arithmetic3A_65, %eq3A_286 : i32
      %or3A_288 = arith.ori %or3A_285, %eq3A_287 : i1
      %eq3A_289 = arith.constant 7 : i32
      %eq3A_290 = arith.cmpi eq, %shift_right_arithmetic3A_67, %eq3A_289 : i32
      %or3A_291 = arith.ori %or3A_288, %eq3A_290 : i1
      %eq3A_292 = arith.constant 7 : i32
      %eq3A_293 = arith.cmpi eq, %shift_right_arithmetic3A_69, %eq3A_292 : i32
      %or3A_294 = arith.ori %or3A_291, %eq3A_293 : i1
      %convert_element_type3A_295 = arith.extui %or3A_294 : i1 to i32
      %cond3A_296 = arith.constant 0 : i32
      %cond3A_297 = arith.cmpi ne, %convert_element_type3A_295, %cond3A_296 : i32
      scf.if %cond3A_297 {
        %dma_start3A = arith.constant 56 : i32
        %dma_start3A_1460 = arith.constant 0 : i32
        %dma_start3A_1461 = tpu.memref_slice %arg10[%dma_start3A, %dma_start3A_1460] : memref<128x128xf32, #tpu.memory_space<vmem>> -> memref<8x128xf32, #tpu.memory_space<vmem>>
        %dma_start3A_1462 = arith.constant 0 : i32
        %dma_start3A_1463 = tpu.memref_slice %arg3[%add3A_90, %dma_start3A_1462] : memref<16384x128xf32, #tpu.memory_space<hbm>> -> memref<8x128xf32, #tpu.memory_space<hbm>>
        %dma_start3A_1464 = arith.constant 56 : i32
        %dma_start3A_1465 = arith.constant 0 : i32
        %dma_start3A_1466 = tpu.memref_slice %arg10[%dma_start3A_1464, %dma_start3A_1465] : memref<128x128xf32, #tpu.memory_space<vmem>> -> memref<8x128xf32, #tpu.memory_space<vmem>>
        %dma_start3A_1467 = arith.constant 0 : i32
        %dma_start3A_1468 = tpu.memref_slice %arg3[%add3A_90, %dma_start3A_1467] : memref<16384x128xf32, #tpu.memory_space<hbm>> -> memref<8x128xf32, #tpu.memory_space<hbm>>
        tpu.enqueue_dma source(%dma_start3A_1468 : memref<8x128xf32, #tpu.memory_space<hbm>>) target(%dma_start3A_1466 : memref<8x128xf32, #tpu.memory_space<vmem>>) target_semaphore(%arg13 : memref<!tpu.dma_semaphore, #tpu.memory_space<semaphore_mem>>)
      } else {
      }
      %mul3A_298 = arith.constant 16 : i32
      %mul3A_299 = arith.muli %scan3A_14, %mul3A_298 : i32
      %add3A_300 = arith.addi %mul3A_2, %mul3A_299 : i32
      %add3A_301 = arith.constant 8 : i32
      %add3A_302 = arith.addi %add3A_300, %add3A_301 : i32
      %eq3A_303 = arith.constant 0 : i32
      %eq3A_304 = arith.cmpi eq, %shift_right_arithmetic3A_71, %eq3A_303 : i32
      %eq3A_305 = arith.constant 0 : i32
      %eq3A_306 = arith.cmpi eq, %shift_right_arithmetic3A_73, %eq3A_305 : i32
      %or3A_307 = arith.ori %eq3A_304, %eq3A_306 : i1
      %eq3A_308 = arith.constant 0 : i32
      %eq3A_309 = arith.cmpi eq, %shift_right_arithmetic3A_75, %eq3A_308 : i32
      %or3A_310 = arith.ori %or3A_307, %eq3A_309 : i1
      %eq3A_311 = arith.constant 0 : i32
      %eq3A_312 = arith.cmpi eq, %shift_right_arithmetic3A_77, %eq3A_311 : i32
      %or3A_313 = arith.ori %or3A_310, %eq3A_312 : i1
      %eq3A_314 = arith.constant 0 : i32
      %eq3A_315 = arith.cmpi eq, %shift_right_arithmetic3A_79, %eq3A_314 : i32
      %or3A_316 = arith.ori %or3A_313, %eq3A_315 : i1
      %eq3A_317 = arith.constant 0 : i32
      %eq3A_318 = arith.cmpi eq, %shift_right_arithmetic3A_81, %eq3A_317 : i32
      %or3A_319 = arith.ori %or3A_316, %eq3A_318 : i1
      %eq3A_320 = arith.constant 0 : i32
      %eq3A_321 = arith.cmpi eq, %shift_right_arithmetic3A_83, %eq3A_320 : i32
      %or3A_322 = arith.ori %or3A_319, %eq3A_321 : i1
      %eq3A_323 = arith.constant 0 : i32
      %eq3A_324 = arith.cmpi eq, %shift_right_arithmetic3A_85, %eq3A_323 : i32
      %or3A_325 = arith.ori %or3A_322, %eq3A_324 : i1
      %convert_element_type3A_326 = arith.extui %or3A_325 : i1 to i32
      %cond3A_327 = arith.constant 0 : i32
      %cond3A_328 = arith.cmpi ne, %convert_element_type3A_326, %cond3A_327 : i32
      scf.if %cond3A_328 {
        %dma_start3A = arith.constant 64 : i32
        %dma_start3A_1460 = arith.constant 0 : i32
        %dma_start3A_1461 = tpu.memref_slice %arg10[%dma_start3A, %dma_start3A_1460] : memref<128x128xf32, #tpu.memory_space<vmem>> -> memref<8x128xf32, #tpu.memory_space<vmem>>
        %dma_start3A_1462 = arith.constant 0 : i32
        %dma_start3A_1463 = tpu.memref_slice %arg2[%add3A_302, %dma_start3A_1462] : memref<16384x1000xf32, #tpu.memory_space<hbm>> -> memref<8x128xf32, #tpu.memory_space<hbm>>
        %dma_start3A_1464 = arith.constant 64 : i32
        %dma_start3A_1465 = arith.constant 0 : i32
        %dma_start3A_1466 = tpu.memref_slice %arg10[%dma_start3A_1464, %dma_start3A_1465] : memref<128x128xf32, #tpu.memory_space<vmem>> -> memref<8x128xf32, #tpu.memory_space<vmem>>
        %dma_start3A_1467 = arith.constant 0 : i32
        %dma_start3A_1468 = tpu.memref_slice %arg2[%add3A_302, %dma_start3A_1467] : memref<16384x1000xf32, #tpu.memory_space<hbm>> -> memref<8x128xf32, #tpu.memory_space<hbm>>
        tpu.enqueue_dma source(%dma_start3A_1468 : memref<8x128xf32, #tpu.memory_space<hbm>>) target(%dma_start3A_1466 : memref<8x128xf32, #tpu.memory_space<vmem>>) target_semaphore(%arg13 : memref<!tpu.dma_semaphore, #tpu.memory_space<semaphore_mem>>)
      } else {
      }
      %eq3A_329 = arith.constant 1 : i32
      %eq3A_330 = arith.cmpi eq, %shift_right_arithmetic3A_71, %eq3A_329 : i32
      %eq3A_331 = arith.constant 1 : i32
      %eq3A_332 = arith.cmpi eq, %shift_right_arithmetic3A_73, %eq3A_331 : i32
      %or3A_333 = arith.ori %eq3A_330, %eq3A_332 : i1
      %eq3A_334 = arith.constant 1 : i32
      %eq3A_335 = arith.cmpi eq, %shift_right_arithmetic3A_75, %eq3A_334 : i32
      %or3A_336 = arith.ori %or3A_333, %eq3A_335 : i1
      %eq3A_337 = arith.constant 1 : i32
      %eq3A_338 = arith.cmpi eq, %shift_right_arithmetic3A_77, %eq3A_337 : i32
      %or3A_339 = arith.ori %or3A_336, %eq3A_338 : i1
      %eq3A_340 = arith.constant 1 : i32
      %eq3A_341 = arith.cmpi eq, %shift_right_arithmetic3A_79, %eq3A_340 : i32
      %or3A_342 = arith.ori %or3A_339, %eq3A_341 : i1
      %eq3A_343 = arith.constant 1 : i32
      %eq3A_344 = arith.cmpi eq, %shift_right_arithmetic3A_81, %eq3A_343 : i32
      %or3A_345 = arith.ori %or3A_342, %eq3A_344 : i1
      %eq3A_346 = arith.constant 1 : i32
      %eq3A_347 = arith.cmpi eq, %shift_right_arithmetic3A_83, %eq3A_346 : i32
      %or3A_348 = arith.ori %or3A_345, %eq3A_347 : i1
      %eq3A_349 = arith.constant 1 : i32
      %eq3A_350 = arith.cmpi eq, %shift_right_arithmetic3A_85, %eq3A_349 : i32
      %or3A_351 = arith.ori %or3A_348, %eq3A_350 : i1
      %convert_element_type3A_352 = arith.extui %or3A_351 : i1 to i32
      %cond3A_353 = arith.constant 0 : i32
      %cond3A_354 = arith.cmpi ne, %convert_element_type3A_352, %cond3A_353 : i32
      scf.if %cond3A_354 {
        %dma_start3A = arith.constant 72 : i32
        %dma_start3A_1460 = arith.constant 0 : i32
        %dma_start3A_1461 = tpu.memref_slice %arg10[%dma_start3A, %dma_start3A_1460] : memref<128x128xf32, #tpu.memory_space<vmem>> -> memref<8x128xf32, #tpu.memory_space<vmem>>
        %dma_start3A_1462 = arith.constant 128 : i32
        %dma_start3A_1463 = tpu.memref_slice %arg2[%add3A_302, %dma_start3A_1462] : memref<16384x1000xf32, #tpu.memory_space<hbm>> -> memref<8x128xf32, #tpu.memory_space<hbm>>
        %dma_start3A_1464 = arith.constant 72 : i32
        %dma_start3A_1465 = arith.constant 0 : i32
        %dma_start3A_1466 = tpu.memref_slice %arg10[%dma_start3A_1464, %dma_start3A_1465] : memref<128x128xf32, #tpu.memory_space<vmem>> -> memref<8x128xf32, #tpu.memory_space<vmem>>
        %dma_start3A_1467 = arith.constant 128 : i32
        %dma_start3A_1468 = tpu.memref_slice %arg2[%add3A_302, %dma_start3A_1467] : memref<16384x1000xf32, #tpu.memory_space<hbm>> -> memref<8x128xf32, #tpu.memory_space<hbm>>
        tpu.enqueue_dma source(%dma_start3A_1468 : memref<8x128xf32, #tpu.memory_space<hbm>>) target(%dma_start3A_1466 : memref<8x128xf32, #tpu.memory_space<vmem>>) target_semaphore(%arg13 : memref<!tpu.dma_semaphore, #tpu.memory_space<semaphore_mem>>)
      } else {
      }
      %eq3A_355 = arith.constant 2 : i32
      %eq3A_356 = arith.cmpi eq, %shift_right_arithmetic3A_71, %eq3A_355 : i32
      %eq3A_357 = arith.constant 2 : i32
      %eq3A_358 = arith.cmpi eq, %shift_right_arithmetic3A_73, %eq3A_357 : i32
      %or3A_359 = arith.ori %eq3A_356, %eq3A_358 : i1
      %eq3A_360 = arith.constant 2 : i32
      %eq3A_361 = arith.cmpi eq, %shift_right_arithmetic3A_75, %eq3A_360 : i32
      %or3A_362 = arith.ori %or3A_359, %eq3A_361 : i1
      %eq3A_363 = arith.constant 2 : i32
      %eq3A_364 = arith.cmpi eq, %shift_right_arithmetic3A_77, %eq3A_363 : i32
      %or3A_365 = arith.ori %or3A_362, %eq3A_364 : i1
      %eq3A_366 = arith.constant 2 : i32
      %eq3A_367 = arith.cmpi eq, %shift_right_arithmetic3A_79, %eq3A_366 : i32
      %or3A_368 = arith.ori %or3A_365, %eq3A_367 : i1
      %eq3A_369 = arith.constant 2 : i32
      %eq3A_370 = arith.cmpi eq, %shift_right_arithmetic3A_81, %eq3A_369 : i32
      %or3A_371 = arith.ori %or3A_368, %eq3A_370 : i1
      %eq3A_372 = arith.constant 2 : i32
      %eq3A_373 = arith.cmpi eq, %shift_right_arithmetic3A_83, %eq3A_372 : i32
      %or3A_374 = arith.ori %or3A_371, %eq3A_373 : i1
      %eq3A_375 = arith.constant 2 : i32
      %eq3A_376 = arith.cmpi eq, %shift_right_arithmetic3A_85, %eq3A_375 : i32
      %or3A_377 = arith.ori %or3A_374, %eq3A_376 : i1
      %convert_element_type3A_378 = arith.extui %or3A_377 : i1 to i32
      %cond3A_379 = arith.constant 0 : i32
      %cond3A_380 = arith.cmpi ne, %convert_element_type3A_378, %cond3A_379 : i32
      scf.if %cond3A_380 {
        %dma_start3A = arith.constant 80 : i32
        %dma_start3A_1460 = arith.constant 0 : i32
        %dma_start3A_1461 = tpu.memref_slice %arg10[%dma_start3A, %dma_start3A_1460] : memref<128x128xf32, #tpu.memory_space<vmem>> -> memref<8x128xf32, #tpu.memory_space<vmem>>
        %dma_start3A_1462 = arith.constant 256 : i32
        %dma_start3A_1463 = tpu.memref_slice %arg2[%add3A_302, %dma_start3A_1462] : memref<16384x1000xf32, #tpu.memory_space<hbm>> -> memref<8x128xf32, #tpu.memory_space<hbm>>
        %dma_start3A_1464 = arith.constant 80 : i32
        %dma_start3A_1465 = arith.constant 0 : i32
        %dma_start3A_1466 = tpu.memref_slice %arg10[%dma_start3A_1464, %dma_start3A_1465] : memref<128x128xf32, #tpu.memory_space<vmem>> -> memref<8x128xf32, #tpu.memory_space<vmem>>
        %dma_start3A_1467 = arith.constant 256 : i32
        %dma_start3A_1468 = tpu.memref_slice %arg2[%add3A_302, %dma_start3A_1467] : memref<16384x1000xf32, #tpu.memory_space<hbm>> -> memref<8x128xf32, #tpu.memory_space<hbm>>
        tpu.enqueue_dma source(%dma_start3A_1468 : memref<8x128xf32, #tpu.memory_space<hbm>>) target(%dma_start3A_1466 : memref<8x128xf32, #tpu.memory_space<vmem>>) target_semaphore(%arg13 : memref<!tpu.dma_semaphore, #tpu.memory_space<semaphore_mem>>)
      } else {
      }
      %eq3A_381 = arith.constant 3 : i32
      %eq3A_382 = arith.cmpi eq, %shift_right_arithmetic3A_71, %eq3A_381 : i32
      %eq3A_383 = arith.constant 3 : i32
      %eq3A_384 = arith.cmpi eq, %shift_right_arithmetic3A_73, %eq3A_383 : i32
      %or3A_385 = arith.ori %eq3A_382, %eq3A_384 : i1
      %eq3A_386 = arith.constant 3 : i32
      %eq3A_387 = arith.cmpi eq, %shift_right_arithmetic3A_75, %eq3A_386 : i32
      %or3A_388 = arith.ori %or3A_385, %eq3A_387 : i1
      %eq3A_389 = arith.constant 3 : i32
      %eq3A_390 = arith.cmpi eq, %shift_right_arithmetic3A_77, %eq3A_389 : i32
      %or3A_391 = arith.ori %or3A_388, %eq3A_390 : i1
      %eq3A_392 = arith.constant 3 : i32
      %eq3A_393 = arith.cmpi eq, %shift_right_arithmetic3A_79, %eq3A_392 : i32
      %or3A_394 = arith.ori %or3A_391, %eq3A_393 : i1
      %eq3A_395 = arith.constant 3 : i32
      %eq3A_396 = arith.cmpi eq, %shift_right_arithmetic3A_81, %eq3A_395 : i32
      %or3A_397 = arith.ori %or3A_394, %eq3A_396 : i1
      %eq3A_398 = arith.constant 3 : i32
      %eq3A_399 = arith.cmpi eq, %shift_right_arithmetic3A_83, %eq3A_398 : i32
      %or3A_400 = arith.ori %or3A_397, %eq3A_399 : i1
      %eq3A_401 = arith.constant 3 : i32
      %eq3A_402 = arith.cmpi eq, %shift_right_arithmetic3A_85, %eq3A_401 : i32
      %or3A_403 = arith.ori %or3A_400, %eq3A_402 : i1
      %convert_element_type3A_404 = arith.extui %or3A_403 : i1 to i32
      %cond3A_405 = arith.constant 0 : i32
      %cond3A_406 = arith.cmpi ne, %convert_element_type3A_404, %cond3A_405 : i32
      scf.if %cond3A_406 {
        %dma_start3A = arith.constant 88 : i32
        %dma_start3A_1460 = arith.constant 0 : i32
        %dma_start3A_1461 = tpu.memref_slice %arg10[%dma_start3A, %dma_start3A_1460] : memref<128x128xf32, #tpu.memory_space<vmem>> -> memref<8x128xf32, #tpu.memory_space<vmem>>
        %dma_start3A_1462 = arith.constant 384 : i32
        %dma_start3A_1463 = tpu.memref_slice %arg2[%add3A_302, %dma_start3A_1462] : memref<16384x1000xf32, #tpu.memory_space<hbm>> -> memref<8x128xf32, #tpu.memory_space<hbm>>
        %dma_start3A_1464 = arith.constant 88 : i32
        %dma_start3A_1465 = arith.constant 0 : i32
        %dma_start3A_1466 = tpu.memref_slice %arg10[%dma_start3A_1464, %dma_start3A_1465] : memref<128x128xf32, #tpu.memory_space<vmem>> -> memref<8x128xf32, #tpu.memory_space<vmem>>
        %dma_start3A_1467 = arith.constant 384 : i32
        %dma_start3A_1468 = tpu.memref_slice %arg2[%add3A_302, %dma_start3A_1467] : memref<16384x1000xf32, #tpu.memory_space<hbm>> -> memref<8x128xf32, #tpu.memory_space<hbm>>
        tpu.enqueue_dma source(%dma_start3A_1468 : memref<8x128xf32, #tpu.memory_space<hbm>>) target(%dma_start3A_1466 : memref<8x128xf32, #tpu.memory_space<vmem>>) target_semaphore(%arg13 : memref<!tpu.dma_semaphore, #tpu.memory_space<semaphore_mem>>)
      } else {
      }
      %eq3A_407 = arith.constant 4 : i32
      %eq3A_408 = arith.cmpi eq, %shift_right_arithmetic3A_71, %eq3A_407 : i32
      %eq3A_409 = arith.constant 4 : i32
      %eq3A_410 = arith.cmpi eq, %shift_right_arithmetic3A_73, %eq3A_409 : i32
      %or3A_411 = arith.ori %eq3A_408, %eq3A_410 : i1
      %eq3A_412 = arith.constant 4 : i32
      %eq3A_413 = arith.cmpi eq, %shift_right_arithmetic3A_75, %eq3A_412 : i32
      %or3A_414 = arith.ori %or3A_411, %eq3A_413 : i1
      %eq3A_415 = arith.constant 4 : i32
      %eq3A_416 = arith.cmpi eq, %shift_right_arithmetic3A_77, %eq3A_415 : i32
      %or3A_417 = arith.ori %or3A_414, %eq3A_416 : i1
      %eq3A_418 = arith.constant 4 : i32
      %eq3A_419 = arith.cmpi eq, %shift_right_arithmetic3A_79, %eq3A_418 : i32
      %or3A_420 = arith.ori %or3A_417, %eq3A_419 : i1
      %eq3A_421 = arith.constant 4 : i32
      %eq3A_422 = arith.cmpi eq, %shift_right_arithmetic3A_81, %eq3A_421 : i32
      %or3A_423 = arith.ori %or3A_420, %eq3A_422 : i1
      %eq3A_424 = arith.constant 4 : i32
      %eq3A_425 = arith.cmpi eq, %shift_right_arithmetic3A_83, %eq3A_424 : i32
      %or3A_426 = arith.ori %or3A_423, %eq3A_425 : i1
      %eq3A_427 = arith.constant 4 : i32
      %eq3A_428 = arith.cmpi eq, %shift_right_arithmetic3A_85, %eq3A_427 : i32
      %or3A_429 = arith.ori %or3A_426, %eq3A_428 : i1
      %convert_element_type3A_430 = arith.extui %or3A_429 : i1 to i32
      %cond3A_431 = arith.constant 0 : i32
      %cond3A_432 = arith.cmpi ne, %convert_element_type3A_430, %cond3A_431 : i32
      scf.if %cond3A_432 {
        %dma_start3A = arith.constant 96 : i32
        %dma_start3A_1460 = arith.constant 0 : i32
        %dma_start3A_1461 = tpu.memref_slice %arg10[%dma_start3A, %dma_start3A_1460] : memref<128x128xf32, #tpu.memory_space<vmem>> -> memref<8x128xf32, #tpu.memory_space<vmem>>
        %dma_start3A_1462 = arith.constant 512 : i32
        %dma_start3A_1463 = tpu.memref_slice %arg2[%add3A_302, %dma_start3A_1462] : memref<16384x1000xf32, #tpu.memory_space<hbm>> -> memref<8x128xf32, #tpu.memory_space<hbm>>
        %dma_start3A_1464 = arith.constant 96 : i32
        %dma_start3A_1465 = arith.constant 0 : i32
        %dma_start3A_1466 = tpu.memref_slice %arg10[%dma_start3A_1464, %dma_start3A_1465] : memref<128x128xf32, #tpu.memory_space<vmem>> -> memref<8x128xf32, #tpu.memory_space<vmem>>
        %dma_start3A_1467 = arith.constant 512 : i32
        %dma_start3A_1468 = tpu.memref_slice %arg2[%add3A_302, %dma_start3A_1467] : memref<16384x1000xf32, #tpu.memory_space<hbm>> -> memref<8x128xf32, #tpu.memory_space<hbm>>
        tpu.enqueue_dma source(%dma_start3A_1468 : memref<8x128xf32, #tpu.memory_space<hbm>>) target(%dma_start3A_1466 : memref<8x128xf32, #tpu.memory_space<vmem>>) target_semaphore(%arg13 : memref<!tpu.dma_semaphore, #tpu.memory_space<semaphore_mem>>)
      } else {
      }
      %eq3A_433 = arith.constant 5 : i32
      %eq3A_434 = arith.cmpi eq, %shift_right_arithmetic3A_71, %eq3A_433 : i32
      %eq3A_435 = arith.constant 5 : i32
      %eq3A_436 = arith.cmpi eq, %shift_right_arithmetic3A_73, %eq3A_435 : i32
      %or3A_437 = arith.ori %eq3A_434, %eq3A_436 : i1
      %eq3A_438 = arith.constant 5 : i32
      %eq3A_439 = arith.cmpi eq, %shift_right_arithmetic3A_75, %eq3A_438 : i32
      %or3A_440 = arith.ori %or3A_437, %eq3A_439 : i1
      %eq3A_441 = arith.constant 5 : i32
      %eq3A_442 = arith.cmpi eq, %shift_right_arithmetic3A_77, %eq3A_441 : i32
      %or3A_443 = arith.ori %or3A_440, %eq3A_442 : i1
      %eq3A_444 = arith.constant 5 : i32
      %eq3A_445 = arith.cmpi eq, %shift_right_arithmetic3A_79, %eq3A_444 : i32
      %or3A_446 = arith.ori %or3A_443, %eq3A_445 : i1
      %eq3A_447 = arith.constant 5 : i32
      %eq3A_448 = arith.cmpi eq, %shift_right_arithmetic3A_81, %eq3A_447 : i32
      %or3A_449 = arith.ori %or3A_446, %eq3A_448 : i1
      %eq3A_450 = arith.constant 5 : i32
      %eq3A_451 = arith.cmpi eq, %shift_right_arithmetic3A_83, %eq3A_450 : i32
      %or3A_452 = arith.ori %or3A_449, %eq3A_451 : i1
      %eq3A_453 = arith.constant 5 : i32
      %eq3A_454 = arith.cmpi eq, %shift_right_arithmetic3A_85, %eq3A_453 : i32
      %or3A_455 = arith.ori %or3A_452, %eq3A_454 : i1
      %convert_element_type3A_456 = arith.extui %or3A_455 : i1 to i32
      %cond3A_457 = arith.constant 0 : i32
      %cond3A_458 = arith.cmpi ne, %convert_element_type3A_456, %cond3A_457 : i32
      scf.if %cond3A_458 {
        %dma_start3A = arith.constant 104 : i32
        %dma_start3A_1460 = arith.constant 0 : i32
        %dma_start3A_1461 = tpu.memref_slice %arg10[%dma_start3A, %dma_start3A_1460] : memref<128x128xf32, #tpu.memory_space<vmem>> -> memref<8x128xf32, #tpu.memory_space<vmem>>
        %dma_start3A_1462 = arith.constant 640 : i32
        %dma_start3A_1463 = tpu.memref_slice %arg2[%add3A_302, %dma_start3A_1462] : memref<16384x1000xf32, #tpu.memory_space<hbm>> -> memref<8x128xf32, #tpu.memory_space<hbm>>
        %dma_start3A_1464 = arith.constant 104 : i32
        %dma_start3A_1465 = arith.constant 0 : i32
        %dma_start3A_1466 = tpu.memref_slice %arg10[%dma_start3A_1464, %dma_start3A_1465] : memref<128x128xf32, #tpu.memory_space<vmem>> -> memref<8x128xf32, #tpu.memory_space<vmem>>
        %dma_start3A_1467 = arith.constant 640 : i32
        %dma_start3A_1468 = tpu.memref_slice %arg2[%add3A_302, %dma_start3A_1467] : memref<16384x1000xf32, #tpu.memory_space<hbm>> -> memref<8x128xf32, #tpu.memory_space<hbm>>
        tpu.enqueue_dma source(%dma_start3A_1468 : memref<8x128xf32, #tpu.memory_space<hbm>>) target(%dma_start3A_1466 : memref<8x128xf32, #tpu.memory_space<vmem>>) target_semaphore(%arg13 : memref<!tpu.dma_semaphore, #tpu.memory_space<semaphore_mem>>)
      } else {
      }
      %eq3A_459 = arith.constant 6 : i32
      %eq3A_460 = arith.cmpi eq, %shift_right_arithmetic3A_71, %eq3A_459 : i32
      %eq3A_461 = arith.constant 6 : i32
      %eq3A_462 = arith.cmpi eq, %shift_right_arithmetic3A_73, %eq3A_461 : i32
      %or3A_463 = arith.ori %eq3A_460, %eq3A_462 : i1
      %eq3A_464 = arith.constant 6 : i32
      %eq3A_465 = arith.cmpi eq, %shift_right_arithmetic3A_75, %eq3A_464 : i32
      %or3A_466 = arith.ori %or3A_463, %eq3A_465 : i1
      %eq3A_467 = arith.constant 6 : i32
      %eq3A_468 = arith.cmpi eq, %shift_right_arithmetic3A_77, %eq3A_467 : i32
      %or3A_469 = arith.ori %or3A_466, %eq3A_468 : i1
      %eq3A_470 = arith.constant 6 : i32
      %eq3A_471 = arith.cmpi eq, %shift_right_arithmetic3A_79, %eq3A_470 : i32
      %or3A_472 = arith.ori %or3A_469, %eq3A_471 : i1
      %eq3A_473 = arith.constant 6 : i32
      %eq3A_474 = arith.cmpi eq, %shift_right_arithmetic3A_81, %eq3A_473 : i32
      %or3A_475 = arith.ori %or3A_472, %eq3A_474 : i1
      %eq3A_476 = arith.constant 6 : i32
      %eq3A_477 = arith.cmpi eq, %shift_right_arithmetic3A_83, %eq3A_476 : i32
      %or3A_478 = arith.ori %or3A_475, %eq3A_477 : i1
      %eq3A_479 = arith.constant 6 : i32
      %eq3A_480 = arith.cmpi eq, %shift_right_arithmetic3A_85, %eq3A_479 : i32
      %or3A_481 = arith.ori %or3A_478, %eq3A_480 : i1
      %convert_element_type3A_482 = arith.extui %or3A_481 : i1 to i32
      %cond3A_483 = arith.constant 0 : i32
      %cond3A_484 = arith.cmpi ne, %convert_element_type3A_482, %cond3A_483 : i32
      scf.if %cond3A_484 {
        %dma_start3A = arith.constant 112 : i32
        %dma_start3A_1460 = arith.constant 0 : i32
        %dma_start3A_1461 = tpu.memref_slice %arg10[%dma_start3A, %dma_start3A_1460] : memref<128x128xf32, #tpu.memory_space<vmem>> -> memref<8x128xf32, #tpu.memory_space<vmem>>
        %dma_start3A_1462 = arith.constant 768 : i32
        %dma_start3A_1463 = tpu.memref_slice %arg2[%add3A_302, %dma_start3A_1462] : memref<16384x1000xf32, #tpu.memory_space<hbm>> -> memref<8x128xf32, #tpu.memory_space<hbm>>
        %dma_start3A_1464 = arith.constant 112 : i32
        %dma_start3A_1465 = arith.constant 0 : i32
        %dma_start3A_1466 = tpu.memref_slice %arg10[%dma_start3A_1464, %dma_start3A_1465] : memref<128x128xf32, #tpu.memory_space<vmem>> -> memref<8x128xf32, #tpu.memory_space<vmem>>
        %dma_start3A_1467 = arith.constant 768 : i32
        %dma_start3A_1468 = tpu.memref_slice %arg2[%add3A_302, %dma_start3A_1467] : memref<16384x1000xf32, #tpu.memory_space<hbm>> -> memref<8x128xf32, #tpu.memory_space<hbm>>
        tpu.enqueue_dma source(%dma_start3A_1468 : memref<8x128xf32, #tpu.memory_space<hbm>>) target(%dma_start3A_1466 : memref<8x128xf32, #tpu.memory_space<vmem>>) target_semaphore(%arg13 : memref<!tpu.dma_semaphore, #tpu.memory_space<semaphore_mem>>)
      } else {
      }
      %eq3A_485 = arith.constant 7 : i32
      %eq3A_486 = arith.cmpi eq, %shift_right_arithmetic3A_71, %eq3A_485 : i32
      %eq3A_487 = arith.constant 7 : i32
      %eq3A_488 = arith.cmpi eq, %shift_right_arithmetic3A_73, %eq3A_487 : i32
      %or3A_489 = arith.ori %eq3A_486, %eq3A_488 : i1
      %eq3A_490 = arith.constant 7 : i32
      %eq3A_491 = arith.cmpi eq, %shift_right_arithmetic3A_75, %eq3A_490 : i32
      %or3A_492 = arith.ori %or3A_489, %eq3A_491 : i1
      %eq3A_493 = arith.constant 7 : i32
      %eq3A_494 = arith.cmpi eq, %shift_right_arithmetic3A_77, %eq3A_493 : i32
      %or3A_495 = arith.ori %or3A_492, %eq3A_494 : i1
      %eq3A_496 = arith.constant 7 : i32
      %eq3A_497 = arith.cmpi eq, %shift_right_arithmetic3A_79, %eq3A_496 : i32
      %or3A_498 = arith.ori %or3A_495, %eq3A_497 : i1
      %eq3A_499 = arith.constant 7 : i32
      %eq3A_500 = arith.cmpi eq, %shift_right_arithmetic3A_81, %eq3A_499 : i32
      %or3A_501 = arith.ori %or3A_498, %eq3A_500 : i1
      %eq3A_502 = arith.constant 7 : i32
      %eq3A_503 = arith.cmpi eq, %shift_right_arithmetic3A_83, %eq3A_502 : i32
      %or3A_504 = arith.ori %or3A_501, %eq3A_503 : i1
      %eq3A_505 = arith.constant 7 : i32
      %eq3A_506 = arith.cmpi eq, %shift_right_arithmetic3A_85, %eq3A_505 : i32
      %or3A_507 = arith.ori %or3A_504, %eq3A_506 : i1
      %convert_element_type3A_508 = arith.extui %or3A_507 : i1 to i32
      %cond3A_509 = arith.constant 0 : i32
      %cond3A_510 = arith.cmpi ne, %convert_element_type3A_508, %cond3A_509 : i32
      scf.if %cond3A_510 {
        %dma_start3A = arith.constant 120 : i32
        %dma_start3A_1460 = arith.constant 0 : i32
        %dma_start3A_1461 = tpu.memref_slice %arg10[%dma_start3A, %dma_start3A_1460] : memref<128x128xf32, #tpu.memory_space<vmem>> -> memref<8x128xf32, #tpu.memory_space<vmem>>
        %dma_start3A_1462 = arith.constant 0 : i32
        %dma_start3A_1463 = tpu.memref_slice %arg3[%add3A_302, %dma_start3A_1462] : memref<16384x128xf32, #tpu.memory_space<hbm>> -> memref<8x128xf32, #tpu.memory_space<hbm>>
        %dma_start3A_1464 = arith.constant 120 : i32
        %dma_start3A_1465 = arith.constant 0 : i32
        %dma_start3A_1466 = tpu.memref_slice %arg10[%dma_start3A_1464, %dma_start3A_1465] : memref<128x128xf32, #tpu.memory_space<vmem>> -> memref<8x128xf32, #tpu.memory_space<vmem>>
        %dma_start3A_1467 = arith.constant 0 : i32
        %dma_start3A_1468 = tpu.memref_slice %arg3[%add3A_302, %dma_start3A_1467] : memref<16384x128xf32, #tpu.memory_space<hbm>> -> memref<8x128xf32, #tpu.memory_space<hbm>>
        tpu.enqueue_dma source(%dma_start3A_1468 : memref<8x128xf32, #tpu.memory_space<hbm>>) target(%dma_start3A_1466 : memref<8x128xf32, #tpu.memory_space<vmem>>) target_semaphore(%arg13 : memref<!tpu.dma_semaphore, #tpu.memory_space<semaphore_mem>>)
      } else {
      }
      %mul3A_511 = arith.constant 16 : i32
      %mul3A_512 = arith.muli %scan3A_14, %mul3A_511 : i32
      %add3A_513 = arith.addi %mul3A_2, %mul3A_512 : i32
      %add3A_514 = arith.constant 0 : i32
      %add3A_515 = arith.addi %add3A_513, %add3A_514 : i32
      %eq3A_516 = arith.constant 0 : i32
      %eq3A_517 = arith.cmpi eq, %shift_right_arithmetic3A_55, %eq3A_516 : i32
      %eq3A_518 = arith.constant 0 : i32
      %eq3A_519 = arith.cmpi eq, %shift_right_arithmetic3A_57, %eq3A_518 : i32
      %or3A_520 = arith.ori %eq3A_517, %eq3A_519 : i1
      %eq3A_521 = arith.constant 0 : i32
      %eq3A_522 = arith.cmpi eq, %shift_right_arithmetic3A_59, %eq3A_521 : i32
      %or3A_523 = arith.ori %or3A_520, %eq3A_522 : i1
      %eq3A_524 = arith.constant 0 : i32
      %eq3A_525 = arith.cmpi eq, %shift_right_arithmetic3A_61, %eq3A_524 : i32
      %or3A_526 = arith.ori %or3A_523, %eq3A_525 : i1
      %eq3A_527 = arith.constant 0 : i32
      %eq3A_528 = arith.cmpi eq, %shift_right_arithmetic3A_63, %eq3A_527 : i32
      %or3A_529 = arith.ori %or3A_526, %eq3A_528 : i1
      %eq3A_530 = arith.constant 0 : i32
      %eq3A_531 = arith.cmpi eq, %shift_right_arithmetic3A_65, %eq3A_530 : i32
      %or3A_532 = arith.ori %or3A_529, %eq3A_531 : i1
      %eq3A_533 = arith.constant 0 : i32
      %eq3A_534 = arith.cmpi eq, %shift_right_arithmetic3A_67, %eq3A_533 : i32
      %or3A_535 = arith.ori %or3A_532, %eq3A_534 : i1
      %eq3A_536 = arith.constant 0 : i32
      %eq3A_537 = arith.cmpi eq, %shift_right_arithmetic3A_69, %eq3A_536 : i32
      %or3A_538 = arith.ori %or3A_535, %eq3A_537 : i1
      %convert_element_type3A_539 = arith.extui %or3A_538 : i1 to i32
      %cond3A_540 = arith.constant 0 : i32
      %cond3A_541 = arith.cmpi ne, %convert_element_type3A_539, %cond3A_540 : i32
      scf.if %cond3A_541 {
        %dma_wait3A = arith.constant 0 : i32
        %dma_wait3A_1460 = arith.constant 0 : i32
        %dma_wait3A_1461 = tpu.memref_slice %arg10[%dma_wait3A, %dma_wait3A_1460] : memref<128x128xf32, #tpu.memory_space<vmem>> -> memref<8x128xf32, #tpu.memory_space<vmem>>
        %dma_wait3A_1462 = arith.constant 0 : i32
        %dma_wait3A_1463 = tpu.memref_slice %arg2[%add3A_515, %dma_wait3A_1462] : memref<16384x1000xf32, #tpu.memory_space<hbm>> -> memref<8x128xf32, #tpu.memory_space<hbm>>
        %dma_wait3A_1464 = arith.constant 0 : i32
        %dma_wait3A_1465 = arith.constant 0 : i32
        %dma_wait3A_1466 = tpu.memref_slice %arg10[%dma_wait3A_1464, %dma_wait3A_1465] : memref<128x128xf32, #tpu.memory_space<vmem>> -> memref<8x128xf32, #tpu.memory_space<vmem>>
        %dma_wait3A_1467 = arith.constant 0 : i32
        %dma_wait3A_1468 = tpu.memref_slice %arg2[%add3A_515, %dma_wait3A_1467] : memref<16384x1000xf32, #tpu.memory_space<hbm>> -> memref<8x128xf32, #tpu.memory_space<hbm>>
        tpu.wait_dma2 semaphore(%arg13 : memref<!tpu.dma_semaphore, #tpu.memory_space<semaphore_mem>>) src(%dma_wait3A_1468 : memref<8x128xf32, #tpu.memory_space<hbm>>) dst(%dma_wait3A_1466 : memref<8x128xf32, #tpu.memory_space<vmem>>)
      } else {
      }
      %eq3A_542 = arith.constant 1 : i32
      %eq3A_543 = arith.cmpi eq, %shift_right_arithmetic3A_55, %eq3A_542 : i32
      %eq3A_544 = arith.constant 1 : i32
      %eq3A_545 = arith.cmpi eq, %shift_right_arithmetic3A_57, %eq3A_544 : i32
      %or3A_546 = arith.ori %eq3A_543, %eq3A_545 : i1
      %eq3A_547 = arith.constant 1 : i32
      %eq3A_548 = arith.cmpi eq, %shift_right_arithmetic3A_59, %eq3A_547 : i32
      %or3A_549 = arith.ori %or3A_546, %eq3A_548 : i1
      %eq3A_550 = arith.constant 1 : i32
      %eq3A_551 = arith.cmpi eq, %shift_right_arithmetic3A_61, %eq3A_550 : i32
      %or3A_552 = arith.ori %or3A_549, %eq3A_551 : i1
      %eq3A_553 = arith.constant 1 : i32
      %eq3A_554 = arith.cmpi eq, %shift_right_arithmetic3A_63, %eq3A_553 : i32
      %or3A_555 = arith.ori %or3A_552, %eq3A_554 : i1
      %eq3A_556 = arith.constant 1 : i32
      %eq3A_557 = arith.cmpi eq, %shift_right_arithmetic3A_65, %eq3A_556 : i32
      %or3A_558 = arith.ori %or3A_555, %eq3A_557 : i1
      %eq3A_559 = arith.constant 1 : i32
      %eq3A_560 = arith.cmpi eq, %shift_right_arithmetic3A_67, %eq3A_559 : i32
      %or3A_561 = arith.ori %or3A_558, %eq3A_560 : i1
      %eq3A_562 = arith.constant 1 : i32
      %eq3A_563 = arith.cmpi eq, %shift_right_arithmetic3A_69, %eq3A_562 : i32
      %or3A_564 = arith.ori %or3A_561, %eq3A_563 : i1
      %convert_element_type3A_565 = arith.extui %or3A_564 : i1 to i32
      %cond3A_566 = arith.constant 0 : i32
      %cond3A_567 = arith.cmpi ne, %convert_element_type3A_565, %cond3A_566 : i32
      scf.if %cond3A_567 {
        %dma_wait3A = arith.constant 8 : i32
        %dma_wait3A_1460 = arith.constant 0 : i32
        %dma_wait3A_1461 = tpu.memref_slice %arg10[%dma_wait3A, %dma_wait3A_1460] : memref<128x128xf32, #tpu.memory_space<vmem>> -> memref<8x128xf32, #tpu.memory_space<vmem>>
        %dma_wait3A_1462 = arith.constant 128 : i32
        %dma_wait3A_1463 = tpu.memref_slice %arg2[%add3A_515, %dma_wait3A_1462] : memref<16384x1000xf32, #tpu.memory_space<hbm>> -> memref<8x128xf32, #tpu.memory_space<hbm>>
        %dma_wait3A_1464 = arith.constant 8 : i32
        %dma_wait3A_1465 = arith.constant 0 : i32
        %dma_wait3A_1466 = tpu.memref_slice %arg10[%dma_wait3A_1464, %dma_wait3A_1465] : memref<128x128xf32, #tpu.memory_space<vmem>> -> memref<8x128xf32, #tpu.memory_space<vmem>>
        %dma_wait3A_1467 = arith.constant 128 : i32
        %dma_wait3A_1468 = tpu.memref_slice %arg2[%add3A_515, %dma_wait3A_1467] : memref<16384x1000xf32, #tpu.memory_space<hbm>> -> memref<8x128xf32, #tpu.memory_space<hbm>>
        tpu.wait_dma2 semaphore(%arg13 : memref<!tpu.dma_semaphore, #tpu.memory_space<semaphore_mem>>) src(%dma_wait3A_1468 : memref<8x128xf32, #tpu.memory_space<hbm>>) dst(%dma_wait3A_1466 : memref<8x128xf32, #tpu.memory_space<vmem>>)
      } else {
      }
      %eq3A_568 = arith.constant 2 : i32
      %eq3A_569 = arith.cmpi eq, %shift_right_arithmetic3A_55, %eq3A_568 : i32
      %eq3A_570 = arith.constant 2 : i32
      %eq3A_571 = arith.cmpi eq, %shift_right_arithmetic3A_57, %eq3A_570 : i32
      %or3A_572 = arith.ori %eq3A_569, %eq3A_571 : i1
      %eq3A_573 = arith.constant 2 : i32
      %eq3A_574 = arith.cmpi eq, %shift_right_arithmetic3A_59, %eq3A_573 : i32
      %or3A_575 = arith.ori %or3A_572, %eq3A_574 : i1
      %eq3A_576 = arith.constant 2 : i32
      %eq3A_577 = arith.cmpi eq, %shift_right_arithmetic3A_61, %eq3A_576 : i32
      %or3A_578 = arith.ori %or3A_575, %eq3A_577 : i1
      %eq3A_579 = arith.constant 2 : i32
      %eq3A_580 = arith.cmpi eq, %shift_right_arithmetic3A_63, %eq3A_579 : i32
      %or3A_581 = arith.ori %or3A_578, %eq3A_580 : i1
      %eq3A_582 = arith.constant 2 : i32
      %eq3A_583 = arith.cmpi eq, %shift_right_arithmetic3A_65, %eq3A_582 : i32
      %or3A_584 = arith.ori %or3A_581, %eq3A_583 : i1
      %eq3A_585 = arith.constant 2 : i32
      %eq3A_586 = arith.cmpi eq, %shift_right_arithmetic3A_67, %eq3A_585 : i32
      %or3A_587 = arith.ori %or3A_584, %eq3A_586 : i1
      %eq3A_588 = arith.constant 2 : i32
      %eq3A_589 = arith.cmpi eq, %shift_right_arithmetic3A_69, %eq3A_588 : i32
      %or3A_590 = arith.ori %or3A_587, %eq3A_589 : i1
      %convert_element_type3A_591 = arith.extui %or3A_590 : i1 to i32
      %cond3A_592 = arith.constant 0 : i32
      %cond3A_593 = arith.cmpi ne, %convert_element_type3A_591, %cond3A_592 : i32
      scf.if %cond3A_593 {
        %dma_wait3A = arith.constant 16 : i32
        %dma_wait3A_1460 = arith.constant 0 : i32
        %dma_wait3A_1461 = tpu.memref_slice %arg10[%dma_wait3A, %dma_wait3A_1460] : memref<128x128xf32, #tpu.memory_space<vmem>> -> memref<8x128xf32, #tpu.memory_space<vmem>>
        %dma_wait3A_1462 = arith.constant 256 : i32
        %dma_wait3A_1463 = tpu.memref_slice %arg2[%add3A_515, %dma_wait3A_1462] : memref<16384x1000xf32, #tpu.memory_space<hbm>> -> memref<8x128xf32, #tpu.memory_space<hbm>>
        %dma_wait3A_1464 = arith.constant 16 : i32
        %dma_wait3A_1465 = arith.constant 0 : i32
        %dma_wait3A_1466 = tpu.memref_slice %arg10[%dma_wait3A_1464, %dma_wait3A_1465] : memref<128x128xf32, #tpu.memory_space<vmem>> -> memref<8x128xf32, #tpu.memory_space<vmem>>
        %dma_wait3A_1467 = arith.constant 256 : i32
        %dma_wait3A_1468 = tpu.memref_slice %arg2[%add3A_515, %dma_wait3A_1467] : memref<16384x1000xf32, #tpu.memory_space<hbm>> -> memref<8x128xf32, #tpu.memory_space<hbm>>
        tpu.wait_dma2 semaphore(%arg13 : memref<!tpu.dma_semaphore, #tpu.memory_space<semaphore_mem>>) src(%dma_wait3A_1468 : memref<8x128xf32, #tpu.memory_space<hbm>>) dst(%dma_wait3A_1466 : memref<8x128xf32, #tpu.memory_space<vmem>>)
      } else {
      }
      %eq3A_594 = arith.constant 3 : i32
      %eq3A_595 = arith.cmpi eq, %shift_right_arithmetic3A_55, %eq3A_594 : i32
      %eq3A_596 = arith.constant 3 : i32
      %eq3A_597 = arith.cmpi eq, %shift_right_arithmetic3A_57, %eq3A_596 : i32
      %or3A_598 = arith.ori %eq3A_595, %eq3A_597 : i1
      %eq3A_599 = arith.constant 3 : i32
      %eq3A_600 = arith.cmpi eq, %shift_right_arithmetic3A_59, %eq3A_599 : i32
      %or3A_601 = arith.ori %or3A_598, %eq3A_600 : i1
      %eq3A_602 = arith.constant 3 : i32
      %eq3A_603 = arith.cmpi eq, %shift_right_arithmetic3A_61, %eq3A_602 : i32
      %or3A_604 = arith.ori %or3A_601, %eq3A_603 : i1
      %eq3A_605 = arith.constant 3 : i32
      %eq3A_606 = arith.cmpi eq, %shift_right_arithmetic3A_63, %eq3A_605 : i32
      %or3A_607 = arith.ori %or3A_604, %eq3A_606 : i1
      %eq3A_608 = arith.constant 3 : i32
      %eq3A_609 = arith.cmpi eq, %shift_right_arithmetic3A_65, %eq3A_608 : i32
      %or3A_610 = arith.ori %or3A_607, %eq3A_609 : i1
      %eq3A_611 = arith.constant 3 : i32
      %eq3A_612 = arith.cmpi eq, %shift_right_arithmetic3A_67, %eq3A_611 : i32
      %or3A_613 = arith.ori %or3A_610, %eq3A_612 : i1
      %eq3A_614 = arith.constant 3 : i32
      %eq3A_615 = arith.cmpi eq, %shift_right_arithmetic3A_69, %eq3A_614 : i32
      %or3A_616 = arith.ori %or3A_613, %eq3A_615 : i1
      %convert_element_type3A_617 = arith.extui %or3A_616 : i1 to i32
      %cond3A_618 = arith.constant 0 : i32
      %cond3A_619 = arith.cmpi ne, %convert_element_type3A_617, %cond3A_618 : i32
      scf.if %cond3A_619 {
        %dma_wait3A = arith.constant 24 : i32
        %dma_wait3A_1460 = arith.constant 0 : i32
        %dma_wait3A_1461 = tpu.memref_slice %arg10[%dma_wait3A, %dma_wait3A_1460] : memref<128x128xf32, #tpu.memory_space<vmem>> -> memref<8x128xf32, #tpu.memory_space<vmem>>
        %dma_wait3A_1462 = arith.constant 384 : i32
        %dma_wait3A_1463 = tpu.memref_slice %arg2[%add3A_515, %dma_wait3A_1462] : memref<16384x1000xf32, #tpu.memory_space<hbm>> -> memref<8x128xf32, #tpu.memory_space<hbm>>
        %dma_wait3A_1464 = arith.constant 24 : i32
        %dma_wait3A_1465 = arith.constant 0 : i32
        %dma_wait3A_1466 = tpu.memref_slice %arg10[%dma_wait3A_1464, %dma_wait3A_1465] : memref<128x128xf32, #tpu.memory_space<vmem>> -> memref<8x128xf32, #tpu.memory_space<vmem>>
        %dma_wait3A_1467 = arith.constant 384 : i32
        %dma_wait3A_1468 = tpu.memref_slice %arg2[%add3A_515, %dma_wait3A_1467] : memref<16384x1000xf32, #tpu.memory_space<hbm>> -> memref<8x128xf32, #tpu.memory_space<hbm>>
        tpu.wait_dma2 semaphore(%arg13 : memref<!tpu.dma_semaphore, #tpu.memory_space<semaphore_mem>>) src(%dma_wait3A_1468 : memref<8x128xf32, #tpu.memory_space<hbm>>) dst(%dma_wait3A_1466 : memref<8x128xf32, #tpu.memory_space<vmem>>)
      } else {
      }
      %eq3A_620 = arith.constant 4 : i32
      %eq3A_621 = arith.cmpi eq, %shift_right_arithmetic3A_55, %eq3A_620 : i32
      %eq3A_622 = arith.constant 4 : i32
      %eq3A_623 = arith.cmpi eq, %shift_right_arithmetic3A_57, %eq3A_622 : i32
      %or3A_624 = arith.ori %eq3A_621, %eq3A_623 : i1
      %eq3A_625 = arith.constant 4 : i32
      %eq3A_626 = arith.cmpi eq, %shift_right_arithmetic3A_59, %eq3A_625 : i32
      %or3A_627 = arith.ori %or3A_624, %eq3A_626 : i1
      %eq3A_628 = arith.constant 4 : i32
      %eq3A_629 = arith.cmpi eq, %shift_right_arithmetic3A_61, %eq3A_628 : i32
      %or3A_630 = arith.ori %or3A_627, %eq3A_629 : i1
      %eq3A_631 = arith.constant 4 : i32
      %eq3A_632 = arith.cmpi eq, %shift_right_arithmetic3A_63, %eq3A_631 : i32
      %or3A_633 = arith.ori %or3A_630, %eq3A_632 : i1
      %eq3A_634 = arith.constant 4 : i32
      %eq3A_635 = arith.cmpi eq, %shift_right_arithmetic3A_65, %eq3A_634 : i32
      %or3A_636 = arith.ori %or3A_633, %eq3A_635 : i1
      %eq3A_637 = arith.constant 4 : i32
      %eq3A_638 = arith.cmpi eq, %shift_right_arithmetic3A_67, %eq3A_637 : i32
      %or3A_639 = arith.ori %or3A_636, %eq3A_638 : i1
      %eq3A_640 = arith.constant 4 : i32
      %eq3A_641 = arith.cmpi eq, %shift_right_arithmetic3A_69, %eq3A_640 : i32
      %or3A_642 = arith.ori %or3A_639, %eq3A_641 : i1
      %convert_element_type3A_643 = arith.extui %or3A_642 : i1 to i32
      %cond3A_644 = arith.constant 0 : i32
      %cond3A_645 = arith.cmpi ne, %convert_element_type3A_643, %cond3A_644 : i32
      scf.if %cond3A_645 {
        %dma_wait3A = arith.constant 32 : i32
        %dma_wait3A_1460 = arith.constant 0 : i32
        %dma_wait3A_1461 = tpu.memref_slice %arg10[%dma_wait3A, %dma_wait3A_1460] : memref<128x128xf32, #tpu.memory_space<vmem>> -> memref<8x128xf32, #tpu.memory_space<vmem>>
        %dma_wait3A_1462 = arith.constant 512 : i32
        %dma_wait3A_1463 = tpu.memref_slice %arg2[%add3A_515, %dma_wait3A_1462] : memref<16384x1000xf32, #tpu.memory_space<hbm>> -> memref<8x128xf32, #tpu.memory_space<hbm>>
        %dma_wait3A_1464 = arith.constant 32 : i32
        %dma_wait3A_1465 = arith.constant 0 : i32
        %dma_wait3A_1466 = tpu.memref_slice %arg10[%dma_wait3A_1464, %dma_wait3A_1465] : memref<128x128xf32, #tpu.memory_space<vmem>> -> memref<8x128xf32, #tpu.memory_space<vmem>>
        %dma_wait3A_1467 = arith.constant 512 : i32
        %dma_wait3A_1468 = tpu.memref_slice %arg2[%add3A_515, %dma_wait3A_1467] : memref<16384x1000xf32, #tpu.memory_space<hbm>> -> memref<8x128xf32, #tpu.memory_space<hbm>>
        tpu.wait_dma2 semaphore(%arg13 : memref<!tpu.dma_semaphore, #tpu.memory_space<semaphore_mem>>) src(%dma_wait3A_1468 : memref<8x128xf32, #tpu.memory_space<hbm>>) dst(%dma_wait3A_1466 : memref<8x128xf32, #tpu.memory_space<vmem>>)
      } else {
      }
      %eq3A_646 = arith.constant 5 : i32
      %eq3A_647 = arith.cmpi eq, %shift_right_arithmetic3A_55, %eq3A_646 : i32
      %eq3A_648 = arith.constant 5 : i32
      %eq3A_649 = arith.cmpi eq, %shift_right_arithmetic3A_57, %eq3A_648 : i32
      %or3A_650 = arith.ori %eq3A_647, %eq3A_649 : i1
      %eq3A_651 = arith.constant 5 : i32
      %eq3A_652 = arith.cmpi eq, %shift_right_arithmetic3A_59, %eq3A_651 : i32
      %or3A_653 = arith.ori %or3A_650, %eq3A_652 : i1
      %eq3A_654 = arith.constant 5 : i32
      %eq3A_655 = arith.cmpi eq, %shift_right_arithmetic3A_61, %eq3A_654 : i32
      %or3A_656 = arith.ori %or3A_653, %eq3A_655 : i1
      %eq3A_657 = arith.constant 5 : i32
      %eq3A_658 = arith.cmpi eq, %shift_right_arithmetic3A_63, %eq3A_657 : i32
      %or3A_659 = arith.ori %or3A_656, %eq3A_658 : i1
      %eq3A_660 = arith.constant 5 : i32
      %eq3A_661 = arith.cmpi eq, %shift_right_arithmetic3A_65, %eq3A_660 : i32
      %or3A_662 = arith.ori %or3A_659, %eq3A_661 : i1
      %eq3A_663 = arith.constant 5 : i32
      %eq3A_664 = arith.cmpi eq, %shift_right_arithmetic3A_67, %eq3A_663 : i32
      %or3A_665 = arith.ori %or3A_662, %eq3A_664 : i1
      %eq3A_666 = arith.constant 5 : i32
      %eq3A_667 = arith.cmpi eq, %shift_right_arithmetic3A_69, %eq3A_666 : i32
      %or3A_668 = arith.ori %or3A_665, %eq3A_667 : i1
      %convert_element_type3A_669 = arith.extui %or3A_668 : i1 to i32
      %cond3A_670 = arith.constant 0 : i32
      %cond3A_671 = arith.cmpi ne, %convert_element_type3A_669, %cond3A_670 : i32
      scf.if %cond3A_671 {
        %dma_wait3A = arith.constant 40 : i32
        %dma_wait3A_1460 = arith.constant 0 : i32
        %dma_wait3A_1461 = tpu.memref_slice %arg10[%dma_wait3A, %dma_wait3A_1460] : memref<128x128xf32, #tpu.memory_space<vmem>> -> memref<8x128xf32, #tpu.memory_space<vmem>>
        %dma_wait3A_1462 = arith.constant 640 : i32
        %dma_wait3A_1463 = tpu.memref_slice %arg2[%add3A_515, %dma_wait3A_1462] : memref<16384x1000xf32, #tpu.memory_space<hbm>> -> memref<8x128xf32, #tpu.memory_space<hbm>>
        %dma_wait3A_1464 = arith.constant 40 : i32
        %dma_wait3A_1465 = arith.constant 0 : i32
        %dma_wait3A_1466 = tpu.memref_slice %arg10[%dma_wait3A_1464, %dma_wait3A_1465] : memref<128x128xf32, #tpu.memory_space<vmem>> -> memref<8x128xf32, #tpu.memory_space<vmem>>
        %dma_wait3A_1467 = arith.constant 640 : i32
        %dma_wait3A_1468 = tpu.memref_slice %arg2[%add3A_515, %dma_wait3A_1467] : memref<16384x1000xf32, #tpu.memory_space<hbm>> -> memref<8x128xf32, #tpu.memory_space<hbm>>
        tpu.wait_dma2 semaphore(%arg13 : memref<!tpu.dma_semaphore, #tpu.memory_space<semaphore_mem>>) src(%dma_wait3A_1468 : memref<8x128xf32, #tpu.memory_space<hbm>>) dst(%dma_wait3A_1466 : memref<8x128xf32, #tpu.memory_space<vmem>>)
      } else {
      }
      %eq3A_672 = arith.constant 6 : i32
      %eq3A_673 = arith.cmpi eq, %shift_right_arithmetic3A_55, %eq3A_672 : i32
      %eq3A_674 = arith.constant 6 : i32
      %eq3A_675 = arith.cmpi eq, %shift_right_arithmetic3A_57, %eq3A_674 : i32
      %or3A_676 = arith.ori %eq3A_673, %eq3A_675 : i1
      %eq3A_677 = arith.constant 6 : i32
      %eq3A_678 = arith.cmpi eq, %shift_right_arithmetic3A_59, %eq3A_677 : i32
      %or3A_679 = arith.ori %or3A_676, %eq3A_678 : i1
      %eq3A_680 = arith.constant 6 : i32
      %eq3A_681 = arith.cmpi eq, %shift_right_arithmetic3A_61, %eq3A_680 : i32
      %or3A_682 = arith.ori %or3A_679, %eq3A_681 : i1
      %eq3A_683 = arith.constant 6 : i32
      %eq3A_684 = arith.cmpi eq, %shift_right_arithmetic3A_63, %eq3A_683 : i32
      %or3A_685 = arith.ori %or3A_682, %eq3A_684 : i1
      %eq3A_686 = arith.constant 6 : i32
      %eq3A_687 = arith.cmpi eq, %shift_right_arithmetic3A_65, %eq3A_686 : i32
      %or3A_688 = arith.ori %or3A_685, %eq3A_687 : i1
      %eq3A_689 = arith.constant 6 : i32
      %eq3A_690 = arith.cmpi eq, %shift_right_arithmetic3A_67, %eq3A_689 : i32
      %or3A_691 = arith.ori %or3A_688, %eq3A_690 : i1
      %eq3A_692 = arith.constant 6 : i32
      %eq3A_693 = arith.cmpi eq, %shift_right_arithmetic3A_69, %eq3A_692 : i32
      %or3A_694 = arith.ori %or3A_691, %eq3A_693 : i1
      %convert_element_type3A_695 = arith.extui %or3A_694 : i1 to i32
      %cond3A_696 = arith.constant 0 : i32
      %cond3A_697 = arith.cmpi ne, %convert_element_type3A_695, %cond3A_696 : i32
      scf.if %cond3A_697 {
        %dma_wait3A = arith.constant 48 : i32
        %dma_wait3A_1460 = arith.constant 0 : i32
        %dma_wait3A_1461 = tpu.memref_slice %arg10[%dma_wait3A, %dma_wait3A_1460] : memref<128x128xf32, #tpu.memory_space<vmem>> -> memref<8x128xf32, #tpu.memory_space<vmem>>
        %dma_wait3A_1462 = arith.constant 768 : i32
        %dma_wait3A_1463 = tpu.memref_slice %arg2[%add3A_515, %dma_wait3A_1462] : memref<16384x1000xf32, #tpu.memory_space<hbm>> -> memref<8x128xf32, #tpu.memory_space<hbm>>
        %dma_wait3A_1464 = arith.constant 48 : i32
        %dma_wait3A_1465 = arith.constant 0 : i32
        %dma_wait3A_1466 = tpu.memref_slice %arg10[%dma_wait3A_1464, %dma_wait3A_1465] : memref<128x128xf32, #tpu.memory_space<vmem>> -> memref<8x128xf32, #tpu.memory_space<vmem>>
        %dma_wait3A_1467 = arith.constant 768 : i32
        %dma_wait3A_1468 = tpu.memref_slice %arg2[%add3A_515, %dma_wait3A_1467] : memref<16384x1000xf32, #tpu.memory_space<hbm>> -> memref<8x128xf32, #tpu.memory_space<hbm>>
        tpu.wait_dma2 semaphore(%arg13 : memref<!tpu.dma_semaphore, #tpu.memory_space<semaphore_mem>>) src(%dma_wait3A_1468 : memref<8x128xf32, #tpu.memory_space<hbm>>) dst(%dma_wait3A_1466 : memref<8x128xf32, #tpu.memory_space<vmem>>)
      } else {
      }
      %eq3A_698 = arith.constant 7 : i32
      %eq3A_699 = arith.cmpi eq, %shift_right_arithmetic3A_55, %eq3A_698 : i32
      %eq3A_700 = arith.constant 7 : i32
      %eq3A_701 = arith.cmpi eq, %shift_right_arithmetic3A_57, %eq3A_700 : i32
      %or3A_702 = arith.ori %eq3A_699, %eq3A_701 : i1
      %eq3A_703 = arith.constant 7 : i32
      %eq3A_704 = arith.cmpi eq, %shift_right_arithmetic3A_59, %eq3A_703 : i32
      %or3A_705 = arith.ori %or3A_702, %eq3A_704 : i1
      %eq3A_706 = arith.constant 7 : i32
      %eq3A_707 = arith.cmpi eq, %shift_right_arithmetic3A_61, %eq3A_706 : i32
      %or3A_708 = arith.ori %or3A_705, %eq3A_707 : i1
      %eq3A_709 = arith.constant 7 : i32
      %eq3A_710 = arith.cmpi eq, %shift_right_arithmetic3A_63, %eq3A_709 : i32
      %or3A_711 = arith.ori %or3A_708, %eq3A_710 : i1
      %eq3A_712 = arith.constant 7 : i32
      %eq3A_713 = arith.cmpi eq, %shift_right_arithmetic3A_65, %eq3A_712 : i32
      %or3A_714 = arith.ori %or3A_711, %eq3A_713 : i1
      %eq3A_715 = arith.constant 7 : i32
      %eq3A_716 = arith.cmpi eq, %shift_right_arithmetic3A_67, %eq3A_715 : i32
      %or3A_717 = arith.ori %or3A_714, %eq3A_716 : i1
      %eq3A_718 = arith.constant 7 : i32
      %eq3A_719 = arith.cmpi eq, %shift_right_arithmetic3A_69, %eq3A_718 : i32
      %or3A_720 = arith.ori %or3A_717, %eq3A_719 : i1
      %convert_element_type3A_721 = arith.extui %or3A_720 : i1 to i32
      %cond3A_722 = arith.constant 0 : i32
      %cond3A_723 = arith.cmpi ne, %convert_element_type3A_721, %cond3A_722 : i32
      scf.if %cond3A_723 {
        %dma_wait3A = arith.constant 56 : i32
        %dma_wait3A_1460 = arith.constant 0 : i32
        %dma_wait3A_1461 = tpu.memref_slice %arg10[%dma_wait3A, %dma_wait3A_1460] : memref<128x128xf32, #tpu.memory_space<vmem>> -> memref<8x128xf32, #tpu.memory_space<vmem>>
        %dma_wait3A_1462 = arith.constant 0 : i32
        %dma_wait3A_1463 = tpu.memref_slice %arg3[%add3A_515, %dma_wait3A_1462] : memref<16384x128xf32, #tpu.memory_space<hbm>> -> memref<8x128xf32, #tpu.memory_space<hbm>>
        %dma_wait3A_1464 = arith.constant 56 : i32
        %dma_wait3A_1465 = arith.constant 0 : i32
        %dma_wait3A_1466 = tpu.memref_slice %arg10[%dma_wait3A_1464, %dma_wait3A_1465] : memref<128x128xf32, #tpu.memory_space<vmem>> -> memref<8x128xf32, #tpu.memory_space<vmem>>
        %dma_wait3A_1467 = arith.constant 0 : i32
        %dma_wait3A_1468 = tpu.memref_slice %arg3[%add3A_515, %dma_wait3A_1467] : memref<16384x128xf32, #tpu.memory_space<hbm>> -> memref<8x128xf32, #tpu.memory_space<hbm>>
        tpu.wait_dma2 semaphore(%arg13 : memref<!tpu.dma_semaphore, #tpu.memory_space<semaphore_mem>>) src(%dma_wait3A_1468 : memref<8x128xf32, #tpu.memory_space<hbm>>) dst(%dma_wait3A_1466 : memref<8x128xf32, #tpu.memory_space<vmem>>)
      } else {
      }
      %mul3A_724 = arith.constant 16 : i32
      %mul3A_725 = arith.muli %scan3A_14, %mul3A_724 : i32
      %add3A_726 = arith.addi %mul3A_2, %mul3A_725 : i32
      %add3A_727 = arith.constant 8 : i32
      %add3A_728 = arith.addi %add3A_726, %add3A_727 : i32
      %eq3A_729 = arith.constant 0 : i32
      %eq3A_730 = arith.cmpi eq, %shift_right_arithmetic3A_71, %eq3A_729 : i32
      %eq3A_731 = arith.constant 0 : i32
      %eq3A_732 = arith.cmpi eq, %shift_right_arithmetic3A_73, %eq3A_731 : i32
      %or3A_733 = arith.ori %eq3A_730, %eq3A_732 : i1
      %eq3A_734 = arith.constant 0 : i32
      %eq3A_735 = arith.cmpi eq, %shift_right_arithmetic3A_75, %eq3A_734 : i32
      %or3A_736 = arith.ori %or3A_733, %eq3A_735 : i1
      %eq3A_737 = arith.constant 0 : i32
      %eq3A_738 = arith.cmpi eq, %shift_right_arithmetic3A_77, %eq3A_737 : i32
      %or3A_739 = arith.ori %or3A_736, %eq3A_738 : i1
      %eq3A_740 = arith.constant 0 : i32
      %eq3A_741 = arith.cmpi eq, %shift_right_arithmetic3A_79, %eq3A_740 : i32
      %or3A_742 = arith.ori %or3A_739, %eq3A_741 : i1
      %eq3A_743 = arith.constant 0 : i32
      %eq3A_744 = arith.cmpi eq, %shift_right_arithmetic3A_81, %eq3A_743 : i32
      %or3A_745 = arith.ori %or3A_742, %eq3A_744 : i1
      %eq3A_746 = arith.constant 0 : i32
      %eq3A_747 = arith.cmpi eq, %shift_right_arithmetic3A_83, %eq3A_746 : i32
      %or3A_748 = arith.ori %or3A_745, %eq3A_747 : i1
      %eq3A_749 = arith.constant 0 : i32
      %eq3A_750 = arith.cmpi eq, %shift_right_arithmetic3A_85, %eq3A_749 : i32
      %or3A_751 = arith.ori %or3A_748, %eq3A_750 : i1
      %convert_element_type3A_752 = arith.extui %or3A_751 : i1 to i32
      %cond3A_753 = arith.constant 0 : i32
      %cond3A_754 = arith.cmpi ne, %convert_element_type3A_752, %cond3A_753 : i32
      scf.if %cond3A_754 {
        %dma_wait3A = arith.constant 64 : i32
        %dma_wait3A_1460 = arith.constant 0 : i32
        %dma_wait3A_1461 = tpu.memref_slice %arg10[%dma_wait3A, %dma_wait3A_1460] : memref<128x128xf32, #tpu.memory_space<vmem>> -> memref<8x128xf32, #tpu.memory_space<vmem>>
        %dma_wait3A_1462 = arith.constant 0 : i32
        %dma_wait3A_1463 = tpu.memref_slice %arg2[%add3A_728, %dma_wait3A_1462] : memref<16384x1000xf32, #tpu.memory_space<hbm>> -> memref<8x128xf32, #tpu.memory_space<hbm>>
        %dma_wait3A_1464 = arith.constant 64 : i32
        %dma_wait3A_1465 = arith.constant 0 : i32
        %dma_wait3A_1466 = tpu.memref_slice %arg10[%dma_wait3A_1464, %dma_wait3A_1465] : memref<128x128xf32, #tpu.memory_space<vmem>> -> memref<8x128xf32, #tpu.memory_space<vmem>>
        %dma_wait3A_1467 = arith.constant 0 : i32
        %dma_wait3A_1468 = tpu.memref_slice %arg2[%add3A_728, %dma_wait3A_1467] : memref<16384x1000xf32, #tpu.memory_space<hbm>> -> memref<8x128xf32, #tpu.memory_space<hbm>>
        tpu.wait_dma2 semaphore(%arg13 : memref<!tpu.dma_semaphore, #tpu.memory_space<semaphore_mem>>) src(%dma_wait3A_1468 : memref<8x128xf32, #tpu.memory_space<hbm>>) dst(%dma_wait3A_1466 : memref<8x128xf32, #tpu.memory_space<vmem>>)
      } else {
      }
      %eq3A_755 = arith.constant 1 : i32
      %eq3A_756 = arith.cmpi eq, %shift_right_arithmetic3A_71, %eq3A_755 : i32
      %eq3A_757 = arith.constant 1 : i32
      %eq3A_758 = arith.cmpi eq, %shift_right_arithmetic3A_73, %eq3A_757 : i32
      %or3A_759 = arith.ori %eq3A_756, %eq3A_758 : i1
      %eq3A_760 = arith.constant 1 : i32
      %eq3A_761 = arith.cmpi eq, %shift_right_arithmetic3A_75, %eq3A_760 : i32
      %or3A_762 = arith.ori %or3A_759, %eq3A_761 : i1
      %eq3A_763 = arith.constant 1 : i32
      %eq3A_764 = arith.cmpi eq, %shift_right_arithmetic3A_77, %eq3A_763 : i32
      %or3A_765 = arith.ori %or3A_762, %eq3A_764 : i1
      %eq3A_766 = arith.constant 1 : i32
      %eq3A_767 = arith.cmpi eq, %shift_right_arithmetic3A_79, %eq3A_766 : i32
      %or3A_768 = arith.ori %or3A_765, %eq3A_767 : i1
      %eq3A_769 = arith.constant 1 : i32
      %eq3A_770 = arith.cmpi eq, %shift_right_arithmetic3A_81, %eq3A_769 : i32
      %or3A_771 = arith.ori %or3A_768, %eq3A_770 : i1
      %eq3A_772 = arith.constant 1 : i32
      %eq3A_773 = arith.cmpi eq, %shift_right_arithmetic3A_83, %eq3A_772 : i32
      %or3A_774 = arith.ori %or3A_771, %eq3A_773 : i1
      %eq3A_775 = arith.constant 1 : i32
      %eq3A_776 = arith.cmpi eq, %shift_right_arithmetic3A_85, %eq3A_775 : i32
      %or3A_777 = arith.ori %or3A_774, %eq3A_776 : i1
      %convert_element_type3A_778 = arith.extui %or3A_777 : i1 to i32
      %cond3A_779 = arith.constant 0 : i32
      %cond3A_780 = arith.cmpi ne, %convert_element_type3A_778, %cond3A_779 : i32
      scf.if %cond3A_780 {
        %dma_wait3A = arith.constant 72 : i32
        %dma_wait3A_1460 = arith.constant 0 : i32
        %dma_wait3A_1461 = tpu.memref_slice %arg10[%dma_wait3A, %dma_wait3A_1460] : memref<128x128xf32, #tpu.memory_space<vmem>> -> memref<8x128xf32, #tpu.memory_space<vmem>>
        %dma_wait3A_1462 = arith.constant 128 : i32
        %dma_wait3A_1463 = tpu.memref_slice %arg2[%add3A_728, %dma_wait3A_1462] : memref<16384x1000xf32, #tpu.memory_space<hbm>> -> memref<8x128xf32, #tpu.memory_space<hbm>>
        %dma_wait3A_1464 = arith.constant 72 : i32
        %dma_wait3A_1465 = arith.constant 0 : i32
        %dma_wait3A_1466 = tpu.memref_slice %arg10[%dma_wait3A_1464, %dma_wait3A_1465] : memref<128x128xf32, #tpu.memory_space<vmem>> -> memref<8x128xf32, #tpu.memory_space<vmem>>
        %dma_wait3A_1467 = arith.constant 128 : i32
        %dma_wait3A_1468 = tpu.memref_slice %arg2[%add3A_728, %dma_wait3A_1467] : memref<16384x1000xf32, #tpu.memory_space<hbm>> -> memref<8x128xf32, #tpu.memory_space<hbm>>
        tpu.wait_dma2 semaphore(%arg13 : memref<!tpu.dma_semaphore, #tpu.memory_space<semaphore_mem>>) src(%dma_wait3A_1468 : memref<8x128xf32, #tpu.memory_space<hbm>>) dst(%dma_wait3A_1466 : memref<8x128xf32, #tpu.memory_space<vmem>>)
      } else {
      }
      %eq3A_781 = arith.constant 2 : i32
      %eq3A_782 = arith.cmpi eq, %shift_right_arithmetic3A_71, %eq3A_781 : i32
      %eq3A_783 = arith.constant 2 : i32
      %eq3A_784 = arith.cmpi eq, %shift_right_arithmetic3A_73, %eq3A_783 : i32
      %or3A_785 = arith.ori %eq3A_782, %eq3A_784 : i1
      %eq3A_786 = arith.constant 2 : i32
      %eq3A_787 = arith.cmpi eq, %shift_right_arithmetic3A_75, %eq3A_786 : i32
      %or3A_788 = arith.ori %or3A_785, %eq3A_787 : i1
      %eq3A_789 = arith.constant 2 : i32
      %eq3A_790 = arith.cmpi eq, %shift_right_arithmetic3A_77, %eq3A_789 : i32
      %or3A_791 = arith.ori %or3A_788, %eq3A_790 : i1
      %eq3A_792 = arith.constant 2 : i32
      %eq3A_793 = arith.cmpi eq, %shift_right_arithmetic3A_79, %eq3A_792 : i32
      %or3A_794 = arith.ori %or3A_791, %eq3A_793 : i1
      %eq3A_795 = arith.constant 2 : i32
      %eq3A_796 = arith.cmpi eq, %shift_right_arithmetic3A_81, %eq3A_795 : i32
      %or3A_797 = arith.ori %or3A_794, %eq3A_796 : i1
      %eq3A_798 = arith.constant 2 : i32
      %eq3A_799 = arith.cmpi eq, %shift_right_arithmetic3A_83, %eq3A_798 : i32
      %or3A_800 = arith.ori %or3A_797, %eq3A_799 : i1
      %eq3A_801 = arith.constant 2 : i32
      %eq3A_802 = arith.cmpi eq, %shift_right_arithmetic3A_85, %eq3A_801 : i32
      %or3A_803 = arith.ori %or3A_800, %eq3A_802 : i1
      %convert_element_type3A_804 = arith.extui %or3A_803 : i1 to i32
      %cond3A_805 = arith.constant 0 : i32
      %cond3A_806 = arith.cmpi ne, %convert_element_type3A_804, %cond3A_805 : i32
      scf.if %cond3A_806 {
        %dma_wait3A = arith.constant 80 : i32
        %dma_wait3A_1460 = arith.constant 0 : i32
        %dma_wait3A_1461 = tpu.memref_slice %arg10[%dma_wait3A, %dma_wait3A_1460] : memref<128x128xf32, #tpu.memory_space<vmem>> -> memref<8x128xf32, #tpu.memory_space<vmem>>
        %dma_wait3A_1462 = arith.constant 256 : i32
        %dma_wait3A_1463 = tpu.memref_slice %arg2[%add3A_728, %dma_wait3A_1462] : memref<16384x1000xf32, #tpu.memory_space<hbm>> -> memref<8x128xf32, #tpu.memory_space<hbm>>
        %dma_wait3A_1464 = arith.constant 80 : i32
        %dma_wait3A_1465 = arith.constant 0 : i32
        %dma_wait3A_1466 = tpu.memref_slice %arg10[%dma_wait3A_1464, %dma_wait3A_1465] : memref<128x128xf32, #tpu.memory_space<vmem>> -> memref<8x128xf32, #tpu.memory_space<vmem>>
        %dma_wait3A_1467 = arith.constant 256 : i32
        %dma_wait3A_1468 = tpu.memref_slice %arg2[%add3A_728, %dma_wait3A_1467] : memref<16384x1000xf32, #tpu.memory_space<hbm>> -> memref<8x128xf32, #tpu.memory_space<hbm>>
        tpu.wait_dma2 semaphore(%arg13 : memref<!tpu.dma_semaphore, #tpu.memory_space<semaphore_mem>>) src(%dma_wait3A_1468 : memref<8x128xf32, #tpu.memory_space<hbm>>) dst(%dma_wait3A_1466 : memref<8x128xf32, #tpu.memory_space<vmem>>)
      } else {
      }
      %eq3A_807 = arith.constant 3 : i32
      %eq3A_808 = arith.cmpi eq, %shift_right_arithmetic3A_71, %eq3A_807 : i32
      %eq3A_809 = arith.constant 3 : i32
      %eq3A_810 = arith.cmpi eq, %shift_right_arithmetic3A_73, %eq3A_809 : i32
      %or3A_811 = arith.ori %eq3A_808, %eq3A_810 : i1
      %eq3A_812 = arith.constant 3 : i32
      %eq3A_813 = arith.cmpi eq, %shift_right_arithmetic3A_75, %eq3A_812 : i32
      %or3A_814 = arith.ori %or3A_811, %eq3A_813 : i1
      %eq3A_815 = arith.constant 3 : i32
      %eq3A_816 = arith.cmpi eq, %shift_right_arithmetic3A_77, %eq3A_815 : i32
      %or3A_817 = arith.ori %or3A_814, %eq3A_816 : i1
      %eq3A_818 = arith.constant 3 : i32
      %eq3A_819 = arith.cmpi eq, %shift_right_arithmetic3A_79, %eq3A_818 : i32
      %or3A_820 = arith.ori %or3A_817, %eq3A_819 : i1
      %eq3A_821 = arith.constant 3 : i32
      %eq3A_822 = arith.cmpi eq, %shift_right_arithmetic3A_81, %eq3A_821 : i32
      %or3A_823 = arith.ori %or3A_820, %eq3A_822 : i1
      %eq3A_824 = arith.constant 3 : i32
      %eq3A_825 = arith.cmpi eq, %shift_right_arithmetic3A_83, %eq3A_824 : i32
      %or3A_826 = arith.ori %or3A_823, %eq3A_825 : i1
      %eq3A_827 = arith.constant 3 : i32
      %eq3A_828 = arith.cmpi eq, %shift_right_arithmetic3A_85, %eq3A_827 : i32
      %or3A_829 = arith.ori %or3A_826, %eq3A_828 : i1
      %convert_element_type3A_830 = arith.extui %or3A_829 : i1 to i32
      %cond3A_831 = arith.constant 0 : i32
      %cond3A_832 = arith.cmpi ne, %convert_element_type3A_830, %cond3A_831 : i32
      scf.if %cond3A_832 {
        %dma_wait3A = arith.constant 88 : i32
        %dma_wait3A_1460 = arith.constant 0 : i32
        %dma_wait3A_1461 = tpu.memref_slice %arg10[%dma_wait3A, %dma_wait3A_1460] : memref<128x128xf32, #tpu.memory_space<vmem>> -> memref<8x128xf32, #tpu.memory_space<vmem>>
        %dma_wait3A_1462 = arith.constant 384 : i32
        %dma_wait3A_1463 = tpu.memref_slice %arg2[%add3A_728, %dma_wait3A_1462] : memref<16384x1000xf32, #tpu.memory_space<hbm>> -> memref<8x128xf32, #tpu.memory_space<hbm>>
        %dma_wait3A_1464 = arith.constant 88 : i32
        %dma_wait3A_1465 = arith.constant 0 : i32
        %dma_wait3A_1466 = tpu.memref_slice %arg10[%dma_wait3A_1464, %dma_wait3A_1465] : memref<128x128xf32, #tpu.memory_space<vmem>> -> memref<8x128xf32, #tpu.memory_space<vmem>>
        %dma_wait3A_1467 = arith.constant 384 : i32
        %dma_wait3A_1468 = tpu.memref_slice %arg2[%add3A_728, %dma_wait3A_1467] : memref<16384x1000xf32, #tpu.memory_space<hbm>> -> memref<8x128xf32, #tpu.memory_space<hbm>>
        tpu.wait_dma2 semaphore(%arg13 : memref<!tpu.dma_semaphore, #tpu.memory_space<semaphore_mem>>) src(%dma_wait3A_1468 : memref<8x128xf32, #tpu.memory_space<hbm>>) dst(%dma_wait3A_1466 : memref<8x128xf32, #tpu.memory_space<vmem>>)
      } else {
      }
      %eq3A_833 = arith.constant 4 : i32
      %eq3A_834 = arith.cmpi eq, %shift_right_arithmetic3A_71, %eq3A_833 : i32
      %eq3A_835 = arith.constant 4 : i32
      %eq3A_836 = arith.cmpi eq, %shift_right_arithmetic3A_73, %eq3A_835 : i32
      %or3A_837 = arith.ori %eq3A_834, %eq3A_836 : i1
      %eq3A_838 = arith.constant 4 : i32
      %eq3A_839 = arith.cmpi eq, %shift_right_arithmetic3A_75, %eq3A_838 : i32
      %or3A_840 = arith.ori %or3A_837, %eq3A_839 : i1
      %eq3A_841 = arith.constant 4 : i32
      %eq3A_842 = arith.cmpi eq, %shift_right_arithmetic3A_77, %eq3A_841 : i32
      %or3A_843 = arith.ori %or3A_840, %eq3A_842 : i1
      %eq3A_844 = arith.constant 4 : i32
      %eq3A_845 = arith.cmpi eq, %shift_right_arithmetic3A_79, %eq3A_844 : i32
      %or3A_846 = arith.ori %or3A_843, %eq3A_845 : i1
      %eq3A_847 = arith.constant 4 : i32
      %eq3A_848 = arith.cmpi eq, %shift_right_arithmetic3A_81, %eq3A_847 : i32
      %or3A_849 = arith.ori %or3A_846, %eq3A_848 : i1
      %eq3A_850 = arith.constant 4 : i32
      %eq3A_851 = arith.cmpi eq, %shift_right_arithmetic3A_83, %eq3A_850 : i32
      %or3A_852 = arith.ori %or3A_849, %eq3A_851 : i1
      %eq3A_853 = arith.constant 4 : i32
      %eq3A_854 = arith.cmpi eq, %shift_right_arithmetic3A_85, %eq3A_853 : i32
      %or3A_855 = arith.ori %or3A_852, %eq3A_854 : i1
      %convert_element_type3A_856 = arith.extui %or3A_855 : i1 to i32
      %cond3A_857 = arith.constant 0 : i32
      %cond3A_858 = arith.cmpi ne, %convert_element_type3A_856, %cond3A_857 : i32
      scf.if %cond3A_858 {
        %dma_wait3A = arith.constant 96 : i32
        %dma_wait3A_1460 = arith.constant 0 : i32
        %dma_wait3A_1461 = tpu.memref_slice %arg10[%dma_wait3A, %dma_wait3A_1460] : memref<128x128xf32, #tpu.memory_space<vmem>> -> memref<8x128xf32, #tpu.memory_space<vmem>>
        %dma_wait3A_1462 = arith.constant 512 : i32
        %dma_wait3A_1463 = tpu.memref_slice %arg2[%add3A_728, %dma_wait3A_1462] : memref<16384x1000xf32, #tpu.memory_space<hbm>> -> memref<8x128xf32, #tpu.memory_space<hbm>>
        %dma_wait3A_1464 = arith.constant 96 : i32
        %dma_wait3A_1465 = arith.constant 0 : i32
        %dma_wait3A_1466 = tpu.memref_slice %arg10[%dma_wait3A_1464, %dma_wait3A_1465] : memref<128x128xf32, #tpu.memory_space<vmem>> -> memref<8x128xf32, #tpu.memory_space<vmem>>
        %dma_wait3A_1467 = arith.constant 512 : i32
        %dma_wait3A_1468 = tpu.memref_slice %arg2[%add3A_728, %dma_wait3A_1467] : memref<16384x1000xf32, #tpu.memory_space<hbm>> -> memref<8x128xf32, #tpu.memory_space<hbm>>
        tpu.wait_dma2 semaphore(%arg13 : memref<!tpu.dma_semaphore, #tpu.memory_space<semaphore_mem>>) src(%dma_wait3A_1468 : memref<8x128xf32, #tpu.memory_space<hbm>>) dst(%dma_wait3A_1466 : memref<8x128xf32, #tpu.memory_space<vmem>>)
      } else {
      }
      %eq3A_859 = arith.constant 5 : i32
      %eq3A_860 = arith.cmpi eq, %shift_right_arithmetic3A_71, %eq3A_859 : i32
      %eq3A_861 = arith.constant 5 : i32
      %eq3A_862 = arith.cmpi eq, %shift_right_arithmetic3A_73, %eq3A_861 : i32
      %or3A_863 = arith.ori %eq3A_860, %eq3A_862 : i1
      %eq3A_864 = arith.constant 5 : i32
      %eq3A_865 = arith.cmpi eq, %shift_right_arithmetic3A_75, %eq3A_864 : i32
      %or3A_866 = arith.ori %or3A_863, %eq3A_865 : i1
      %eq3A_867 = arith.constant 5 : i32
      %eq3A_868 = arith.cmpi eq, %shift_right_arithmetic3A_77, %eq3A_867 : i32
      %or3A_869 = arith.ori %or3A_866, %eq3A_868 : i1
      %eq3A_870 = arith.constant 5 : i32
      %eq3A_871 = arith.cmpi eq, %shift_right_arithmetic3A_79, %eq3A_870 : i32
      %or3A_872 = arith.ori %or3A_869, %eq3A_871 : i1
      %eq3A_873 = arith.constant 5 : i32
      %eq3A_874 = arith.cmpi eq, %shift_right_arithmetic3A_81, %eq3A_873 : i32
      %or3A_875 = arith.ori %or3A_872, %eq3A_874 : i1
      %eq3A_876 = arith.constant 5 : i32
      %eq3A_877 = arith.cmpi eq, %shift_right_arithmetic3A_83, %eq3A_876 : i32
      %or3A_878 = arith.ori %or3A_875, %eq3A_877 : i1
      %eq3A_879 = arith.constant 5 : i32
      %eq3A_880 = arith.cmpi eq, %shift_right_arithmetic3A_85, %eq3A_879 : i32
      %or3A_881 = arith.ori %or3A_878, %eq3A_880 : i1
      %convert_element_type3A_882 = arith.extui %or3A_881 : i1 to i32
      %cond3A_883 = arith.constant 0 : i32
      %cond3A_884 = arith.cmpi ne, %convert_element_type3A_882, %cond3A_883 : i32
      scf.if %cond3A_884 {
        %dma_wait3A = arith.constant 104 : i32
        %dma_wait3A_1460 = arith.constant 0 : i32
        %dma_wait3A_1461 = tpu.memref_slice %arg10[%dma_wait3A, %dma_wait3A_1460] : memref<128x128xf32, #tpu.memory_space<vmem>> -> memref<8x128xf32, #tpu.memory_space<vmem>>
        %dma_wait3A_1462 = arith.constant 640 : i32
        %dma_wait3A_1463 = tpu.memref_slice %arg2[%add3A_728, %dma_wait3A_1462] : memref<16384x1000xf32, #tpu.memory_space<hbm>> -> memref<8x128xf32, #tpu.memory_space<hbm>>
        %dma_wait3A_1464 = arith.constant 104 : i32
        %dma_wait3A_1465 = arith.constant 0 : i32
        %dma_wait3A_1466 = tpu.memref_slice %arg10[%dma_wait3A_1464, %dma_wait3A_1465] : memref<128x128xf32, #tpu.memory_space<vmem>> -> memref<8x128xf32, #tpu.memory_space<vmem>>
        %dma_wait3A_1467 = arith.constant 640 : i32
        %dma_wait3A_1468 = tpu.memref_slice %arg2[%add3A_728, %dma_wait3A_1467] : memref<16384x1000xf32, #tpu.memory_space<hbm>> -> memref<8x128xf32, #tpu.memory_space<hbm>>
        tpu.wait_dma2 semaphore(%arg13 : memref<!tpu.dma_semaphore, #tpu.memory_space<semaphore_mem>>) src(%dma_wait3A_1468 : memref<8x128xf32, #tpu.memory_space<hbm>>) dst(%dma_wait3A_1466 : memref<8x128xf32, #tpu.memory_space<vmem>>)
      } else {
      }
      %eq3A_885 = arith.constant 6 : i32
      %eq3A_886 = arith.cmpi eq, %shift_right_arithmetic3A_71, %eq3A_885 : i32
      %eq3A_887 = arith.constant 6 : i32
      %eq3A_888 = arith.cmpi eq, %shift_right_arithmetic3A_73, %eq3A_887 : i32
      %or3A_889 = arith.ori %eq3A_886, %eq3A_888 : i1
      %eq3A_890 = arith.constant 6 : i32
      %eq3A_891 = arith.cmpi eq, %shift_right_arithmetic3A_75, %eq3A_890 : i32
      %or3A_892 = arith.ori %or3A_889, %eq3A_891 : i1
      %eq3A_893 = arith.constant 6 : i32
      %eq3A_894 = arith.cmpi eq, %shift_right_arithmetic3A_77, %eq3A_893 : i32
      %or3A_895 = arith.ori %or3A_892, %eq3A_894 : i1
      %eq3A_896 = arith.constant 6 : i32
      %eq3A_897 = arith.cmpi eq, %shift_right_arithmetic3A_79, %eq3A_896 : i32
      %or3A_898 = arith.ori %or3A_895, %eq3A_897 : i1
      %eq3A_899 = arith.constant 6 : i32
      %eq3A_900 = arith.cmpi eq, %shift_right_arithmetic3A_81, %eq3A_899 : i32
      %or3A_901 = arith.ori %or3A_898, %eq3A_900 : i1
      %eq3A_902 = arith.constant 6 : i32
      %eq3A_903 = arith.cmpi eq, %shift_right_arithmetic3A_83, %eq3A_902 : i32
      %or3A_904 = arith.ori %or3A_901, %eq3A_903 : i1
      %eq3A_905 = arith.constant 6 : i32
      %eq3A_906 = arith.cmpi eq, %shift_right_arithmetic3A_85, %eq3A_905 : i32
      %or3A_907 = arith.ori %or3A_904, %eq3A_906 : i1
      %convert_element_type3A_908 = arith.extui %or3A_907 : i1 to i32
      %cond3A_909 = arith.constant 0 : i32
      %cond3A_910 = arith.cmpi ne, %convert_element_type3A_908, %cond3A_909 : i32
      scf.if %cond3A_910 {
        %dma_wait3A = arith.constant 112 : i32
        %dma_wait3A_1460 = arith.constant 0 : i32
        %dma_wait3A_1461 = tpu.memref_slice %arg10[%dma_wait3A, %dma_wait3A_1460] : memref<128x128xf32, #tpu.memory_space<vmem>> -> memref<8x128xf32, #tpu.memory_space<vmem>>
        %dma_wait3A_1462 = arith.constant 768 : i32
        %dma_wait3A_1463 = tpu.memref_slice %arg2[%add3A_728, %dma_wait3A_1462] : memref<16384x1000xf32, #tpu.memory_space<hbm>> -> memref<8x128xf32, #tpu.memory_space<hbm>>
        %dma_wait3A_1464 = arith.constant 112 : i32
        %dma_wait3A_1465 = arith.constant 0 : i32
        %dma_wait3A_1466 = tpu.memref_slice %arg10[%dma_wait3A_1464, %dma_wait3A_1465] : memref<128x128xf32, #tpu.memory_space<vmem>> -> memref<8x128xf32, #tpu.memory_space<vmem>>
        %dma_wait3A_1467 = arith.constant 768 : i32
        %dma_wait3A_1468 = tpu.memref_slice %arg2[%add3A_728, %dma_wait3A_1467] : memref<16384x1000xf32, #tpu.memory_space<hbm>> -> memref<8x128xf32, #tpu.memory_space<hbm>>
        tpu.wait_dma2 semaphore(%arg13 : memref<!tpu.dma_semaphore, #tpu.memory_space<semaphore_mem>>) src(%dma_wait3A_1468 : memref<8x128xf32, #tpu.memory_space<hbm>>) dst(%dma_wait3A_1466 : memref<8x128xf32, #tpu.memory_space<vmem>>)
      } else {
      }
      %eq3A_911 = arith.constant 7 : i32
      %eq3A_912 = arith.cmpi eq, %shift_right_arithmetic3A_71, %eq3A_911 : i32
      %eq3A_913 = arith.constant 7 : i32
      %eq3A_914 = arith.cmpi eq, %shift_right_arithmetic3A_73, %eq3A_913 : i32
      %or3A_915 = arith.ori %eq3A_912, %eq3A_914 : i1
      %eq3A_916 = arith.constant 7 : i32
      %eq3A_917 = arith.cmpi eq, %shift_right_arithmetic3A_75, %eq3A_916 : i32
      %or3A_918 = arith.ori %or3A_915, %eq3A_917 : i1
      %eq3A_919 = arith.constant 7 : i32
      %eq3A_920 = arith.cmpi eq, %shift_right_arithmetic3A_77, %eq3A_919 : i32
      %or3A_921 = arith.ori %or3A_918, %eq3A_920 : i1
      %eq3A_922 = arith.constant 7 : i32
      %eq3A_923 = arith.cmpi eq, %shift_right_arithmetic3A_79, %eq3A_922 : i32
      %or3A_924 = arith.ori %or3A_921, %eq3A_923 : i1
      %eq3A_925 = arith.constant 7 : i32
      %eq3A_926 = arith.cmpi eq, %shift_right_arithmetic3A_81, %eq3A_925 : i32
      %or3A_927 = arith.ori %or3A_924, %eq3A_926 : i1
      %eq3A_928 = arith.constant 7 : i32
      %eq3A_929 = arith.cmpi eq, %shift_right_arithmetic3A_83, %eq3A_928 : i32
      %or3A_930 = arith.ori %or3A_927, %eq3A_929 : i1
      %eq3A_931 = arith.constant 7 : i32
      %eq3A_932 = arith.cmpi eq, %shift_right_arithmetic3A_85, %eq3A_931 : i32
      %or3A_933 = arith.ori %or3A_930, %eq3A_932 : i1
      %convert_element_type3A_934 = arith.extui %or3A_933 : i1 to i32
      %cond3A_935 = arith.constant 0 : i32
      %cond3A_936 = arith.cmpi ne, %convert_element_type3A_934, %cond3A_935 : i32
      scf.if %cond3A_936 {
        %dma_wait3A = arith.constant 120 : i32
        %dma_wait3A_1460 = arith.constant 0 : i32
        %dma_wait3A_1461 = tpu.memref_slice %arg10[%dma_wait3A, %dma_wait3A_1460] : memref<128x128xf32, #tpu.memory_space<vmem>> -> memref<8x128xf32, #tpu.memory_space<vmem>>
        %dma_wait3A_1462 = arith.constant 0 : i32
        %dma_wait3A_1463 = tpu.memref_slice %arg3[%add3A_728, %dma_wait3A_1462] : memref<16384x128xf32, #tpu.memory_space<hbm>> -> memref<8x128xf32, #tpu.memory_space<hbm>>
        %dma_wait3A_1464 = arith.constant 120 : i32
        %dma_wait3A_1465 = arith.constant 0 : i32
        %dma_wait3A_1466 = tpu.memref_slice %arg10[%dma_wait3A_1464, %dma_wait3A_1465] : memref<128x128xf32, #tpu.memory_space<vmem>> -> memref<8x128xf32, #tpu.memory_space<vmem>>
        %dma_wait3A_1467 = arith.constant 0 : i32
        %dma_wait3A_1468 = tpu.memref_slice %arg3[%add3A_728, %dma_wait3A_1467] : memref<16384x128xf32, #tpu.memory_space<hbm>> -> memref<8x128xf32, #tpu.memory_space<hbm>>
        tpu.wait_dma2 semaphore(%arg13 : memref<!tpu.dma_semaphore, #tpu.memory_space<semaphore_mem>>) src(%dma_wait3A_1468 : memref<8x128xf32, #tpu.memory_space<hbm>>) dst(%dma_wait3A_1466 : memref<8x128xf32, #tpu.memory_space<vmem>>)
      } else {
      }
      %add3A_937 = arith.constant 0 : i32
      %add3A_938 = arith.addi %add3A_937, %shift_right_arithmetic3A_55 : i32
      %mul3A_939 = arith.constant 8 : i32
      %mul3A_940 = arith.muli %add3A_938, %mul3A_939 : i32
      %add3A_941 = arith.constant 0 : i32
      %add3A_942 = arith.addi %mul3A_940, %add3A_941 : i32
      %shift_right_arithmetic3A_943 = arith.constant 4 : i32
      %shift_right_arithmetic3A_944 = arith.shrsi %squeeze3A, %shift_right_arithmetic3A_943 : i32
      %and3A = arith.constant 7 : i32
      %and3A_945 = arith.andi %shift_right_arithmetic3A_944, %and3A : i32
      %mul3A_946 = arith.constant 16 : i32
      %mul3A_947 = arith.muli %and3A_945, %mul3A_946 : i32
      %get3A_948 = arith.index_cast %add3A_942 : i32 to index
      %get3A_949 = arith.index_cast %mul3A_947 : i32 to index
      %get3A_950 = tpu.vector_load %arg10[%get3A_948, %get3A_949] {strides = array<i32>} : memref<128x128xf32, #tpu.memory_space<vmem>>, vector<1x16xf32>,
      %get3A_951 = vector.shape_cast %get3A_950 : vector<1x16xf32> to vector<16xf32>
      %and3A_952 = arith.constant 15 : i32
      %and3A_953 = arith.andi %squeeze3A, %and3A_952 : i32
      %broadcast_in_dim3A_954 = vector.broadcast %and3A_953 : i32 to vector<16xi32>
      %reshape3A = vector.shape_cast %broadcast_in_dim3A_954 : vector<16xi32> to vector<16x1xi32>
      %gather3A = vector.shape_cast %reshape3A : vector<16x1xi32> to vector<16xi32>
      %gather3A_955 = tpu.dynamic_gather %get3A_951[%gather3A] in [0] : vector<16xf32>, vector<16xi32> -> vector<16xf32>
      %eq3A_956 = arith.constant 0 : i32
      %eq3A_957 = vector.broadcast %eq3A_956 : i32 to vector<16xi32>
      %eq3A_958 = arith.cmpi eq, %iota3A, %eq3A_957 : vector<16xi32>
      %slice3A_959 = vector.extract_strided_slice %get3A_24 {offsets = [0], sizes = [1], strides = [1]} : vector<16xf32> to vector<1xf32>
      %squeeze3A_960 = vector.extract %slice3A_959[0] : f32 from vector<1xf32>
      %mul3A_961 = vector.broadcast %squeeze3A_960 : f32 to vector<16xf32>
      %mul3A_962 = arith.mulf %gather3A_955, %mul3A_961 : vector<16xf32>
      %jit3A = arith.constant 0.000000e+00 : f32
      %broadcast_in_dim3A_963 = vector.broadcast %jit3A : f32 to vector<16xf32>
      %select_n3A = arith.select %eq3A_958, %mul3A_962, %broadcast_in_dim3A_963 : vector<16xi1>, vector<16xf32>
      %add3A_964 = arith.addf %scan3A_15, %select_n3A : vector<16xf32>
      %add3A_965 = arith.constant 0 : i32
      %add3A_966 = arith.addi %add3A_965, %shift_right_arithmetic3A_57 : i32
      %mul3A_967 = arith.constant 8 : i32
      %mul3A_968 = arith.muli %add3A_966, %mul3A_967 : i32
      %add3A_969 = arith.constant 1 : i32
      %add3A_970 = arith.addi %mul3A_968, %add3A_969 : i32
      %shift_right_arithmetic3A_971 = arith.constant 4 : i32
      %shift_right_arithmetic3A_972 = arith.shrsi %squeeze3A_26, %shift_right_arithmetic3A_971 : i32
      %and3A_973 = arith.constant 7 : i32
      %and3A_974 = arith.andi %shift_right_arithmetic3A_972, %and3A_973 : i32
      %mul3A_975 = arith.constant 16 : i32
      %mul3A_976 = arith.muli %and3A_974, %mul3A_975 : i32
      %get3A_977 = arith.index_cast %add3A_970 : i32 to index
      %get3A_978 = arith.index_cast %mul3A_976 : i32 to index
      %get3A_979 = tpu.vector_load %arg10[%get3A_977, %get3A_978] {strides = array<i32>} : memref<128x128xf32, #tpu.memory_space<vmem>>, vector<1x16xf32>,
      %get3A_980 = vector.shape_cast %get3A_979 : vector<1x16xf32> to vector<16xf32>
      %and3A_981 = arith.constant 15 : i32
      %and3A_982 = arith.andi %squeeze3A_26, %and3A_981 : i32
      %broadcast_in_dim3A_983 = vector.broadcast %and3A_982 : i32 to vector<16xi32>
      %reshape3A_984 = vector.shape_cast %broadcast_in_dim3A_983 : vector<16xi32> to vector<16x1xi32>
      %gather3A_985 = vector.shape_cast %reshape3A_984 : vector<16x1xi32> to vector<16xi32>
      %gather3A_986 = tpu.dynamic_gather %get3A_980[%gather3A_985] in [0] : vector<16xf32>, vector<16xi32> -> vector<16xf32>
      %eq3A_987 = arith.constant 1 : i32
      %eq3A_988 = vector.broadcast %eq3A_987 : i32 to vector<16xi32>
      %eq3A_989 = arith.cmpi eq, %iota3A, %eq3A_988 : vector<16xi32>
      %slice3A_990 = vector.extract_strided_slice %get3A_24 {offsets = [1], sizes = [1], strides = [1]} : vector<16xf32> to vector<1xf32>
      %squeeze3A_991 = vector.extract %slice3A_990[0] : f32 from vector<1xf32>
      %mul3A_992 = vector.broadcast %squeeze3A_991 : f32 to vector<16xf32>
      %mul3A_993 = arith.mulf %gather3A_986, %mul3A_992 : vector<16xf32>
      %jit3A_994 = arith.constant 0.000000e+00 : f32
      %broadcast_in_dim3A_995 = vector.broadcast %jit3A_994 : f32 to vector<16xf32>
      %select_n3A_996 = arith.select %eq3A_989, %mul3A_993, %broadcast_in_dim3A_995 : vector<16xi1>, vector<16xf32>
      %add3A_997 = arith.addf %add3A_964, %select_n3A_996 : vector<16xf32>
      %add3A_998 = arith.constant 0 : i32
      %add3A_999 = arith.addi %add3A_998, %shift_right_arithmetic3A_59 : i32
      %mul3A_1000 = arith.constant 8 : i32
      %mul3A_1001 = arith.muli %add3A_999, %mul3A_1000 : i32
      %add3A_1002 = arith.constant 2 : i32
      %add3A_1003 = arith.addi %mul3A_1001, %add3A_1002 : i32
      %shift_right_arithmetic3A_1004 = arith.constant 4 : i32
      %shift_right_arithmetic3A_1005 = arith.shrsi %squeeze3A_28, %shift_right_arithmetic3A_1004 : i32
      %and3A_1006 = arith.constant 7 : i32
      %and3A_1007 = arith.andi %shift_right_arithmetic3A_1005, %and3A_1006 : i32
      %mul3A_1008 = arith.constant 16 : i32
      %mul3A_1009 = arith.muli %and3A_1007, %mul3A_1008 : i32
      %get3A_1010 = arith.index_cast %add3A_1003 : i32 to index
      %get3A_1011 = arith.index_cast %mul3A_1009 : i32 to index
      %get3A_1012 = tpu.vector_load %arg10[%get3A_1010, %get3A_1011] {strides = array<i32>} : memref<128x128xf32, #tpu.memory_space<vmem>>, vector<1x16xf32>,
      %get3A_1013 = vector.shape_cast %get3A_1012 : vector<1x16xf32> to vector<16xf32>
      %and3A_1014 = arith.constant 15 : i32
      %and3A_1015 = arith.andi %squeeze3A_28, %and3A_1014 : i32
      %broadcast_in_dim3A_1016 = vector.broadcast %and3A_1015 : i32 to vector<16xi32>
      %reshape3A_1017 = vector.shape_cast %broadcast_in_dim3A_1016 : vector<16xi32> to vector<16x1xi32>
      %gather3A_1018 = vector.shape_cast %reshape3A_1017 : vector<16x1xi32> to vector<16xi32>
      %gather3A_1019 = tpu.dynamic_gather %get3A_1013[%gather3A_1018] in [0] : vector<16xf32>, vector<16xi32> -> vector<16xf32>
      %eq3A_1020 = arith.constant 2 : i32
      %eq3A_1021 = vector.broadcast %eq3A_1020 : i32 to vector<16xi32>
      %eq3A_1022 = arith.cmpi eq, %iota3A, %eq3A_1021 : vector<16xi32>
      %slice3A_1023 = vector.extract_strided_slice %get3A_24 {offsets = [2], sizes = [1], strides = [1]} : vector<16xf32> to vector<1xf32>
      %squeeze3A_1024 = vector.extract %slice3A_1023[0] : f32 from vector<1xf32>
      %mul3A_1025 = vector.broadcast %squeeze3A_1024 : f32 to vector<16xf32>
      %mul3A_1026 = arith.mulf %gather3A_1019, %mul3A_1025 : vector<16xf32>
      %jit3A_1027 = arith.constant 0.000000e+00 : f32
      %broadcast_in_dim3A_1028 = vector.broadcast %jit3A_1027 : f32 to vector<16xf32>
      %select_n3A_1029 = arith.select %eq3A_1022, %mul3A_1026, %broadcast_in_dim3A_1028 : vector<16xi1>, vector<16xf32>
      %add3A_1030 = arith.addf %add3A_997, %select_n3A_1029 : vector<16xf32>
      %add3A_1031 = arith.constant 0 : i32
      %add3A_1032 = arith.addi %add3A_1031, %shift_right_arithmetic3A_61 : i32
      %mul3A_1033 = arith.constant 8 : i32
      %mul3A_1034 = arith.muli %add3A_1032, %mul3A_1033 : i32
      %add3A_1035 = arith.constant 3 : i32
      %add3A_1036 = arith.addi %mul3A_1034, %add3A_1035 : i32
      %shift_right_arithmetic3A_1037 = arith.constant 4 : i32
      %shift_right_arithmetic3A_1038 = arith.shrsi %squeeze3A_30, %shift_right_arithmetic3A_1037 : i32
      %and3A_1039 = arith.constant 7 : i32
      %and3A_1040 = arith.andi %shift_right_arithmetic3A_1038, %and3A_1039 : i32
      %mul3A_1041 = arith.constant 16 : i32
      %mul3A_1042 = arith.muli %and3A_1040, %mul3A_1041 : i32
      %get3A_1043 = arith.index_cast %add3A_1036 : i32 to index
      %get3A_1044 = arith.index_cast %mul3A_1042 : i32 to index
      %get3A_1045 = tpu.vector_load %arg10[%get3A_1043, %get3A_1044] {strides = array<i32>} : memref<128x128xf32, #tpu.memory_space<vmem>>, vector<1x16xf32>,
      %get3A_1046 = vector.shape_cast %get3A_1045 : vector<1x16xf32> to vector<16xf32>
      %and3A_1047 = arith.constant 15 : i32
      %and3A_1048 = arith.andi %squeeze3A_30, %and3A_1047 : i32
      %broadcast_in_dim3A_1049 = vector.broadcast %and3A_1048 : i32 to vector<16xi32>
      %reshape3A_1050 = vector.shape_cast %broadcast_in_dim3A_1049 : vector<16xi32> to vector<16x1xi32>
      %gather3A_1051 = vector.shape_cast %reshape3A_1050 : vector<16x1xi32> to vector<16xi32>
      %gather3A_1052 = tpu.dynamic_gather %get3A_1046[%gather3A_1051] in [0] : vector<16xf32>, vector<16xi32> -> vector<16xf32>
      %eq3A_1053 = arith.constant 3 : i32
      %eq3A_1054 = vector.broadcast %eq3A_1053 : i32 to vector<16xi32>
      %eq3A_1055 = arith.cmpi eq, %iota3A, %eq3A_1054 : vector<16xi32>
      %slice3A_1056 = vector.extract_strided_slice %get3A_24 {offsets = [3], sizes = [1], strides = [1]} : vector<16xf32> to vector<1xf32>
      %squeeze3A_1057 = vector.extract %slice3A_1056[0] : f32 from vector<1xf32>
      %mul3A_1058 = vector.broadcast %squeeze3A_1057 : f32 to vector<16xf32>
      %mul3A_1059 = arith.mulf %gather3A_1052, %mul3A_1058 : vector<16xf32>
      %jit3A_1060 = arith.constant 0.000000e+00 : f32
      %broadcast_in_dim3A_1061 = vector.broadcast %jit3A_1060 : f32 to vector<16xf32>
      %select_n3A_1062 = arith.select %eq3A_1055, %mul3A_1059, %broadcast_in_dim3A_1061 : vector<16xi1>, vector<16xf32>
      %add3A_1063 = arith.addf %add3A_1030, %select_n3A_1062 : vector<16xf32>
      %add3A_1064 = arith.constant 0 : i32
      %add3A_1065 = arith.addi %add3A_1064, %shift_right_arithmetic3A_63 : i32
      %mul3A_1066 = arith.constant 8 : i32
      %mul3A_1067 = arith.muli %add3A_1065, %mul3A_1066 : i32
      %add3A_1068 = arith.constant 4 : i32
      %add3A_1069 = arith.addi %mul3A_1067, %add3A_1068 : i32
      %shift_right_arithmetic3A_1070 = arith.constant 4 : i32
      %shift_right_arithmetic3A_1071 = arith.shrsi %squeeze3A_32, %shift_right_arithmetic3A_1070 : i32
      %and3A_1072 = arith.constant 7 : i32
      %and3A_1073 = arith.andi %shift_right_arithmetic3A_1071, %and3A_1072 : i32
      %mul3A_1074 = arith.constant 16 : i32
      %mul3A_1075 = arith.muli %and3A_1073, %mul3A_1074 : i32
      %get3A_1076 = arith.index_cast %add3A_1069 : i32 to index
      %get3A_1077 = arith.index_cast %mul3A_1075 : i32 to index
      %get3A_1078 = tpu.vector_load %arg10[%get3A_1076, %get3A_1077] {strides = array<i32>} : memref<128x128xf32, #tpu.memory_space<vmem>>, vector<1x16xf32>,
      %get3A_1079 = vector.shape_cast %get3A_1078 : vector<1x16xf32> to vector<16xf32>
      %and3A_1080 = arith.constant 15 : i32
      %and3A_1081 = arith.andi %squeeze3A_32, %and3A_1080 : i32
      %broadcast_in_dim3A_1082 = vector.broadcast %and3A_1081 : i32 to vector<16xi32>
      %reshape3A_1083 = vector.shape_cast %broadcast_in_dim3A_1082 : vector<16xi32> to vector<16x1xi32>
      %gather3A_1084 = vector.shape_cast %reshape3A_1083 : vector<16x1xi32> to vector<16xi32>
      %gather3A_1085 = tpu.dynamic_gather %get3A_1079[%gather3A_1084] in [0] : vector<16xf32>, vector<16xi32> -> vector<16xf32>
      %eq3A_1086 = arith.constant 4 : i32
      %eq3A_1087 = vector.broadcast %eq3A_1086 : i32 to vector<16xi32>
      %eq3A_1088 = arith.cmpi eq, %iota3A, %eq3A_1087 : vector<16xi32>
      %slice3A_1089 = vector.extract_strided_slice %get3A_24 {offsets = [4], sizes = [1], strides = [1]} : vector<16xf32> to vector<1xf32>
      %squeeze3A_1090 = vector.extract %slice3A_1089[0] : f32 from vector<1xf32>
      %mul3A_1091 = vector.broadcast %squeeze3A_1090 : f32 to vector<16xf32>
      %mul3A_1092 = arith.mulf %gather3A_1085, %mul3A_1091 : vector<16xf32>
      %jit3A_1093 = arith.constant 0.000000e+00 : f32
      %broadcast_in_dim3A_1094 = vector.broadcast %jit3A_1093 : f32 to vector<16xf32>
      %select_n3A_1095 = arith.select %eq3A_1088, %mul3A_1092, %broadcast_in_dim3A_1094 : vector<16xi1>, vector<16xf32>
      %add3A_1096 = arith.addf %add3A_1063, %select_n3A_1095 : vector<16xf32>
      %add3A_1097 = arith.constant 0 : i32
      %add3A_1098 = arith.addi %add3A_1097, %shift_right_arithmetic3A_65 : i32
      %mul3A_1099 = arith.constant 8 : i32
      %mul3A_1100 = arith.muli %add3A_1098, %mul3A_1099 : i32
      %add3A_1101 = arith.constant 5 : i32
      %add3A_1102 = arith.addi %mul3A_1100, %add3A_1101 : i32
      %shift_right_arithmetic3A_1103 = arith.constant 4 : i32
      %shift_right_arithmetic3A_1104 = arith.shrsi %squeeze3A_34, %shift_right_arithmetic3A_1103 : i32
      %and3A_1105 = arith.constant 7 : i32
      %and3A_1106 = arith.andi %shift_right_arithmetic3A_1104, %and3A_1105 : i32
      %mul3A_1107 = arith.constant 16 : i32
      %mul3A_1108 = arith.muli %and3A_1106, %mul3A_1107 : i32
      %get3A_1109 = arith.index_cast %add3A_1102 : i32 to index
      %get3A_1110 = arith.index_cast %mul3A_1108 : i32 to index
      %get3A_1111 = tpu.vector_load %arg10[%get3A_1109, %get3A_1110] {strides = array<i32>} : memref<128x128xf32, #tpu.memory_space<vmem>>, vector<1x16xf32>,
      %get3A_1112 = vector.shape_cast %get3A_1111 : vector<1x16xf32> to vector<16xf32>
      %and3A_1113 = arith.constant 15 : i32
      %and3A_1114 = arith.andi %squeeze3A_34, %and3A_1113 : i32
      %broadcast_in_dim3A_1115 = vector.broadcast %and3A_1114 : i32 to vector<16xi32>
      %reshape3A_1116 = vector.shape_cast %broadcast_in_dim3A_1115 : vector<16xi32> to vector<16x1xi32>
      %gather3A_1117 = vector.shape_cast %reshape3A_1116 : vector<16x1xi32> to vector<16xi32>
      %gather3A_1118 = tpu.dynamic_gather %get3A_1112[%gather3A_1117] in [0] : vector<16xf32>, vector<16xi32> -> vector<16xf32>
      %eq3A_1119 = arith.constant 5 : i32
      %eq3A_1120 = vector.broadcast %eq3A_1119 : i32 to vector<16xi32>
      %eq3A_1121 = arith.cmpi eq, %iota3A, %eq3A_1120 : vector<16xi32>
      %slice3A_1122 = vector.extract_strided_slice %get3A_24 {offsets = [5], sizes = [1], strides = [1]} : vector<16xf32> to vector<1xf32>
      %squeeze3A_1123 = vector.extract %slice3A_1122[0] : f32 from vector<1xf32>
      %mul3A_1124 = vector.broadcast %squeeze3A_1123 : f32 to vector<16xf32>
      %mul3A_1125 = arith.mulf %gather3A_1118, %mul3A_1124 : vector<16xf32>
      %jit3A_1126 = arith.constant 0.000000e+00 : f32
      %broadcast_in_dim3A_1127 = vector.broadcast %jit3A_1126 : f32 to vector<16xf32>
      %select_n3A_1128 = arith.select %eq3A_1121, %mul3A_1125, %broadcast_in_dim3A_1127 : vector<16xi1>, vector<16xf32>
      %add3A_1129 = arith.addf %add3A_1096, %select_n3A_1128 : vector<16xf32>
      %add3A_1130 = arith.constant 0 : i32
      %add3A_1131 = arith.addi %add3A_1130, %shift_right_arithmetic3A_67 : i32
      %mul3A_1132 = arith.constant 8 : i32
      %mul3A_1133 = arith.muli %add3A_1131, %mul3A_1132 : i32
      %add3A_1134 = arith.constant 6 : i32
      %add3A_1135 = arith.addi %mul3A_1133, %add3A_1134 : i32
      %shift_right_arithmetic3A_1136 = arith.constant 4 : i32
      %shift_right_arithmetic3A_1137 = arith.shrsi %squeeze3A_36, %shift_right_arithmetic3A_1136 : i32
      %and3A_1138 = arith.constant 7 : i32
      %and3A_1139 = arith.andi %shift_right_arithmetic3A_1137, %and3A_1138 : i32
      %mul3A_1140 = arith.constant 16 : i32
      %mul3A_1141 = arith.muli %and3A_1139, %mul3A_1140 : i32
      %get3A_1142 = arith.index_cast %add3A_1135 : i32 to index
      %get3A_1143 = arith.index_cast %mul3A_1141 : i32 to index
      %get3A_1144 = tpu.vector_load %arg10[%get3A_1142, %get3A_1143] {strides = array<i32>} : memref<128x128xf32, #tpu.memory_space<vmem>>, vector<1x16xf32>,
      %get3A_1145 = vector.shape_cast %get3A_1144 : vector<1x16xf32> to vector<16xf32>
      %and3A_1146 = arith.constant 15 : i32
      %and3A_1147 = arith.andi %squeeze3A_36, %and3A_1146 : i32
      %broadcast_in_dim3A_1148 = vector.broadcast %and3A_1147 : i32 to vector<16xi32>
      %reshape3A_1149 = vector.shape_cast %broadcast_in_dim3A_1148 : vector<16xi32> to vector<16x1xi32>
      %gather3A_1150 = vector.shape_cast %reshape3A_1149 : vector<16x1xi32> to vector<16xi32>
      %gather3A_1151 = tpu.dynamic_gather %get3A_1145[%gather3A_1150] in [0] : vector<16xf32>, vector<16xi32> -> vector<16xf32>
      %eq3A_1152 = arith.constant 6 : i32
      %eq3A_1153 = vector.broadcast %eq3A_1152 : i32 to vector<16xi32>
      %eq3A_1154 = arith.cmpi eq, %iota3A, %eq3A_1153 : vector<16xi32>
      %slice3A_1155 = vector.extract_strided_slice %get3A_24 {offsets = [6], sizes = [1], strides = [1]} : vector<16xf32> to vector<1xf32>
      %squeeze3A_1156 = vector.extract %slice3A_1155[0] : f32 from vector<1xf32>
      %mul3A_1157 = vector.broadcast %squeeze3A_1156 : f32 to vector<16xf32>
      %mul3A_1158 = arith.mulf %gather3A_1151, %mul3A_1157 : vector<16xf32>
      %jit3A_1159 = arith.constant 0.000000e+00 : f32
      %broadcast_in_dim3A_1160 = vector.broadcast %jit3A_1159 : f32 to vector<16xf32>
      %select_n3A_1161 = arith.select %eq3A_1154, %mul3A_1158, %broadcast_in_dim3A_1160 : vector<16xi1>, vector<16xf32>
      %add3A_1162 = arith.addf %add3A_1129, %select_n3A_1161 : vector<16xf32>
      %add3A_1163 = arith.constant 0 : i32
      %add3A_1164 = arith.addi %add3A_1163, %shift_right_arithmetic3A_69 : i32
      %mul3A_1165 = arith.constant 8 : i32
      %mul3A_1166 = arith.muli %add3A_1164, %mul3A_1165 : i32
      %add3A_1167 = arith.constant 7 : i32
      %add3A_1168 = arith.addi %mul3A_1166, %add3A_1167 : i32
      %shift_right_arithmetic3A_1169 = arith.constant 4 : i32
      %shift_right_arithmetic3A_1170 = arith.shrsi %squeeze3A_38, %shift_right_arithmetic3A_1169 : i32
      %and3A_1171 = arith.constant 7 : i32
      %and3A_1172 = arith.andi %shift_right_arithmetic3A_1170, %and3A_1171 : i32
      %mul3A_1173 = arith.constant 16 : i32
      %mul3A_1174 = arith.muli %and3A_1172, %mul3A_1173 : i32
      %get3A_1175 = arith.index_cast %add3A_1168 : i32 to index
      %get3A_1176 = arith.index_cast %mul3A_1174 : i32 to index
      %get3A_1177 = tpu.vector_load %arg10[%get3A_1175, %get3A_1176] {strides = array<i32>} : memref<128x128xf32, #tpu.memory_space<vmem>>, vector<1x16xf32>,
      %get3A_1178 = vector.shape_cast %get3A_1177 : vector<1x16xf32> to vector<16xf32>
      %and3A_1179 = arith.constant 15 : i32
      %and3A_1180 = arith.andi %squeeze3A_38, %and3A_1179 : i32
      %broadcast_in_dim3A_1181 = vector.broadcast %and3A_1180 : i32 to vector<16xi32>
      %reshape3A_1182 = vector.shape_cast %broadcast_in_dim3A_1181 : vector<16xi32> to vector<16x1xi32>
      %gather3A_1183 = vector.shape_cast %reshape3A_1182 : vector<16x1xi32> to vector<16xi32>
      %gather3A_1184 = tpu.dynamic_gather %get3A_1178[%gather3A_1183] in [0] : vector<16xf32>, vector<16xi32> -> vector<16xf32>
      %eq3A_1185 = arith.constant 7 : i32
      %eq3A_1186 = vector.broadcast %eq3A_1185 : i32 to vector<16xi32>
      %eq3A_1187 = arith.cmpi eq, %iota3A, %eq3A_1186 : vector<16xi32>
      %slice3A_1188 = vector.extract_strided_slice %get3A_24 {offsets = [7], sizes = [1], strides = [1]} : vector<16xf32> to vector<1xf32>
      %squeeze3A_1189 = vector.extract %slice3A_1188[0] : f32 from vector<1xf32>
      %mul3A_1190 = vector.broadcast %squeeze3A_1189 : f32 to vector<16xf32>
      %mul3A_1191 = arith.mulf %gather3A_1184, %mul3A_1190 : vector<16xf32>
      %jit3A_1192 = arith.constant 0.000000e+00 : f32
      %broadcast_in_dim3A_1193 = vector.broadcast %jit3A_1192 : f32 to vector<16xf32>
      %select_n3A_1194 = arith.select %eq3A_1187, %mul3A_1191, %broadcast_in_dim3A_1193 : vector<16xi1>, vector<16xf32>
      %add3A_1195 = arith.addf %add3A_1162, %select_n3A_1194 : vector<16xf32>
      %add3A_1196 = arith.constant 8 : i32
      %add3A_1197 = arith.addi %add3A_1196, %shift_right_arithmetic3A_71 : i32
      %mul3A_1198 = arith.constant 8 : i32
      %mul3A_1199 = arith.muli %add3A_1197, %mul3A_1198 : i32
      %add3A_1200 = arith.constant 0 : i32
      %add3A_1201 = arith.addi %mul3A_1199, %add3A_1200 : i32
      %shift_right_arithmetic3A_1202 = arith.constant 4 : i32
      %shift_right_arithmetic3A_1203 = arith.shrsi %squeeze3A_40, %shift_right_arithmetic3A_1202 : i32
      %and3A_1204 = arith.constant 7 : i32
      %and3A_1205 = arith.andi %shift_right_arithmetic3A_1203, %and3A_1204 : i32
      %mul3A_1206 = arith.constant 16 : i32
      %mul3A_1207 = arith.muli %and3A_1205, %mul3A_1206 : i32
      %get3A_1208 = arith.index_cast %add3A_1201 : i32 to index
      %get3A_1209 = arith.index_cast %mul3A_1207 : i32 to index
      %get3A_1210 = tpu.vector_load %arg10[%get3A_1208, %get3A_1209] {strides = array<i32>} : memref<128x128xf32, #tpu.memory_space<vmem>>, vector<1x16xf32>,
      %get3A_1211 = vector.shape_cast %get3A_1210 : vector<1x16xf32> to vector<16xf32>
      %and3A_1212 = arith.constant 15 : i32
      %and3A_1213 = arith.andi %squeeze3A_40, %and3A_1212 : i32
      %broadcast_in_dim3A_1214 = vector.broadcast %and3A_1213 : i32 to vector<16xi32>
      %reshape3A_1215 = vector.shape_cast %broadcast_in_dim3A_1214 : vector<16xi32> to vector<16x1xi32>
      %gather3A_1216 = vector.shape_cast %reshape3A_1215 : vector<16x1xi32> to vector<16xi32>
      %gather3A_1217 = tpu.dynamic_gather %get3A_1211[%gather3A_1216] in [0] : vector<16xf32>, vector<16xi32> -> vector<16xf32>
      %eq3A_1218 = arith.constant 8 : i32
      %eq3A_1219 = vector.broadcast %eq3A_1218 : i32 to vector<16xi32>
      %eq3A_1220 = arith.cmpi eq, %iota3A, %eq3A_1219 : vector<16xi32>
      %slice3A_1221 = vector.extract_strided_slice %get3A_24 {offsets = [8], sizes = [1], strides = [1]} : vector<16xf32> to vector<1xf32>
      %squeeze3A_1222 = vector.extract %slice3A_1221[0] : f32 from vector<1xf32>
      %mul3A_1223 = vector.broadcast %squeeze3A_1222 : f32 to vector<16xf32>
      %mul3A_1224 = arith.mulf %gather3A_1217, %mul3A_1223 : vector<16xf32>
      %jit3A_1225 = arith.constant 0.000000e+00 : f32
      %broadcast_in_dim3A_1226 = vector.broadcast %jit3A_1225 : f32 to vector<16xf32>
      %select_n3A_1227 = arith.select %eq3A_1220, %mul3A_1224, %broadcast_in_dim3A_1226 : vector<16xi1>, vector<16xf32>
      %add3A_1228 = arith.addf %add3A_1195, %select_n3A_1227 : vector<16xf32>
      %add3A_1229 = arith.constant 8 : i32
      %add3A_1230 = arith.addi %add3A_1229, %shift_right_arithmetic3A_73 : i32
      %mul3A_1231 = arith.constant 8 : i32
      %mul3A_1232 = arith.muli %add3A_1230, %mul3A_1231 : i32
      %add3A_1233 = arith.constant 1 : i32
      %add3A_1234 = arith.addi %mul3A_1232, %add3A_1233 : i32
      %shift_right_arithmetic3A_1235 = arith.constant 4 : i32
      %shift_right_arithmetic3A_1236 = arith.shrsi %squeeze3A_42, %shift_right_arithmetic3A_1235 : i32
      %and3A_1237 = arith.constant 7 : i32
      %and3A_1238 = arith.andi %shift_right_arithmetic3A_1236, %and3A_1237 : i32
      %mul3A_1239 = arith.constant 16 : i32
      %mul3A_1240 = arith.muli %and3A_1238, %mul3A_1239 : i32
      %get3A_1241 = arith.index_cast %add3A_1234 : i32 to index
      %get3A_1242 = arith.index_cast %mul3A_1240 : i32 to index
      %get3A_1243 = tpu.vector_load %arg10[%get3A_1241, %get3A_1242] {strides = array<i32>} : memref<128x128xf32, #tpu.memory_space<vmem>>, vector<1x16xf32>,
      %get3A_1244 = vector.shape_cast %get3A_1243 : vector<1x16xf32> to vector<16xf32>
      %and3A_1245 = arith.constant 15 : i32
      %and3A_1246 = arith.andi %squeeze3A_42, %and3A_1245 : i32
      %broadcast_in_dim3A_1247 = vector.broadcast %and3A_1246 : i32 to vector<16xi32>
      %reshape3A_1248 = vector.shape_cast %broadcast_in_dim3A_1247 : vector<16xi32> to vector<16x1xi32>
      %gather3A_1249 = vector.shape_cast %reshape3A_1248 : vector<16x1xi32> to vector<16xi32>
      %gather3A_1250 = tpu.dynamic_gather %get3A_1244[%gather3A_1249] in [0] : vector<16xf32>, vector<16xi32> -> vector<16xf32>
      %eq3A_1251 = arith.constant 9 : i32
      %eq3A_1252 = vector.broadcast %eq3A_1251 : i32 to vector<16xi32>
      %eq3A_1253 = arith.cmpi eq, %iota3A, %eq3A_1252 : vector<16xi32>
      %slice3A_1254 = vector.extract_strided_slice %get3A_24 {offsets = [9], sizes = [1], strides = [1]} : vector<16xf32> to vector<1xf32>
      %squeeze3A_1255 = vector.extract %slice3A_1254[0] : f32 from vector<1xf32>
      %mul3A_1256 = vector.broadcast %squeeze3A_1255 : f32 to vector<16xf32>
      %mul3A_1257 = arith.mulf %gather3A_1250, %mul3A_1256 : vector<16xf32>
      %jit3A_1258 = arith.constant 0.000000e+00 : f32
      %broadcast_in_dim3A_1259 = vector.broadcast %jit3A_1258 : f32 to vector<16xf32>
      %select_n3A_1260 = arith.select %eq3A_1253, %mul3A_1257, %broadcast_in_dim3A_1259 : vector<16xi1>, vector<16xf32>
      %add3A_1261 = arith.addf %add3A_1228, %select_n3A_1260 : vector<16xf32>
      %add3A_1262 = arith.constant 8 : i32
      %add3A_1263 = arith.addi %add3A_1262, %shift_right_arithmetic3A_75 : i32
      %mul3A_1264 = arith.constant 8 : i32
      %mul3A_1265 = arith.muli %add3A_1263, %mul3A_1264 : i32
      %add3A_1266 = arith.constant 2 : i32
      %add3A_1267 = arith.addi %mul3A_1265, %add3A_1266 : i32
      %shift_right_arithmetic3A_1268 = arith.constant 4 : i32
      %shift_right_arithmetic3A_1269 = arith.shrsi %squeeze3A_44, %shift_right_arithmetic3A_1268 : i32
      %and3A_1270 = arith.constant 7 : i32
      %and3A_1271 = arith.andi %shift_right_arithmetic3A_1269, %and3A_1270 : i32
      %mul3A_1272 = arith.constant 16 : i32
      %mul3A_1273 = arith.muli %and3A_1271, %mul3A_1272 : i32
      %get3A_1274 = arith.index_cast %add3A_1267 : i32 to index
      %get3A_1275 = arith.index_cast %mul3A_1273 : i32 to index
      %get3A_1276 = tpu.vector_load %arg10[%get3A_1274, %get3A_1275] {strides = array<i32>} : memref<128x128xf32, #tpu.memory_space<vmem>>, vector<1x16xf32>,
      %get3A_1277 = vector.shape_cast %get3A_1276 : vector<1x16xf32> to vector<16xf32>
      %and3A_1278 = arith.constant 15 : i32
      %and3A_1279 = arith.andi %squeeze3A_44, %and3A_1278 : i32
      %broadcast_in_dim3A_1280 = vector.broadcast %and3A_1279 : i32 to vector<16xi32>
      %reshape3A_1281 = vector.shape_cast %broadcast_in_dim3A_1280 : vector<16xi32> to vector<16x1xi32>
      %gather3A_1282 = vector.shape_cast %reshape3A_1281 : vector<16x1xi32> to vector<16xi32>
      %gather3A_1283 = tpu.dynamic_gather %get3A_1277[%gather3A_1282] in [0] : vector<16xf32>, vector<16xi32> -> vector<16xf32>
      %eq3A_1284 = arith.constant 10 : i32
      %eq3A_1285 = vector.broadcast %eq3A_1284 : i32 to vector<16xi32>
      %eq3A_1286 = arith.cmpi eq, %iota3A, %eq3A_1285 : vector<16xi32>
      %slice3A_1287 = vector.extract_strided_slice %get3A_24 {offsets = [10], sizes = [1], strides = [1]} : vector<16xf32> to vector<1xf32>
      %squeeze3A_1288 = vector.extract %slice3A_1287[0] : f32 from vector<1xf32>
      %mul3A_1289 = vector.broadcast %squeeze3A_1288 : f32 to vector<16xf32>
      %mul3A_1290 = arith.mulf %gather3A_1283, %mul3A_1289 : vector<16xf32>
      %jit3A_1291 = arith.constant 0.000000e+00 : f32
      %broadcast_in_dim3A_1292 = vector.broadcast %jit3A_1291 : f32 to vector<16xf32>
      %select_n3A_1293 = arith.select %eq3A_1286, %mul3A_1290, %broadcast_in_dim3A_1292 : vector<16xi1>, vector<16xf32>
      %add3A_1294 = arith.addf %add3A_1261, %select_n3A_1293 : vector<16xf32>
      %add3A_1295 = arith.constant 8 : i32
      %add3A_1296 = arith.addi %add3A_1295, %shift_right_arithmetic3A_77 : i32
      %mul3A_1297 = arith.constant 8 : i32
      %mul3A_1298 = arith.muli %add3A_1296, %mul3A_1297 : i32
      %add3A_1299 = arith.constant 3 : i32
      %add3A_1300 = arith.addi %mul3A_1298, %add3A_1299 : i32
      %shift_right_arithmetic3A_1301 = arith.constant 4 : i32
      %shift_right_arithmetic3A_1302 = arith.shrsi %squeeze3A_46, %shift_right_arithmetic3A_1301 : i32
      %and3A_1303 = arith.constant 7 : i32
      %and3A_1304 = arith.andi %shift_right_arithmetic3A_1302, %and3A_1303 : i32
      %mul3A_1305 = arith.constant 16 : i32
      %mul3A_1306 = arith.muli %and3A_1304, %mul3A_1305 : i32
      %get3A_1307 = arith.index_cast %add3A_1300 : i32 to index
      %get3A_1308 = arith.index_cast %mul3A_1306 : i32 to index
      %get3A_1309 = tpu.vector_load %arg10[%get3A_1307, %get3A_1308] {strides = array<i32>} : memref<128x128xf32, #tpu.memory_space<vmem>>, vector<1x16xf32>,
      %get3A_1310 = vector.shape_cast %get3A_1309 : vector<1x16xf32> to vector<16xf32>
      %and3A_1311 = arith.constant 15 : i32
      %and3A_1312 = arith.andi %squeeze3A_46, %and3A_1311 : i32
      %broadcast_in_dim3A_1313 = vector.broadcast %and3A_1312 : i32 to vector<16xi32>
      %reshape3A_1314 = vector.shape_cast %broadcast_in_dim3A_1313 : vector<16xi32> to vector<16x1xi32>
      %gather3A_1315 = vector.shape_cast %reshape3A_1314 : vector<16x1xi32> to vector<16xi32>
      %gather3A_1316 = tpu.dynamic_gather %get3A_1310[%gather3A_1315] in [0] : vector<16xf32>, vector<16xi32> -> vector<16xf32>
      %eq3A_1317 = arith.constant 11 : i32
      %eq3A_1318 = vector.broadcast %eq3A_1317 : i32 to vector<16xi32>
      %eq3A_1319 = arith.cmpi eq, %iota3A, %eq3A_1318 : vector<16xi32>
      %slice3A_1320 = vector.extract_strided_slice %get3A_24 {offsets = [11], sizes = [1], strides = [1]} : vector<16xf32> to vector<1xf32>
      %squeeze3A_1321 = vector.extract %slice3A_1320[0] : f32 from vector<1xf32>
      %mul3A_1322 = vector.broadcast %squeeze3A_1321 : f32 to vector<16xf32>
      %mul3A_1323 = arith.mulf %gather3A_1316, %mul3A_1322 : vector<16xf32>
      %jit3A_1324 = arith.constant 0.000000e+00 : f32
      %broadcast_in_dim3A_1325 = vector.broadcast %jit3A_1324 : f32 to vector<16xf32>
      %select_n3A_1326 = arith.select %eq3A_1319, %mul3A_1323, %broadcast_in_dim3A_1325 : vector<16xi1>, vector<16xf32>
      %add3A_1327 = arith.addf %add3A_1294, %select_n3A_1326 : vector<16xf32>
      %add3A_1328 = arith.constant 8 : i32
      %add3A_1329 = arith.addi %add3A_1328, %shift_right_arithmetic3A_79 : i32
      %mul3A_1330 = arith.constant 8 : i32
      %mul3A_1331 = arith.muli %add3A_1329, %mul3A_1330 : i32
      %add3A_1332 = arith.constant 4 : i32
      %add3A_1333 = arith.addi %mul3A_1331, %add3A_1332 : i32
      %shift_right_arithmetic3A_1334 = arith.constant 4 : i32
      %shift_right_arithmetic3A_1335 = arith.shrsi %squeeze3A_48, %shift_right_arithmetic3A_1334 : i32
      %and3A_1336 = arith.constant 7 : i32
      %and3A_1337 = arith.andi %shift_right_arithmetic3A_1335, %and3A_1336 : i32
      %mul3A_1338 = arith.constant 16 : i32
      %mul3A_1339 = arith.muli %and3A_1337, %mul3A_1338 : i32
      %get3A_1340 = arith.index_cast %add3A_1333 : i32 to index
      %get3A_1341 = arith.index_cast %mul3A_1339 : i32 to index
      %get3A_1342 = tpu.vector_load %arg10[%get3A_1340, %get3A_1341] {strides = array<i32>} : memref<128x128xf32, #tpu.memory_space<vmem>>, vector<1x16xf32>,
      %get3A_1343 = vector.shape_cast %get3A_1342 : vector<1x16xf32> to vector<16xf32>
      %and3A_1344 = arith.constant 15 : i32
      %and3A_1345 = arith.andi %squeeze3A_48, %and3A_1344 : i32
      %broadcast_in_dim3A_1346 = vector.broadcast %and3A_1345 : i32 to vector<16xi32>
      %reshape3A_1347 = vector.shape_cast %broadcast_in_dim3A_1346 : vector<16xi32> to vector<16x1xi32>
      %gather3A_1348 = vector.shape_cast %reshape3A_1347 : vector<16x1xi32> to vector<16xi32>
      %gather3A_1349 = tpu.dynamic_gather %get3A_1343[%gather3A_1348] in [0] : vector<16xf32>, vector<16xi32> -> vector<16xf32>
      %eq3A_1350 = arith.constant 12 : i32
      %eq3A_1351 = vector.broadcast %eq3A_1350 : i32 to vector<16xi32>
      %eq3A_1352 = arith.cmpi eq, %iota3A, %eq3A_1351 : vector<16xi32>
      %slice3A_1353 = vector.extract_strided_slice %get3A_24 {offsets = [12], sizes = [1], strides = [1]} : vector<16xf32> to vector<1xf32>
      %squeeze3A_1354 = vector.extract %slice3A_1353[0] : f32 from vector<1xf32>
      %mul3A_1355 = vector.broadcast %squeeze3A_1354 : f32 to vector<16xf32>
      %mul3A_1356 = arith.mulf %gather3A_1349, %mul3A_1355 : vector<16xf32>
      %jit3A_1357 = arith.constant 0.000000e+00 : f32
      %broadcast_in_dim3A_1358 = vector.broadcast %jit3A_1357 : f32 to vector<16xf32>
      %select_n3A_1359 = arith.select %eq3A_1352, %mul3A_1356, %broadcast_in_dim3A_1358 : vector<16xi1>, vector<16xf32>
      %add3A_1360 = arith.addf %add3A_1327, %select_n3A_1359 : vector<16xf32>
      %add3A_1361 = arith.constant 8 : i32
      %add3A_1362 = arith.addi %add3A_1361, %shift_right_arithmetic3A_81 : i32
      %mul3A_1363 = arith.constant 8 : i32
      %mul3A_1364 = arith.muli %add3A_1362, %mul3A_1363 : i32
      %add3A_1365 = arith.constant 5 : i32
      %add3A_1366 = arith.addi %mul3A_1364, %add3A_1365 : i32
      %shift_right_arithmetic3A_1367 = arith.constant 4 : i32
      %shift_right_arithmetic3A_1368 = arith.shrsi %squeeze3A_50, %shift_right_arithmetic3A_1367 : i32
      %and3A_1369 = arith.constant 7 : i32
      %and3A_1370 = arith.andi %shift_right_arithmetic3A_1368, %and3A_1369 : i32
      %mul3A_1371 = arith.constant 16 : i32
      %mul3A_1372 = arith.muli %and3A_1370, %mul3A_1371 : i32
      %get3A_1373 = arith.index_cast %add3A_1366 : i32 to index
      %get3A_1374 = arith.index_cast %mul3A_1372 : i32 to index
      %get3A_1375 = tpu.vector_load %arg10[%get3A_1373, %get3A_1374] {strides = array<i32>} : memref<128x128xf32, #tpu.memory_space<vmem>>, vector<1x16xf32>,
      %get3A_1376 = vector.shape_cast %get3A_1375 : vector<1x16xf32> to vector<16xf32>
      %and3A_1377 = arith.constant 15 : i32
      %and3A_1378 = arith.andi %squeeze3A_50, %and3A_1377 : i32
      %broadcast_in_dim3A_1379 = vector.broadcast %and3A_1378 : i32 to vector<16xi32>
      %reshape3A_1380 = vector.shape_cast %broadcast_in_dim3A_1379 : vector<16xi32> to vector<16x1xi32>
      %gather3A_1381 = vector.shape_cast %reshape3A_1380 : vector<16x1xi32> to vector<16xi32>
      %gather3A_1382 = tpu.dynamic_gather %get3A_1376[%gather3A_1381] in [0] : vector<16xf32>, vector<16xi32> -> vector<16xf32>
      %eq3A_1383 = arith.constant 13 : i32
      %eq3A_1384 = vector.broadcast %eq3A_1383 : i32 to vector<16xi32>
      %eq3A_1385 = arith.cmpi eq, %iota3A, %eq3A_1384 : vector<16xi32>
      %slice3A_1386 = vector.extract_strided_slice %get3A_24 {offsets = [13], sizes = [1], strides = [1]} : vector<16xf32> to vector<1xf32>
      %squeeze3A_1387 = vector.extract %slice3A_1386[0] : f32 from vector<1xf32>
      %mul3A_1388 = vector.broadcast %squeeze3A_1387 : f32 to vector<16xf32>
      %mul3A_1389 = arith.mulf %gather3A_1382, %mul3A_1388 : vector<16xf32>
      %jit3A_1390 = arith.constant 0.000000e+00 : f32
      %broadcast_in_dim3A_1391 = vector.broadcast %jit3A_1390 : f32 to vector<16xf32>
      %select_n3A_1392 = arith.select %eq3A_1385, %mul3A_1389, %broadcast_in_dim3A_1391 : vector<16xi1>, vector<16xf32>
      %add3A_1393 = arith.addf %add3A_1360, %select_n3A_1392 : vector<16xf32>
      %add3A_1394 = arith.constant 8 : i32
      %add3A_1395 = arith.addi %add3A_1394, %shift_right_arithmetic3A_83 : i32
      %mul3A_1396 = arith.constant 8 : i32
      %mul3A_1397 = arith.muli %add3A_1395, %mul3A_1396 : i32
      %add3A_1398 = arith.constant 6 : i32
      %add3A_1399 = arith.addi %mul3A_1397, %add3A_1398 : i32
      %shift_right_arithmetic3A_1400 = arith.constant 4 : i32
      %shift_right_arithmetic3A_1401 = arith.shrsi %squeeze3A_52, %shift_right_arithmetic3A_1400 : i32
      %and3A_1402 = arith.constant 7 : i32
      %and3A_1403 = arith.andi %shift_right_arithmetic3A_1401, %and3A_1402 : i32
      %mul3A_1404 = arith.constant 16 : i32
      %mul3A_1405 = arith.muli %and3A_1403, %mul3A_1404 : i32
      %get3A_1406 = arith.index_cast %add3A_1399 : i32 to index
      %get3A_1407 = arith.index_cast %mul3A_1405 : i32 to index
      %get3A_1408 = tpu.vector_load %arg10[%get3A_1406, %get3A_1407] {strides = array<i32>} : memref<128x128xf32, #tpu.memory_space<vmem>>, vector<1x16xf32>,
      %get3A_1409 = vector.shape_cast %get3A_1408 : vector<1x16xf32> to vector<16xf32>
      %and3A_1410 = arith.constant 15 : i32
      %and3A_1411 = arith.andi %squeeze3A_52, %and3A_1410 : i32
      %broadcast_in_dim3A_1412 = vector.broadcast %and3A_1411 : i32 to vector<16xi32>
      %reshape3A_1413 = vector.shape_cast %broadcast_in_dim3A_1412 : vector<16xi32> to vector<16x1xi32>
      %gather3A_1414 = vector.shape_cast %reshape3A_1413 : vector<16x1xi32> to vector<16xi32>
      %gather3A_1415 = tpu.dynamic_gather %get3A_1409[%gather3A_1414] in [0] : vector<16xf32>, vector<16xi32> -> vector<16xf32>
      %eq3A_1416 = arith.constant 14 : i32
      %eq3A_1417 = vector.broadcast %eq3A_1416 : i32 to vector<16xi32>
      %eq3A_1418 = arith.cmpi eq, %iota3A, %eq3A_1417 : vector<16xi32>
      %slice3A_1419 = vector.extract_strided_slice %get3A_24 {offsets = [14], sizes = [1], strides = [1]} : vector<16xf32> to vector<1xf32>
      %squeeze3A_1420 = vector.extract %slice3A_1419[0] : f32 from vector<1xf32>
      %mul3A_1421 = vector.broadcast %squeeze3A_1420 : f32 to vector<16xf32>
      %mul3A_1422 = arith.mulf %gather3A_1415, %mul3A_1421 : vector<16xf32>
      %jit3A_1423 = arith.constant 0.000000e+00 : f32
      %broadcast_in_dim3A_1424 = vector.broadcast %jit3A_1423 : f32 to vector<16xf32>
      %select_n3A_1425 = arith.select %eq3A_1418, %mul3A_1422, %broadcast_in_dim3A_1424 : vector<16xi1>, vector<16xf32>
      %add3A_1426 = arith.addf %add3A_1393, %select_n3A_1425 : vector<16xf32>
      %add3A_1427 = arith.constant 8 : i32
      %add3A_1428 = arith.addi %add3A_1427, %shift_right_arithmetic3A_85 : i32
      %mul3A_1429 = arith.constant 8 : i32
      %mul3A_1430 = arith.muli %add3A_1428, %mul3A_1429 : i32
      %add3A_1431 = arith.constant 7 : i32
      %add3A_1432 = arith.addi %mul3A_1430, %add3A_1431 : i32
      %shift_right_arithmetic3A_1433 = arith.constant 4 : i32
      %shift_right_arithmetic3A_1434 = arith.shrsi %squeeze3A_54, %shift_right_arithmetic3A_1433 : i32
      %and3A_1435 = arith.constant 7 : i32
      %and3A_1436 = arith.andi %shift_right_arithmetic3A_1434, %and3A_1435 : i32
      %mul3A_1437 = arith.constant 16 : i32
      %mul3A_1438 = arith.muli %and3A_1436, %mul3A_1437 : i32
      %get3A_1439 = arith.index_cast %add3A_1432 : i32 to index
      %get3A_1440 = arith.index_cast %mul3A_1438 : i32 to index
      %get3A_1441 = tpu.vector_load %arg10[%get3A_1439, %get3A_1440] {strides = array<i32>} : memref<128x128xf32, #tpu.memory_space<vmem>>, vector<1x16xf32>,
      %get3A_1442 = vector.shape_cast %get3A_1441 : vector<1x16xf32> to vector<16xf32>
      %and3A_1443 = arith.constant 15 : i32
      %and3A_1444 = arith.andi %squeeze3A_54, %and3A_1443 : i32
      %broadcast_in_dim3A_1445 = vector.broadcast %and3A_1444 : i32 to vector<16xi32>
      %reshape3A_1446 = vector.shape_cast %broadcast_in_dim3A_1445 : vector<16xi32> to vector<16x1xi32>
      %gather3A_1447 = vector.shape_cast %reshape3A_1446 : vector<16x1xi32> to vector<16xi32>
      %gather3A_1448 = tpu.dynamic_gather %get3A_1442[%gather3A_1447] in [0] : vector<16xf32>, vector<16xi32> -> vector<16xf32>
      %eq3A_1449 = arith.constant 15 : i32
      %eq3A_1450 = vector.broadcast %eq3A_1449 : i32 to vector<16xi32>
      %eq3A_1451 = arith.cmpi eq, %iota3A, %eq3A_1450 : vector<16xi32>
      %slice3A_1452 = vector.extract_strided_slice %get3A_24 {offsets = [15], sizes = [1], strides = [1]} : vector<16xf32> to vector<1xf32>
      %squeeze3A_1453 = vector.extract %slice3A_1452[0] : f32 from vector<1xf32>
      %mul3A_1454 = vector.broadcast %squeeze3A_1453 : f32 to vector<16xf32>
      %mul3A_1455 = arith.mulf %gather3A_1448, %mul3A_1454 : vector<16xf32>
      %jit3A_1456 = arith.constant 0.000000e+00 : f32
      %broadcast_in_dim3A_1457 = vector.broadcast %jit3A_1456 : f32 to vector<16xf32>
      %select_n3A_1458 = arith.select %eq3A_1451, %mul3A_1455, %broadcast_in_dim3A_1457 : vector<16xi1>, vector<16xf32>
      %add3A_1459 = arith.addf %add3A_1426, %select_n3A_1458 : vector<16xf32>
      scf.yield %add3A_1459 : vector<16xf32>
    }
    %scan3A_8 = arith.constant 32 : i32
    %swap3A = arith.constant 0 : index
    %swap3A_9 = tpu.vector_load %arg11[%swap3A] {strides = array<i32>} : memref<16xf32, #tpu.memory_space<vmem>>, vector<16xf32>,
    %swap3A_10 = vector.shape_cast %swap3A_9 : vector<16xf32> to vector<16xf32>
    %swap3A_11 = vector.shape_cast %scan3A_7 : vector<16xf32> to vector<16xf32>
    tpu.vector_store %arg11[%swap3A], %swap3A_11 {strides = array<i32>} : memref<16xf32, #tpu.memory_space<vmem>>, vector<16xf32>,
    "tpu.region"() ({
      %run_scoped3A = tpu.sem_alloc : memref<!tpu.dma_semaphore, #tpu.memory_space<semaphore_mem>>
      %dma_start3A = arith.constant 0 : i32
      %dma_start3A_14 = tpu.memref_slice %arg7[%add3A, %dma_start3A] : memref<32x16xf32, #tpu.memory_space<hbm>> -> memref<1x16xf32, #tpu.memory_space<hbm>>
      %dma_start3A_15 = tpu.memref_squeeze %dma_start3A_14 : memref<1x16xf32, #tpu.memory_space<hbm>> -> memref<16xf32, #tpu.memory_space<hbm>>
      %dma_start3A_16 = arith.constant 0 : i32
      %dma_start3A_17 = tpu.memref_slice %arg7[%add3A, %dma_start3A_16] : memref<32x16xf32, #tpu.memory_space<hbm>> -> memref<1x16xf32, #tpu.memory_space<hbm>>
      %dma_start3A_18 = tpu.memref_squeeze %dma_start3A_17 : memref<1x16xf32, #tpu.memory_space<hbm>> -> memref<16xf32, #tpu.memory_space<hbm>>
      tpu.enqueue_dma source(%arg11 : memref<16xf32, #tpu.memory_space<vmem>>) target(%dma_start3A_18 : memref<16xf32, #tpu.memory_space<hbm>>) target_semaphore(%run_scoped3A : memref<!tpu.dma_semaphore, #tpu.memory_space<semaphore_mem>>)
      %dma_wait3A = arith.constant 0 : i32
      %dma_wait3A_19 = tpu.memref_slice %arg7[%add3A, %dma_wait3A] : memref<32x16xf32, #tpu.memory_space<hbm>> -> memref<1x16xf32, #tpu.memory_space<hbm>>
      %dma_wait3A_20 = tpu.memref_squeeze %dma_wait3A_19 : memref<1x16xf32, #tpu.memory_space<hbm>> -> memref<16xf32, #tpu.memory_space<hbm>>
      %dma_wait3A_21 = arith.constant 0 : i32
      %dma_wait3A_22 = tpu.memref_slice %arg7[%add3A, %dma_wait3A_21] : memref<32x16xf32, #tpu.memory_space<hbm>> -> memref<1x16xf32, #tpu.memory_space<hbm>>
      %dma_wait3A_23 = tpu.memref_squeeze %dma_wait3A_22 : memref<1x16xf32, #tpu.memory_space<hbm>> -> memref<16xf32, #tpu.memory_space<hbm>>
      tpu.wait_dma2 semaphore(%run_scoped3A : memref<!tpu.dma_semaphore, #tpu.memory_space<semaphore_mem>>) src(%arg11 : memref<16xf32, #tpu.memory_space<vmem>>) dst(%dma_wait3A_23 : memref<16xf32, #tpu.memory_space<hbm>>)
      tpu.yield
    }) : () -> ()
    %barrier3A = arith.constant 0 : index
    tpu.barrier barrier_id(%barrier3A)
    %eq3A = arith.constant 0 : i32
    %eq3A_12 = arith.cmpi eq, %arg1, %eq3A : i32
    %convert_element_type3A = arith.extui %eq3A_12 : i1 to i32
    %cond3A = arith.constant 0 : i32
    %cond3A_13 = arith.cmpi ne, %convert_element_type3A, %cond3A : i32
    scf.if %cond3A_13 {
      %mul3A_14 = arith.constant 16 : i32
      %mul3A_15 = arith.muli %arg0, %mul3A_14 : i32
      "tpu.region"() ({
        %run_scoped3A = tpu.sem_alloc : memref<!tpu.dma_semaphore, #tpu.memory_space<semaphore_mem>>
        %dma_start3A = arith.constant 0 : i32
        %dma_start3A_157 = tpu.memref_slice %arg7[%mul3A_15, %dma_start3A] : memref<32x16xf32, #tpu.memory_space<hbm>> -> memref<16x16xf32, #tpu.memory_space<hbm>>
        %dma_start3A_158 = arith.constant 0 : i32
        %dma_start3A_159 = tpu.memref_slice %arg7[%mul3A_15, %dma_start3A_158] : memref<32x16xf32, #tpu.memory_space<hbm>> -> memref<16x16xf32, #tpu.memory_space<hbm>>
        tpu.enqueue_dma source(%dma_start3A_159 : memref<16x16xf32, #tpu.memory_space<hbm>>) target(%arg12 : memref<16x16xf32, #tpu.memory_space<vmem>>) target_semaphore(%run_scoped3A : memref<!tpu.dma_semaphore, #tpu.memory_space<semaphore_mem>>)
        %dma_wait3A = arith.constant 0 : i32
        %dma_wait3A_160 = tpu.memref_slice %arg7[%mul3A_15, %dma_wait3A] : memref<32x16xf32, #tpu.memory_space<hbm>> -> memref<16x16xf32, #tpu.memory_space<hbm>>
        %dma_wait3A_161 = arith.constant 0 : i32
        %dma_wait3A_162 = tpu.memref_slice %arg7[%mul3A_15, %dma_wait3A_161] : memref<32x16xf32, #tpu.memory_space<hbm>> -> memref<16x16xf32, #tpu.memory_space<hbm>>
        tpu.wait_dma2 semaphore(%run_scoped3A : memref<!tpu.dma_semaphore, #tpu.memory_space<semaphore_mem>>) src(%dma_wait3A_162 : memref<16x16xf32, #tpu.memory_space<hbm>>) dst(%arg12 : memref<16x16xf32, #tpu.memory_space<vmem>>)
        tpu.yield
      }) : () -> ()
      %broadcast_in_dim3A_16 = arith.constant 0.000000e+00 : f32
      %broadcast_in_dim3A_17 = vector.broadcast %broadcast_in_dim3A_16 : f32 to vector<16xf32>
      %get3A = arith.constant 0 : i32
      %get3A_18 = arith.index_cast %get3A : i32 to index
      %get3A_19 = arith.constant 0 : index
      %get3A_20 = tpu.vector_load %arg12[%get3A_18, %get3A_19] {strides = array<i32>} : memref<16x16xf32, #tpu.memory_space<vmem>>, vector<1x16xf32>,
      %get3A_21 = vector.shape_cast %get3A_20 : vector<1x16xf32> to vector<16xf32>
      %add3A_22 = arith.addf %broadcast_in_dim3A_17, %get3A_21 : vector<16xf32>
      %get3A_23 = arith.constant 1 : i32
      %get3A_24 = arith.index_cast %get3A_23 : i32 to index
      %get3A_25 = arith.constant 0 : index
      %get3A_26 = tpu.vector_load %arg12[%get3A_24, %get3A_25] {strides = array<i32>} : memref<16x16xf32, #tpu.memory_space<vmem>>, vector<1x16xf32>,
      %get3A_27 = vector.shape_cast %get3A_26 : vector<1x16xf32> to vector<16xf32>
      %add3A_28 = arith.addf %add3A_22, %get3A_27 : vector<16xf32>
      %get3A_29 = arith.constant 2 : i32
      %get3A_30 = arith.index_cast %get3A_29 : i32 to index
      %get3A_31 = arith.constant 0 : index
      %get3A_32 = tpu.vector_load %arg12[%get3A_30, %get3A_31] {strides = array<i32>} : memref<16x16xf32, #tpu.memory_space<vmem>>, vector<1x16xf32>,
      %get3A_33 = vector.shape_cast %get3A_32 : vector<1x16xf32> to vector<16xf32>
      %add3A_34 = arith.addf %add3A_28, %get3A_33 : vector<16xf32>
      %get3A_35 = arith.constant 3 : i32
      %get3A_36 = arith.index_cast %get3A_35 : i32 to index
      %get3A_37 = arith.constant 0 : index
      %get3A_38 = tpu.vector_load %arg12[%get3A_36, %get3A_37] {strides = array<i32>} : memref<16x16xf32, #tpu.memory_space<vmem>>, vector<1x16xf32>,
      %get3A_39 = vector.shape_cast %get3A_38 : vector<1x16xf32> to vector<16xf32>
      %add3A_40 = arith.addf %add3A_34, %get3A_39 : vector<16xf32>
      %get3A_41 = arith.constant 4 : i32
      %get3A_42 = arith.index_cast %get3A_41 : i32 to index
      %get3A_43 = arith.constant 0 : index
      %get3A_44 = tpu.vector_load %arg12[%get3A_42, %get3A_43] {strides = array<i32>} : memref<16x16xf32, #tpu.memory_space<vmem>>, vector<1x16xf32>,
      %get3A_45 = vector.shape_cast %get3A_44 : vector<1x16xf32> to vector<16xf32>
      %add3A_46 = arith.addf %add3A_40, %get3A_45 : vector<16xf32>
      %get3A_47 = arith.constant 5 : i32
      %get3A_48 = arith.index_cast %get3A_47 : i32 to index
      %get3A_49 = arith.constant 0 : index
      %get3A_50 = tpu.vector_load %arg12[%get3A_48, %get3A_49] {strides = array<i32>} : memref<16x16xf32, #tpu.memory_space<vmem>>, vector<1x16xf32>,
      %get3A_51 = vector.shape_cast %get3A_50 : vector<1x16xf32> to vector<16xf32>
      %add3A_52 = arith.addf %add3A_46, %get3A_51 : vector<16xf32>
      %get3A_53 = arith.constant 6 : i32
      %get3A_54 = arith.index_cast %get3A_53 : i32 to index
      %get3A_55 = arith.constant 0 : index
      %get3A_56 = tpu.vector_load %arg12[%get3A_54, %get3A_55] {strides = array<i32>} : memref<16x16xf32, #tpu.memory_space<vmem>>, vector<1x16xf32>,
      %get3A_57 = vector.shape_cast %get3A_56 : vector<1x16xf32> to vector<16xf32>
      %add3A_58 = arith.addf %add3A_52, %get3A_57 : vector<16xf32>
      %get3A_59 = arith.constant 7 : i32
      %get3A_60 = arith.index_cast %get3A_59 : i32 to index
      %get3A_61 = arith.constant 0 : index
      %get3A_62 = tpu.vector_load %arg12[%get3A_60, %get3A_61] {strides = array<i32>} : memref<16x16xf32, #tpu.memory_space<vmem>>, vector<1x16xf32>,
      %get3A_63 = vector.shape_cast %get3A_62 : vector<1x16xf32> to vector<16xf32>
      %add3A_64 = arith.addf %add3A_58, %get3A_63 : vector<16xf32>
      %get3A_65 = arith.constant 8 : i32
      %get3A_66 = arith.index_cast %get3A_65 : i32 to index
      %get3A_67 = arith.constant 0 : index
      %get3A_68 = tpu.vector_load %arg12[%get3A_66, %get3A_67] {strides = array<i32>} : memref<16x16xf32, #tpu.memory_space<vmem>>, vector<1x16xf32>,
      %get3A_69 = vector.shape_cast %get3A_68 : vector<1x16xf32> to vector<16xf32>
      %add3A_70 = arith.addf %add3A_64, %get3A_69 : vector<16xf32>
      %get3A_71 = arith.constant 9 : i32
      %get3A_72 = arith.index_cast %get3A_71 : i32 to index
      %get3A_73 = arith.constant 0 : index
      %get3A_74 = tpu.vector_load %arg12[%get3A_72, %get3A_73] {strides = array<i32>} : memref<16x16xf32, #tpu.memory_space<vmem>>, vector<1x16xf32>,
      %get3A_75 = vector.shape_cast %get3A_74 : vector<1x16xf32> to vector<16xf32>
      %add3A_76 = arith.addf %add3A_70, %get3A_75 : vector<16xf32>
      %get3A_77 = arith.constant 10 : i32
      %get3A_78 = arith.index_cast %get3A_77 : i32 to index
      %get3A_79 = arith.constant 0 : index
      %get3A_80 = tpu.vector_load %arg12[%get3A_78, %get3A_79] {strides = array<i32>} : memref<16x16xf32, #tpu.memory_space<vmem>>, vector<1x16xf32>,
      %get3A_81 = vector.shape_cast %get3A_80 : vector<1x16xf32> to vector<16xf32>
      %add3A_82 = arith.addf %add3A_76, %get3A_81 : vector<16xf32>
      %get3A_83 = arith.constant 11 : i32
      %get3A_84 = arith.index_cast %get3A_83 : i32 to index
      %get3A_85 = arith.constant 0 : index
      %get3A_86 = tpu.vector_load %arg12[%get3A_84, %get3A_85] {strides = array<i32>} : memref<16x16xf32, #tpu.memory_space<vmem>>, vector<1x16xf32>,
      %get3A_87 = vector.shape_cast %get3A_86 : vector<1x16xf32> to vector<16xf32>
      %add3A_88 = arith.addf %add3A_82, %get3A_87 : vector<16xf32>
      %get3A_89 = arith.constant 12 : i32
      %get3A_90 = arith.index_cast %get3A_89 : i32 to index
      %get3A_91 = arith.constant 0 : index
      %get3A_92 = tpu.vector_load %arg12[%get3A_90, %get3A_91] {strides = array<i32>} : memref<16x16xf32, #tpu.memory_space<vmem>>, vector<1x16xf32>,
      %get3A_93 = vector.shape_cast %get3A_92 : vector<1x16xf32> to vector<16xf32>
      %add3A_94 = arith.addf %add3A_88, %get3A_93 : vector<16xf32>
      %get3A_95 = arith.constant 13 : i32
      %get3A_96 = arith.index_cast %get3A_95 : i32 to index
      %get3A_97 = arith.constant 0 : index
      %get3A_98 = tpu.vector_load %arg12[%get3A_96, %get3A_97] {strides = array<i32>} : memref<16x16xf32, #tpu.memory_space<vmem>>, vector<1x16xf32>,
      %get3A_99 = vector.shape_cast %get3A_98 : vector<1x16xf32> to vector<16xf32>
      %add3A_100 = arith.addf %add3A_94, %get3A_99 : vector<16xf32>
      %get3A_101 = arith.constant 14 : i32
      %get3A_102 = arith.index_cast %get3A_101 : i32 to index
      %get3A_103 = arith.constant 0 : index
      %get3A_104 = tpu.vector_load %arg12[%get3A_102, %get3A_103] {strides = array<i32>} : memref<16x16xf32, #tpu.memory_space<vmem>>, vector<1x16xf32>,
      %get3A_105 = vector.shape_cast %get3A_104 : vector<1x16xf32> to vector<16xf32>
      %add3A_106 = arith.addf %add3A_100, %get3A_105 : vector<16xf32>
      %get3A_107 = arith.constant 15 : i32
      %get3A_108 = arith.index_cast %get3A_107 : i32 to index
      %get3A_109 = arith.constant 0 : index
      %get3A_110 = tpu.vector_load %arg12[%get3A_108, %get3A_109] {strides = array<i32>} : memref<16x16xf32, #tpu.memory_space<vmem>>, vector<1x16xf32>,
      %get3A_111 = vector.shape_cast %get3A_110 : vector<1x16xf32> to vector<16xf32>
      %add3A_112 = arith.addf %add3A_106, %get3A_111 : vector<16xf32>
      %add3A_113 = arith.constant 8 : i32
      %add3A_114 = vector.broadcast %add3A_113 : i32 to vector<16xi32>
      %add3A_115 = arith.addi %iota3A, %add3A_114 : vector<16xi32>
      %and3A = arith.constant 15 : i32
      %and3A_116 = vector.broadcast %and3A : i32 to vector<16xi32>
      %and3A_117 = arith.andi %add3A_115, %and3A_116 : vector<16xi32>
      %reshape3A = vector.shape_cast %and3A_117 : vector<16xi32> to vector<16x1xi32>
      %gather3A = vector.shape_cast %reshape3A : vector<16x1xi32> to vector<16xi32>
      %gather3A_118 = tpu.dynamic_gather %add3A_112[%gather3A] in [0] : vector<16xf32>, vector<16xi32> -> vector<16xf32>
      %add3A_119 = arith.addf %add3A_112, %gather3A_118 : vector<16xf32>
      %add3A_120 = arith.constant 4 : i32
      %add3A_121 = vector.broadcast %add3A_120 : i32 to vector<16xi32>
      %add3A_122 = arith.addi %iota3A, %add3A_121 : vector<16xi32>
      %and3A_123 = arith.constant 15 : i32
      %and3A_124 = vector.broadcast %and3A_123 : i32 to vector<16xi32>
      %and3A_125 = arith.andi %add3A_122, %and3A_124 : vector<16xi32>
      %reshape3A_126 = vector.shape_cast %and3A_125 : vector<16xi32> to vector<16x1xi32>
      %gather3A_127 = vector.shape_cast %reshape3A_126 : vector<16x1xi32> to vector<16xi32>
      %gather3A_128 = tpu.dynamic_gather %add3A_119[%gather3A_127] in [0] : vector<16xf32>, vector<16xi32> -> vector<16xf32>
      %add3A_129 = arith.addf %add3A_119, %gather3A_128 : vector<16xf32>
      %add3A_130 = arith.constant 2 : i32
      %add3A_131 = vector.broadcast %add3A_130 : i32 to vector<16xi32>
      %add3A_132 = arith.addi %iota3A, %add3A_131 : vector<16xi32>
      %and3A_133 = arith.constant 15 : i32
      %and3A_134 = vector.broadcast %and3A_133 : i32 to vector<16xi32>
      %and3A_135 = arith.andi %add3A_132, %and3A_134 : vector<16xi32>
      %reshape3A_136 = vector.shape_cast %and3A_135 : vector<16xi32> to vector<16x1xi32>
      %gather3A_137 = vector.shape_cast %reshape3A_136 : vector<16x1xi32> to vector<16xi32>
      %gather3A_138 = tpu.dynamic_gather %add3A_129[%gather3A_137] in [0] : vector<16xf32>, vector<16xi32> -> vector<16xf32>
      %add3A_139 = arith.addf %add3A_129, %gather3A_138 : vector<16xf32>
      %add3A_140 = arith.constant 1 : i32
      %add3A_141 = vector.broadcast %add3A_140 : i32 to vector<16xi32>
      %add3A_142 = arith.addi %iota3A, %add3A_141 : vector<16xi32>
      %and3A_143 = arith.constant 15 : i32
      %and3A_144 = vector.broadcast %and3A_143 : i32 to vector<16xi32>
      %and3A_145 = arith.andi %add3A_142, %and3A_144 : vector<16xi32>
      %reshape3A_146 = vector.shape_cast %and3A_145 : vector<16xi32> to vector<16x1xi32>
      %gather3A_147 = vector.shape_cast %reshape3A_146 : vector<16x1xi32> to vector<16xi32>
      %gather3A_148 = tpu.dynamic_gather %add3A_139[%gather3A_147] in [0] : vector<16xf32>, vector<16xi32> -> vector<16xf32>
      %add3A_149 = arith.addf %add3A_139, %gather3A_148 : vector<16xf32>
      %mul3A_150 = arith.constant -6.10351563E-5 : f32
      %mul3A_151 = vector.broadcast %mul3A_150 : f32 to vector<16xf32>
      %mul3A_152 = arith.mulf %add3A_149, %mul3A_151 : vector<16xf32>
      %swap3A_153 = arith.constant 0 : index
      %swap3A_154 = tpu.vector_load %arg11[%swap3A_153] {strides = array<i32>} : memref<16xf32, #tpu.memory_space<vmem>>, vector<16xf32>,
      %swap3A_155 = vector.shape_cast %swap3A_154 : vector<16xf32> to vector<16xf32>
      %swap3A_156 = vector.shape_cast %mul3A_152 : vector<16xf32> to vector<16xf32>
      tpu.vector_store %arg11[%swap3A_153], %swap3A_156 {strides = array<i32>} : memref<16xf32, #tpu.memory_space<vmem>>, vector<16xf32>,
      "tpu.region"() ({
        %run_scoped3A = tpu.sem_alloc : memref<!tpu.dma_semaphore, #tpu.memory_space<semaphore_mem>>
        %dma_start3A = arith.constant 0 : i32
        %dma_start3A_157 = tpu.memref_slice %arg6[%arg0, %dma_start3A] : memref<2x16xf32, #tpu.memory_space<hbm>> -> memref<1x16xf32, #tpu.memory_space<hbm>>
        %dma_start3A_158 = tpu.memref_squeeze %dma_start3A_157 : memref<1x16xf32, #tpu.memory_space<hbm>> -> memref<16xf32, #tpu.memory_space<hbm>>
        %dma_start3A_159 = arith.constant 0 : i32
        %dma_start3A_160 = tpu.memref_slice %arg6[%arg0, %dma_start3A_159] : memref<2x16xf32, #tpu.memory_space<hbm>> -> memref<1x16xf32, #tpu.memory_space<hbm>>
        %dma_start3A_161 = tpu.memref_squeeze %dma_start3A_160 : memref<1x16xf32, #tpu.memory_space<hbm>> -> memref<16xf32, #tpu.memory_space<hbm>>
        tpu.enqueue_dma source(%arg11 : memref<16xf32, #tpu.memory_space<vmem>>) target(%dma_start3A_161 : memref<16xf32, #tpu.memory_space<hbm>>) target_semaphore(%run_scoped3A : memref<!tpu.dma_semaphore, #tpu.memory_space<semaphore_mem>>)
        %dma_wait3A = arith.constant 0 : i32
        %dma_wait3A_162 = tpu.memref_slice %arg6[%arg0, %dma_wait3A] : memref<2x16xf32, #tpu.memory_space<hbm>> -> memref<1x16xf32, #tpu.memory_space<hbm>>
        %dma_wait3A_163 = tpu.memref_squeeze %dma_wait3A_162 : memref<1x16xf32, #tpu.memory_space<hbm>> -> memref<16xf32, #tpu.memory_space<hbm>>
        %dma_wait3A_164 = arith.constant 0 : i32
        %dma_wait3A_165 = tpu.memref_slice %arg6[%arg0, %dma_wait3A_164] : memref<2x16xf32, #tpu.memory_space<hbm>> -> memref<1x16xf32, #tpu.memory_space<hbm>>
        %dma_wait3A_166 = tpu.memref_squeeze %dma_wait3A_165 : memref<1x16xf32, #tpu.memory_space<hbm>> -> memref<16xf32, #tpu.memory_space<hbm>>
        tpu.wait_dma2 semaphore(%run_scoped3A : memref<!tpu.dma_semaphore, #tpu.memory_space<semaphore_mem>>) src(%arg11 : memref<16xf32, #tpu.memory_space<vmem>>) dst(%dma_wait3A_166 : memref<16xf32, #tpu.memory_space<hbm>>)
        tpu.yield
      }) : () -> ()
    } else {
    }
    return
  }
}

</mosaic_0001>

<sc_bundles>
// kernel: kernel.3.cloned.1.call-start
scs
__scs_entry_jumppad:
0x0: {  	(pc) =	sbr.rel $0x88, $3  }
0x1: {  	(tag) =	ssettag $0x0;
	lr =	simm.s32 $0x1  }
0x2: {  	[smem:$0x3F9E] =	sst lr;
	_ =	strace $0xD0000000  }
0x3: {  	_ = 	snop  }
0x4: {  	_ = 	snop  }
0x5: {  	_ = 	snop  }
0x6: {  	_ = 	snop  }
0x7: {  	_ = 	snop  }
__scs_overlays_trampoline_lowered:
0x8: {  	[smem:$0x3FAD] =	sst s0  }
0x9: {  	[smem:$0x3FAE] =	sst s1  }
0xa: {  	[smem:$0x3FAF] =	sst s2  }
0xb: {  	[smem:$0x3FB0] =	sst s3  }
0xc: {  	[smem:$0x3FB1] =	sst s4  }
0xd: {  	[smem:$0x3FB2] =	sst s5  }
0xe: {  	[smem:$0x3FB3] =	sst s6  }
0xf: {  	[smem:$0x3FB4] =	sst s7  }
0x10: {  	[smem:$0x3FB5] =	sst s8  }
0x11: {  	[smem:$0x3FB6] =	sst s9;
	s0 =	simm.s32 @!p0 $0x0  }
0x12: {  	s1 =	sld [smem:$0x3F9C];
	s0 =	simm.s32 @p0 $0x1  }
0x13: {  	[smem:$0x3FB7] =	sst s0;
	s0 =	simm.s32 @!p1 $0x0  }
0x14: {  	s2 =	sld [smem:$0x3F9B];
	s0 =	simm.s32 @p1 $0x1  }
0x15: {  	[smem:$0x3FB8] =	sst s0;
	s0 =	simm.s32 @!p2 $0x0  }
0x16: {  	s3 =	sld [smem:$0x3FDB];
	s0 =	simm.s32 @p2 $0x1  }
0x17: {  	s4 =	simm.s32 $0x1BF5;
	[smem:$0x3FBA] =	sst s0  }
0x18: {  	s0 =	sld [smem:$0x3F9D];
	_ =	swait.ge [sflag:s4], $0x0  }
0x19: {  	s7 =	sld [smem:$0x3F9E]  }
0x1a: {  	s8 =	sadd.s32 $0xFFFFE003, lr  }
0x1b: {  	s9 =	sadd.s32 $0xFFFFFEF7, lr;
	s5 =	simm.s32 $0xFFFFFFFF;
	p2 =	slt.u32 s8, $0xFFFFF086  }
0x1c: {  	p1 =	slt.u32 s9, $0xF7A;
	s5 =	simm.s32 @!p2 $0x0  }
0x1d: {  	s5 =	simm.s32 @p1 $0x1;
	p0 =	seq.s32 s7, s2  }
0x1e: {  	s7 =	smul.u32 @!p0 $0xF7A, s2;
	p2 =	seq.s32 @!p0 s5, $0x0  }
0x1f: {  	s9 =	smul.u32 $0xF7A, s1;
	s8 =	simm.s32 @!p0 $0x1BF5;
	p2 =	por !p2, p0  }
0x20: {  	[sflag:s8] =	ssyncset.s32 @!p0 $0xFFFFF086;
	s6 =	sadd.s32 @!p0 s3, s7;
	s7 =	simm.s32 @!p0 $0x108  }
0x21: {  	s3 =	sadd.s32 s3, s9;
	s6 =	sadd.s32 @!p0 $0x88, s6;
	s7 =	simm.s32 @p2 $0x1082  }
0x22: {  	[simem:s7], [sflag:s8] =	dma.local @!p0 [hbm:s6], $0xF7A  }
0x23: {  	s9 =	sor.u32 $0xD0000000, s2;
	s6 =	simm.s32 $0x108;
	_ =	swait.ge @!p0 [sflag:s8], $0x0  }
0x24: {  	s3 =	sadd.s32 $0x88, s3;
	s6 =	simm.s32 @!p1 $0x1082;
	[sflag:s4] =	ssyncset.s32 $0xFFFFF086  }
0x25: {  	[simem:s6], [sflag:s4] =	dma.local [hbm:s3], $0xF7A  }
0x26: {  	[smem:$0x3F9E] =	sst s1;
	(tag) =	ssettag s2;
	_ =	strace s9  }
0x27: {  	s1 =	sld [smem:$0x3FAE]  }
0x28: {  	s2 =	sld [smem:$0x3FAF]  }
0x29: {  	s4 =	sld [smem:$0x3FB1]  }
0x2a: {  	p0 =	seq.s32 s5, $0x0;
	s5 =	sld [smem:$0x3FB2]  }
0x2b: {  	s6 =	sld [smem:$0x3FB3]  }
0x2c: {  	s7 =	sld [smem:$0x3FB4]  }
0x2d: {  	s3 =	simm.s32 $0x108;
	s8 =	sld [smem:$0x3FB5]  }
0x2e: {  	s3 =	simm.s32 @!p0 $0x1082;
	s9 =	sld [smem:$0x3FB6]  }
0x2f: {  	lr =	sadd.s32 s0, s3;
	s0 =	sld [smem:$0x3FAD]  }
0x30: {  	s3 =	sld [smem:$0x3FB0]  }
0x31: {  	[smem:$0x3FB9] =	sst s10  }
0x32: {  	s10 =	sld [smem:$0x3FB7];
	_ =	sdelay $0x3  }
0x33: {  	p0 =	seq.s32 s10, $0x1;
	s10 =	sld [smem:$0x3FB9];
	_ =	sdelay $0x3  }
0x34: {  	[smem:$0x3FB9] =	sst s10  }
0x35: {  	s10 =	sld [smem:$0x3FB8];
	_ =	sdelay $0x3  }
0x36: {  	p1 =	seq.s32 s10, $0x1;
	s10 =	sld [smem:$0x3FB9];
	_ =	sdelay $0x3  }
0x37: {  	[smem:$0x3FB9] =	sst s10  }
0x38: {  	s10 =	sld [smem:$0x3FBA]  }
0x39: {  	_ = 	snop;
	(pc) =	sbr.ind lr, $3  }
0x3a: {  	_ = 	snop  }
0x3b: {  	_ = 	snop  }
0x3c: {  	p2 =	seq.s32 s10, $0x1;
	s10 =	sld [smem:$0x3FB9]  }
0x3d: {  	_ =	shalt  }
0x3e: {  	_ =	shalt  }
0x3f: {  	_ =	shalt  }
0x40: {  	_ =	shalt  }
0x41: {  	_ =	shalt  }
0x42: {  	_ =	shalt  }
0x43: {  	_ =	shalt  }
0x44: {  	_ =	shalt  }
0x45: {  	_ =	shalt  }
0x46: {  	_ =	shalt  }
0x47: {  	_ =	shalt  }
0x48: {  	_ =	shalt  }
0x49: {  	_ =	shalt  }
0x4a: {  	_ =	shalt  }
0x4b: {  	_ =	shalt  }
0x4c: {  	_ =	shalt  }
0x4d: {  	_ =	shalt  }
0x4e: {  	_ =	shalt  }
0x4f: {  	_ =	shalt  }
0x50: {  	_ =	shalt  }
0x51: {  	_ =	shalt  }
0x52: {  	_ =	shalt  }
0x53: {  	_ =	shalt  }
0x54: {  	_ =	shalt  }
0x55: {  	_ =	shalt  }
0x56: {  	_ =	shalt  }
0x57: {  	_ =	shalt  }
0x58: {  	_ =	shalt  }
0x59: {  	_ =	shalt  }
0x5a: {  	_ =	shalt  }
0x5b: {  	_ =	shalt  }
0x5c: {  	_ =	shalt  }
0x5d: {  	_ =	shalt  }
0x5e: {  	_ =	shalt  }
0x5f: {  	_ =	shalt  }
0x60: {  	_ =	shalt  }
0x61: {  	_ =	shalt  }
0x62: {  	_ =	shalt  }
0x63: {  	_ =	shalt  }
0x64: {  	_ =	shalt  }
0x65: {  	_ =	shalt  }
0x66: {  	_ =	shalt  }
0x67: {  	_ =	shalt  }
0x68: {  	_ =	shalt  }
0x69: {  	_ =	shalt  }
0x6a: {  	_ =	shalt  }
0x6b: {  	_ =	shalt  }
0x6c: {  	_ =	shalt  }
0x6d: {  	_ =	shalt  }
0x6e: {  	_ =	shalt  }
0x6f: {  	_ =	shalt  }
0x70: {  	_ =	shalt  }
0x71: {  	_ =	shalt  }
0x72: {  	_ =	shalt  }
0x73: {  	_ =	shalt  }
0x74: {  	_ =	shalt  }
0x75: {  	_ =	shalt  }
0x76: {  	_ =	shalt  }
0x77: {  	_ =	shalt  }
0x78: {  	_ =	shalt  }
0x79: {  	_ =	shalt  }
0x7a: {  	_ =	shalt  }
0x7b: {  	_ =	shalt  }
0x7c: {  	_ =	shalt  }
0x7d: {  	_ =	shalt  }
0x7e: {  	_ =	shalt  }
0x7f: {  	_ =	shalt  }
0x80: {  	_ =	shalt  }
0x81: {  	_ =	shalt  }
0x82: {  	_ =	shalt  }
0x83: {  	_ =	shalt  }
0x84: {  	_ =	shalt  }
0x85: {  	_ =	shalt  }
0x86: {  	_ =	shalt  }
0x87: {  	_ =	shalt  }
.Lfunc_end0:
.L_simem_size_0:
called_computation_lowered:
.L_overlay_start_0:
0x88: {  	s2 =	sld [smem:$0x3FD9]  }
0x89: {  	s3 =	sld [smem:$0x3FFE];
	_ =	sdelay $0x1  }
0x8a: {  	s1 =	srdreg.scid  }
0x8b: {  	s0 =	sand.u32 $0x1, s1  }
0x8c: {  	s17 =	sshll.u32 s0, $0xA;
	s2 =	sadd.s32 s3, s2  }
0x8d: {  	s2 =	sadd.s32 s2, s17  }
0x8e: {  	[smem:$0x3FC5] =	sst s2  }
0x8f: {  	_ = 	snop  }
0x90: {  	s2 =	sld [smem:$0x3FC8]  }
0x91: {  	s18 =	sld [smem:$0x3FC7];
	(tm) =	ssettm $0x1  }
0x92: {  	s4 =	sld [smem:$0x3FFB];
	_ =	sdelay $0x3  }
0x93: {  	_ =	strace s4  }
0x94: {  	s4 =	sld [smem:$0x3FFC];
	_ =	sdelay $0x3  }
0x95: {  	_ =	strace s4  }
0x96: {  	s4 =	sld [smem:$0x3FFD];
	_ =	sdelay $0x3  }
0x97: {  	_ =	strace s4  }
0x98: {  	_ =	strace $0x8FFFFFFF  }
0x99: {  	s19 =	sld [smem:$0x3FDB];
	_ =	sdelay $0x1  }
0x9a: {  	s5 =	simm.s32 $_scs_section_size  }
0x9b: {  	s6 =	simm.s32 $_size__tile_overlayer_lowered;
	s7 =	simm.s32 $_tile_overlayer_lowered  }
0x9c: {  	s22 =	simm.s32 $0x1BFF;
	s21 =	sshll.u32 s7, $0x1;
	s4 =	sadd.s32 s5, s19  }
0x9d: {  	s8 =	simm.s32 $0x0;
	s20 =	sshll.u32 s6, $0x1;
	s6 =	sadd.s32 s21, s4  }
0x9e: {  	[timem:s8], [sflag:s22] =	dma.local [hbm:s6], s20  }
0x9f: {  	_ =	swait.ge [sflag:s22], s20  }
0xa0: {  	s5 =	ssub.s32 $0x0, s20;
	[sflag:s22] =	ssyncset.done $0x0  }
0xa1: {  	[sflag:s22] =	ssyncadd.s32 s5;
	_ =	sdelay $0x1  }
0xa2: {  	s23 =	simm.s32 $0x1B8B  }
0xa3: {  	_ =	swait.ge [sflag:s23], $0x1  }
0xa4: {  	[sflag:s23] =	ssyncset.done $0x0  }
0xa5: {  	s25 =	simm.s32 $0x1B8E;
	s24 =	sld [smem:$0x3FFE];
	[sflag:s23] =	ssyncadd.s32 $0xFFFFFFFF  }
0xa6: {  	s26 =	simm.s32 $execute0_lowered;
	[smem:$0x3FD2] =	sst s25  }
0xa7: {  	s6 =	sshll.u32 s26, $0x1;
	_ =	strace $0x80000046;
	[dreg:$0x1] =	wrdreg $0xFFFFFFFF  }
0xa8: {  	s28 =	simm.s32 $_size_execute0_lowered;
	s4 =	sadd.s32 s4, s6;
	[dreg:$0x0] =	wrdreg $0x0  }
0xa9: {  	s6 =	sshll.u32 s28, $0x1;
	[dreg:$0x2] =	wrdreg s4  }
0xaa: {  	[dreg:$0x3] =	wrdreg s6  }
0xab: {  	[dreg:$0x4] =	wrdreg $0xC0  }
0xac: {  	_ =	task [dreg:s8], $0x5FFFF  }
0xad: {  	[dreg:$0x1] =	wrdreg $0xFFFFFFFF  }
0xae: {  	[dreg:$0x0] =	wrdreg $0x60  }
0xaf: {  	[dreg:$0x2] =	wrdreg s24  }
0xb0: {  	[dreg:$0x3] =	wrdreg s2  }
0xb1: {  	[dreg:$0x4] =	wrdreg s18  }
0xb2: {  	[dreg:$0x5] =	wrdreg $0x9  }
0xb3: {  	_ =	task.clear_ibuf [dreg:s8], $0x6FFFF;
	_ =	strace $0x90000046  }
0xb4: {  	s29 =	simm.s32 $0x9;
	_ =	strace $0x80000048  }
0xb5: {  	_ =	swait.ge [sflag:s29], $0x1  }
0xb6: {  	[sflag:s29] =	ssyncadd.s32 $0xFFFFFFFF  }
0xb7: {  	_ =	strace $0x90000048  }
0xb8: {  	_ =	sfence  }
0xb9: {  	s30 =	sld [smem:$0x0];
	_ =	sdelay $0x2  }
0xba: {  	s31 =	sshll.u32 s1, $0xD;
	s1 =	sshrl.u32 s1, $0x2  }
0xbb: {  	s3 =	sand.u32 $0x4000, s31;
	s1 =	sadd.s32 s1, s30  }
0xbc: {  	s0 =	sor.u32 s3, s0;
	s1 =	sshll.u32 s1, $0x11  }
0xbd: {  	s0 =	sor.u32 s1, s0  }
0xbe: {  	s0 =	sadd.s32 $0x8F2B, s0  }
0xbf: {  	[sflag:s0] =	ssyncadd.remote.s32 $0x1  }
0xc0: {  	_ =	sfence.sel $0xFFFF  }
0xc1: {  	[dreg:$0x0] =	wrdreg $0xFFFFFFFF;
	(pc) =	sbr.abs _section_cstart, $3  }
0xc2: {  	[dreg:$0x1] =	wrdreg $0xFFFFFFFF  }
0xc3: {  	_ =	task.clear_ibuf [dreg:s8], $0x2FFFF;
	_ =	strace $0x9FFFFFFF  }
0xc4: {  	(tm) =	ssettm $0x7FFFFFFF  }
0xc5: {  	_ =	shalt  }
tec
execute0_lowered:
.L_overlay_start_1:
0x0: {  	(tag) =	ssettag $0x1  }
0x1: {  	s0 =	rddreg [dreg:$0x0]  }
0x2: {  	v0 =	vimm.s32 $0xFEDCBA98;
	s1 =	rddreg [dreg:$0x1]  }
0x3: {  	v1 =	vimm.s32 $0x76543210;
	s2 =	rddreg [dreg:$0x2];
	s3 =	srdreg.scid;
	v0 =	vunpack.c.l.s4.s8 v0  }
0x4: {  	s12 =	simm.s32 $0x0;
	s7 =	stileid.u32;
	v1 =	vunpack.c.l.s4.s8 v1;
	s3 =	sand.u32 $0x1, s3  }
0x5: {  	[smem:$0x7FF] =	sst s12;
	s24 =	sshll.u32 s7, $0x4;
	s26 =	sshll.u32 s7, $0xD;
	v0 =	vunpack.c.0.s8.s32 v0  }
0x6: {  	v2 =	vimm.s32 $0x3210FEDC;
	s29 =	sshll.u32 s7, $0x10;
	p0 =	sne.s32 s7, $0x0;
	s4 =	sshll.u32 s3, $0x14;
	v1 =	vunpack.c.0.s8.s32 v1  }
0x7: {  	vm0 =	vmmov $0x1;
	_ =	strace $0x80000047;
	s5 =	sshll.u32 s3, $0x11;
	s6 =	sshll.u32 s3, $0x4;
	v0 =	vand.u32 $0xF, v0  }
0x8: {  	s9 =	ssub.s32 $0x2, s3;
	s3 =	sshll.u32 s3, $0x8;
	s4 =	sadd.s32 s4, s0;
	v0 =	vcombine.low v0, v1;
	v1 =	vunpack.c.l.s4.s8 v2;
	v2 =	vimm.s32 $0xBA987654  }
0x9: {  	v3 =	vimm.s32 $0x10FEDCBA;
	v4 =	vimm.s32 $0x98765432;
	s5 =	sadd.s32 s5, s0;
	s8 =	sadd.s32 s6, s0;
	s6 =	sor.u32 s7, s6;
	v2 =	vunpack.c.l.s4.s8 v2  }
0xa: {  	vm1 =	vcmask $0x308;
	v3 =	vunpack.c.l.s4.s8 v3;
	v4 =	vunpack.c.l.s4.s8 v4;
	s0 =	sadd.s32 $0x240400, s0;
	s10 =	sshrl.u32 s9, $0x1;
	s11 =	sshll.u32 s6, $0x6  }
0xb: {  	vm2 =	vcmask $0x70C;
	s9 =	ssub.s32 s9, s10;
	s25 =	sshll.u32 s6, $0x4;
	s28 =	sadd.s32 $0x240600, s8;
	v1 =	vunpack.c.0.s8.s32 v1;
	v2 =	vunpack.c.0.s8.s32 v2  }
0xc: {  	vm3 =	vcmask $0xB10;
	v3 =	vunpack.c.0.s8.s32 v3;
	v4 =	vunpack.c.0.s8.s32 v4;
	s31 =	sadd.s32 s29, s4;
	s1 =	sadd.s32 s1, s11;
	[dreg:$0x8] =	wrdreg s28  }
0xd: {  	vm4 =	vcmask $0xF14;
	vm5 =	vcmask $0x1318;
	s2 =	sadd.s32 s2, s11;
	[dreg:$0x4] =	wrdreg s1;
	s1 =	sand.u32 $0x70, s24;
	v1 =	vcombine.low v2, v1  }
0xe: {  	[dreg:$0x5] =	wrdreg s2;
	s1 =	sadd.s32 s0, s1;
	s0 =	sadd.s32 s0, s3;
	v2 =	vcombine.low v4, v3;
	v3 =	vimm.s32 $0xFEDCBA9;
	v4 =	vimm.s32 $0x87654321  }
0xf: {  	vm6 =	vcmask $0x171C;
	s30 =	smax.u32 s9, $0x1;
	[dreg:$0x7] =	wrdreg s0;
	s0 =	sadd.s32 s26, s5;
	v3 =	vunpack.c.l.s4.s8 v3;
	v4 =	vunpack.c.l.s4.s8 v4  }
0x10: {  	vm7 =	vcmask $0x1B20;
	vm8 =	vcmask $0x1F24;
	vm9 =	vcmask $0x2328;
	s2 =	sand.u32 $0x180, s25;
	[dreg:$0x9] =	wrdreg s30;
	s0 =	sadd.s32 $0x200400, s0  }
0x11: {  	vm10 =	vcmask $0x272C;
	s1 =	sadd.s32 s2, s1;
	[dreg:$0xa] =	wrdreg s0;
	s0 =	simm.s32 @!p0 $0x0;
	v3 =	vunpack.c.0.s8.s32 v3;
	v4 =	vunpack.c.0.s8.s32 v4  }
0x12: {  	vm11 =	vcmask $0x2B30;
	vm12 =	vcmask $0x2F34;
	vm13 =	vcmask $0x3338;
	s9 =	sadd.s32 $0x400, s31;
	[dreg:$0x6] =	wrdreg s1;
	s0 =	simm.s32 @p0 $0x1  }
0x13: {  	vm14 =	vcmask $0x373C;
	vm15 =	vmmov $0x7fff;
	s3 =	simm.s32 $0x0;
	s1 =	simm.s32 $0x2;
	[smem:$0x7FD] =	sst s0;
	v3 =	vcombine.low v4, v3  }
.LBB2_1:
0x14: {  	[dreg:$0xb] =	wrdreg s3  }
0x15: {  	s0 =	rddreg [dreg:$0x4]  }
0x16: {  	[tilespmem:s12], [sflag:$0x2] =	stream.linear.gather [hbm4b:s0+s12], $0x200, $0x38;
	[tilespmem:$0x4C80] =	vst v63  }
0x17: {  	_ =	swait.ge [sflag:s1], $0x200  }
0x18: {  	[sflag:s1] =	ssyncset.done $0x0  }
0x19: {  	s11 =	simm.s32 $0x200;
	s31 =	rddreg [dreg:$0x5];
	[sflag:s1] =	ssyncadd.s32 $0xFFFFFE00  }
0x1a: {  	[tilespmem:s11], [sflag:$0x2] =	stream.linear.gather [hbm4b:s31+s12], $0x200, $0x38;
	[tilespmem:$0x4C80] =	vst v63  }
0x1b: {  	_ =	swait.ge [sflag:s1], $0x200  }
0x1c: {  	s15 =	simm.s32 $0x0;
	[sflag:s1] =	ssyncset.done $0x0  }
0x1d: {  	v5 =	vimm.f32 $0.0e+00;
	s17 =	simm.s32 $0x0;
	s16 =	rddreg [dreg:$0xa];
	[sflag:s1] =	ssyncadd.s32 $0xFFFFFE00  }
.LBB2_2:
0x1e: {  	v6 =	vld [tilespmem:s15+$0x0];
	_ =	sdelay $0x4  }
0x1f: {  	(v2sf) =	vpush v6, $0x0  }
0x20: {  	(v2sf) =	vpush v6, $0x1  }
0x21: {  	(v2sf) =	vpush v6, $0x2  }
0x22: {  	(v2sf) =	vpush v6, $0x3  }
0x23: {  	(v2sf) =	vpush v6, $0x4;
	_ =	sdelay $0x1  }
0x24: {  	(v2sf) =	vpush v6, $0x5  }
0x25: {  	(v2sf) =	vpush v6, $0x6  }
0x26: {  	(v2sf) =	vpush v6, $0x7;
	_ =	sdelay $0x6  }
0x27: {  	s28 =	spop (v2sf)  }
0x28: {  	s0 =	spop (v2sf)  }
0x29: {  	s5 =	sshra.s32 s28, $0x7;
	[dreg:$0x12] =	wrdreg s0;
	s7 =	spop (v2sf)  }
0x2a: {  	s12 =	sshra.s32 s0, $0x7;
	p0 =	seq.s32 s5, $0x0;
	s6 =	spop (v2sf)  }
0x2b: {  	s0 =	sshra.s32 s7, $0x7;
	p1 =	seq.s32 s12, $0x0;
	s4 =	spop (v2sf)  }
0x2c: {  	s31 =	sshra.s32 s6, $0x7;
	p0 =	por p0, p1;
	p3 =	seq.s32 s0, $0x0  }
0x2d: {  	s3 =	spop (v2sf);
	s30 =	sshra.s32 s4, $0x7;
	p0 =	por p3, p0  }
0x2e: {  	p4 =	seq.s32 s31, $0x0;
	s2 =	spop (v2sf);
	s29 =	sshra.s32 s3, $0x7  }
0x2f: {  	p0 =	por p4, p0;
	p5 =	seq.s32 s30, $0x0;
	s1 =	spop (v2sf)  }
0x30: {  	s26 =	sshra.s32 s2, $0x7;
	p0 =	por p5, p0;
	p6 =	seq.s32 s29, $0x0  }
0x31: {  	s24 =	sshra.s32 s1, $0x7;
	p0 =	por p6, p0;
	p2 =	seq.s32 s26, $0x0  }
0x32: {  	[dreg:$0xe] =	wrdreg s3;
	p0 =	por p2, p0;
	p3 =	seq.s32 s24, $0x0  }
0x33: {  	[dreg:$0xd] =	wrdreg s2;
	p0 =	por p3, p0  }
0x34: {  	p4 =	seq.s32 s5, $0x1;
	[dreg:$0xc] =	wrdreg s1;
	s1 =	simm.s32 @!p0 $0x0  }
0x35: {  	p5 =	seq.s32 s12, $0x1;
	s2 =	simm.s32 @p0 $0x0;
	s1 =	simm.s32 @p0 $0x1  }
0x36: {  	s3 =	simm.s32 @p0 $0x400;
	[smem:$0x7F3] =	sst s1;
	s1 =	sadd.s32 @p0 s17, s9  }
0x37: {  	v4 =	vld [tilespmem:s11+$0x0];
	[tilespmem:s3], [sflag:$0x1] =	stream.linear.gather @p0 [hbm4b:s1+s2], $0x400, $0x38  }
0x38: {  	p6 =	seq.s32 s0, $0x1;
	p0 =	por p4, p5  }
0x39: {  	p2 =	seq.s32 s31, $0x1;
	p0 =	por p6, p0  }
0x3a: {  	p3 =	seq.s32 s30, $0x1;
	p0 =	por p2, p0  }
0x3b: {  	p4 =	seq.s32 s29, $0x1;
	p0 =	por p3, p0  }
0x3c: {  	p5 =	seq.s32 s26, $0x1;
	p0 =	por p4, p0  }
0x3d: {  	p6 =	seq.s32 s24, $0x1;
	p0 =	por p5, p0  }
0x3e: {  	p0 =	por p6, p0  }
0x3f: {  	s1 =	simm.s32 @!p0 $0x0  }
0x40: {  	p1 =	seq.s32 s5, $0x2;
	s1 =	simm.s32 @p0 $0x1  }
0x41: {  	p2 =	seq.s32 s12, $0x2;
	[smem:$0x7F4] =	sst s1;
	s1 =	sadd.s32 @p0 s17, s9  }
0x42: {  	s2 =	simm.s32 @p0 $0x0;
	s3 =	simm.s32 @p0 $0x800;
	s1 =	sadd.s32 @p0 $0x80, s1  }
0x43: {  	[tilespmem:s3], [sflag:$0x1] =	stream.linear.gather @p0 [hbm4b:s1+s2], $0x400, $0x38;
	[tilespmem:$0x4C80] =	vst v63  }
0x44: {  	p3 =	seq.s32 s0, $0x2;
	p0 =	por p1, p2  }
0x45: {  	p4 =	seq.s32 s31, $0x2;
	p0 =	por p3, p0  }
0x46: {  	p5 =	seq.s32 s30, $0x2;
	p0 =	por p4, p0  }
0x47: {  	p6 =	seq.s32 s29, $0x2;
	p0 =	por p5, p0  }
0x48: {  	p2 =	seq.s32 s26, $0x2;
	p0 =	por p6, p0  }
0x49: {  	p3 =	seq.s32 s24, $0x2;
	p0 =	por p2, p0  }
0x4a: {  	[dreg:$0x11] =	wrdreg s7;
	p0 =	por p3, p0  }
0x4b: {  	[dreg:$0x10] =	wrdreg s6;
	s1 =	simm.s32 @!p0 $0x0  }
0x4c: {  	[dreg:$0xf] =	wrdreg s4;
	p4 =	seq.s32 s5, $0x3;
	s1 =	simm.s32 @p0 $0x1  }
0x4d: {  	p5 =	seq.s32 s12, $0x3;
	[smem:$0x7F5] =	sst s1;
	s1 =	sadd.s32 @p0 s17, s9  }
0x4e: {  	s2 =	simm.s32 @p0 $0x0;
	s3 =	simm.s32 @p0 $0xC00;
	s1 =	sadd.s32 @p0 $0x100, s1  }
0x4f: {  	[tilespmem:s3], [sflag:$0x1] =	stream.linear.gather @p0 [hbm4b:s1+s2], $0x400, $0x38;
	[tilespmem:$0x4C80] =	vst v63  }
0x50: {  	p6 =	seq.s32 s0, $0x3;
	p2 =	seq.s32 s31, $0x3;
	p0 =	por p4, p5  }
0x51: {  	p3 =	seq.s32 s30, $0x3;
	p4 =	seq.s32 s29, $0x3;
	p0 =	por p6, p0  }
0x52: {  	p5 =	seq.s32 s5, $0x4;
	p6 =	seq.s32 s0, $0x4;
	p0 =	por p2, p0  }
0x53: {  	p2 =	seq.s32 s12, $0x4;
	p0 =	por p3, p0;
	p3 =	seq.s32 s26, $0x3  }
0x54: {  	(v2sf) =	vpush v6, $0x8;
	p1 =	por p5, p2;
	p5 =	seq.s32 s24, $0x3;
	p2 =	seq.s32 s5, $0x5  }
0x55: {  	p0 =	por p4, p0;
	p1 =	por p6, p1;
	p4 =	seq.s32 s31, $0x4  }
0x56: {  	(v2sf) =	vpush v6, $0x9;
	p6 =	seq.s32 s30, $0x4;
	p0 =	por p3, p0;
	p1 =	por p4, p1  }
0x57: {  	p3 =	seq.s32 s12, $0x5;
	p4 =	por p5, p0;
	p5 =	por p6, p1  }
0x58: {  	p6 =	seq.s32 s29, $0x4;
	p1 =	por p2, p3;
	p3 =	seq.s32 s31, $0x5  }
0x59: {  	(v2sf) =	vpush v6, $0xA;
	p2 =	seq.s32 s29, $0x5;
	p0 =	por p6, p5;
	p5 =	seq.s32 s26, $0x4  }
0x5a: {  	p6 =	seq.s32 s0, $0x5;
	s1 =	simm.s32 @!p4 $0x0;
	s2 =	simm.s32 @p4 $0x0  }
0x5b: {  	s3 =	simm.s32 @p4 $0x1000;
	p0 =	por p5, p0;
	p1 =	por p6, p1  }
0x5c: {  	p5 =	seq.s32 s24, $0x4;
	p6 =	seq.s32 s30, $0x5;
	s1 =	simm.s32 @p4 $0x1  }
0x5d: {  	p1 =	por p3, p1;
	p5 =	por p5, p0;
	p3 =	seq.s32 s5, $0x6  }
0x5e: {  	[smem:$0x7F6] =	sst s1;
	s1 =	sadd.s32 @p4 s17, s9;
	p1 =	por p6, p1  }
0x5f: {  	p6 =	seq.s32 s12, $0x6;
	s1 =	sadd.s32 @p4 $0x180, s1;
	s4 =	simm.s32 @p5 $0x1400  }
0x60: {  	p0 =	por p2, p1;
	p1 =	por p3, p6;
	p3 =	seq.s32 s26, $0x5  }
0x61: {  	[tilespmem:s3], [sflag:$0x1] =	stream.linear.gather @p4 [hbm4b:s1+s2], $0x400, $0x38;
	[tilespmem:$0x4C80] =	vst v63  }
0x62: {  	p6 =	seq.s32 s0, $0x6;
	p2 =	seq.s32 s29, $0x6;
	p4 =	seq.s32 s12, $0x7  }
0x63: {  	s1 =	spop (v2sf);
	s2 =	simm.s32 @!p5 $0x0;
	s3 =	simm.s32 @p5 $0x0  }
0x64: {  	p0 =	por p3, p0;
	p1 =	por p6, p1;
	p3 =	seq.s32 s31, $0x6  }
0x65: {  	p6 =	seq.s32 s24, $0x5;
	s7 =	spop (v2sf);
	s2 =	simm.s32 @p5 $0x1  }
0x66: {  	s22 =	sshra.s32 s1, $0x7;
	p1 =	por p3, p1;
	p3 =	seq.s32 s30, $0x6  }
0x67: {  	p6 =	por p6, p0;
	[smem:$0x7F7] =	sst s2;
	s2 =	sadd.s32 @p5 s17, s9  }
0x68: {  	s19 =	sshra.s32 s7, $0x7;
	s8 =	spop (v2sf);
	p1 =	por p3, p1  }
0x69: {  	(v2sf) =	vpush v6, $0xB;
	p3 =	seq.s32 s5, $0x7;
	s2 =	sadd.s32 @p5 $0x200, s2;
	s21 =	sshra.s32 s8, $0x7  }
0x6a: {  	p0 =	por p2, p1;
	p3 =	por p3, p4;
	p4 =	seq.s32 s0, $0x7  }
0x6b: {  	[tilespmem:s4], [sflag:$0x1] =	stream.linear.gather @p5 [hbm4b:s2+s3], $0x400, $0x38;
	[tilespmem:$0x4C80] =	vst v63  }
0x6c: {  	s2 =	simm.s32 @!p6 $0x0;
	s3 =	simm.s32 @p6 $0x0;
	s4 =	simm.s32 @p6 $0x1800  }
0x6d: {  	(v2sf) =	vpush v6, $0xC;
	p5 =	seq.s32 s19, $0x0;
	p1 =	por p4, p3;
	p3 =	seq.s32 s26, $0x6  }
0x6e: {  	(v2sf) =	vpush v6, $0xD;
	p4 =	seq.s32 s31, $0x7;
	s2 =	simm.s32 @p6 $0x1;
	p0 =	por p3, p0  }
0x6f: {  	(v2sf) =	vpush v6, $0xE;
	p1 =	por p4, p1;
	p4 =	seq.s32 s30, $0x7;
	p3 =	seq.s32 s24, $0x6  }
0x70: {  	[smem:$0x7F8] =	sst s2;
	s2 =	sadd.s32 @p6 s17, s9;
	p1 =	por p4, p1  }
0x71: {  	(v2sf) =	vpush v6, $0xF;
	p4 =	seq.s32 s29, $0x7;
	p2 =	por p3, p0;
	s2 =	sadd.s32 @p6 $0x280, s2  }
0x72: {  	[tilespmem:s4], [sflag:$0x1] =	stream.linear.gather @p6 [hbm4b:s2+s3], $0x400, $0x38;
	[tilespmem:$0x4C80] =	vst v63  }
0x73: {  	p3 =	por p4, p1;
	p4 =	seq.s32 s26, $0x7;
	s2 =	simm.s32 @!p2 $0x0  }
0x74: {  	s4 =	simm.s32 @p2 $0x0;
	p0 =	por p4, p3;
	s2 =	simm.s32 @p2 $0x1  }
0x75: {  	p3 =	seq.s32 s24, $0x7;
	[smem:$0x7F9] =	sst s2;
	s2 =	sadd.s32 @p2 s17, s9  }
0x76: {  	s6 =	simm.s32 @p2 $0x1C00;
	p3 =	por p3, p0;
	s2 =	sadd.s32 @p2 $0x300, s2  }
0x77: {  	[tilespmem:s6], [sflag:$0x1] =	stream.linear.gather @p2 [hbm4b:s2+s4], $0x400, $0x38;
	[tilespmem:$0x4C80] =	vst v63  }
0x78: {  	s3 =	spop (v2sf);
	p4 =	seq.s32 s22, $0x0;
	s2 =	simm.s32 @!p3 $0x0  }
0x79: {  	p6 =	seq.s32 s21, $0x0;
	p0 =	por p4, p5;
	s2 =	simm.s32 @p3 $0x1  }
0x7a: {  	s4 =	simm.s32 @p3 $0x2000;
	[smem:$0x7FA] =	sst s2;
	s2 =	simm.s32 @p3 $0x0  }
0x7b: {  	[tilespmem:s4], [sflag:$0x1] =	stream.linear.gather @p3 [hbm4b:s16+s2], $0x400, $0x38;
	[tilespmem:$0x4C80] =	vst v63  }
0x7c: {  	s20 =	sshra.s32 s3, $0x7;
	p0 =	por p6, p0;
	s4 =	spop (v2sf)  }
0x7d: {  	p2 =	seq.s32 s20, $0x0;
	s18 =	sshra.s32 s4, $0x7;
	s2 =	spop (v2sf)  }
0x7e: {  	p0 =	por p2, p0;
	p3 =	seq.s32 s18, $0x0;
	s10 =	spop (v2sf)  }
0x7f: {  	s14 =	sshra.s32 s2, $0x7;
	p0 =	por p3, p0;
	[dreg:$0x14] =	wrdreg s10  }
0x80: {  	p4 =	seq.s32 s14, $0x0;
	s23 =	spop (v2sf);
	s13 =	sshra.s32 s10, $0x7  }
0x81: {  	p0 =	por p4, p0;
	p5 =	seq.s32 s13, $0x0;
	s10 =	sshra.s32 s23, $0x7  }
0x82: {  	p0 =	por p5, p0;
	p6 =	seq.s32 s10, $0x0  }
0x83: {  	p2 =	seq.s32 s22, $0x1;
	p0 =	por p6, p0  }
0x84: {  	p3 =	seq.s32 s19, $0x1;
	[dreg:$0x13] =	wrdreg s23;
	s6 =	simm.s32 @!p0 $0x0  }
0x85: {  	s25 =	sadd.s32 @p0 s17, s9;
	s23 =	simm.s32 @p0 $0x0;
	s6 =	simm.s32 @p0 $0x1  }
0x86: {  	s25 =	sadd.s32 @p0 $0x400, s25;
	[smem:$0x7FB] =	sst s6;
	s6 =	simm.s32 @p0 $0x2400  }
0x87: {  	[tilespmem:s6], [sflag:$0x1] =	stream.linear.gather @p0 [hbm4b:s25+s23], $0x400, $0x38;
	[tilespmem:$0x4C80] =	vst v63  }
0x88: {  	p4 =	seq.s32 s21, $0x1;
	p0 =	por p2, p3  }
0x89: {  	p5 =	seq.s32 s20, $0x1;
	p0 =	por p4, p0  }
0x8a: {  	p6 =	seq.s32 s18, $0x1;
	p0 =	por p5, p0  }
0x8b: {  	p2 =	seq.s32 s14, $0x1;
	p0 =	por p6, p0  }
0x8c: {  	p3 =	seq.s32 s13, $0x1;
	p0 =	por p2, p0  }
0x8d: {  	p4 =	seq.s32 s10, $0x1;
	p0 =	por p3, p0  }
0x8e: {  	p0 =	por p4, p0  }
0x8f: {  	s6 =	simm.s32 @!p0 $0x0  }
0x90: {  	p5 =	seq.s32 s22, $0x2;
	s6 =	simm.s32 @p0 $0x1  }
0x91: {  	p6 =	seq.s32 s19, $0x2;
	[smem:$0x7FC] =	sst s6;
	s6 =	sadd.s32 @p0 s17, s9  }
0x92: {  	s23 =	simm.s32 @p0 $0x0;
	s25 =	simm.s32 @p0 $0x2800;
	s6 =	sadd.s32 @p0 $0x480, s6  }
0x93: {  	[tilespmem:s25], [sflag:$0x1] =	stream.linear.gather @p0 [hbm4b:s6+s23], $0x400, $0x38;
	[tilespmem:$0x4C80] =	vst v63  }
0x94: {  	p2 =	seq.s32 s21, $0x2;
	p0 =	por p5, p6  }
0x95: {  	p3 =	seq.s32 s20, $0x2;
	p0 =	por p2, p0  }
0x96: {  	p4 =	seq.s32 s18, $0x2;
	p0 =	por p3, p0  }
0x97: {  	p5 =	seq.s32 s14, $0x2;
	p0 =	por p4, p0  }
0x98: {  	p6 =	seq.s32 s13, $0x2;
	p0 =	por p5, p0  }
0x99: {  	p2 =	seq.s32 s10, $0x2;
	p3 =	seq.s32 s22, $0x3;
	p0 =	por p6, p0  }
0x9a: {  	p4 =	seq.s32 s19, $0x3;
	p6 =	seq.s32 s21, $0x3;
	p5 =	por p2, p0  }
0x9b: {  	p0 =	por p3, p4;
	p2 =	seq.s32 s20, $0x3;
	p3 =	seq.s32 s18, $0x3  }
0x9c: {  	s6 =	sadd.s32 @p5 s17, s9;
	s23 =	simm.s32 @p5 $0x0;
	p0 =	por p6, p0  }
0x9d: {  	s25 =	simm.s32 @p5 $0x2C00;
	s6 =	sadd.s32 @p5 $0x500, s6;
	p0 =	por p2, p0  }
0x9e: {  	[tilespmem:s25], [sflag:$0x1] =	stream.linear.gather @p5 [hbm4b:s6+s23], $0x400, $0x38;
	[tilespmem:$0x4C80] =	vst v63  }
0x9f: {  	p4 =	seq.s32 s14, $0x3;
	p0 =	por p3, p0  }
0xa0: {  	p6 =	seq.s32 s13, $0x3;
	p2 =	seq.s32 s10, $0x3;
	p0 =	por p4, p0  }
0xa1: {  	p3 =	seq.s32 s22, $0x4;
	p0 =	por p6, p0;
	p6 =	seq.s32 s19, $0x4  }
0xa2: {  	p4 =	por p2, p0;
	p0 =	por p3, p6  }
0xa3: {  	p2 =	seq.s32 s21, $0x4;
	p3 =	seq.s32 s20, $0x4;
	p6 =	seq.s32 s18, $0x4  }
0xa4: {  	s6 =	sadd.s32 @p4 s17, s9;
	s23 =	simm.s32 @p4 $0x0;
	p0 =	por p2, p0  }
0xa5: {  	s25 =	simm.s32 @p4 $0x3000;
	s6 =	sadd.s32 @p4 $0x580, s6;
	p0 =	por p3, p0  }
0xa6: {  	[tilespmem:s25], [sflag:$0x1] =	stream.linear.gather @p4 [hbm4b:s6+s23], $0x400, $0x38;
	[tilespmem:$0x4C80] =	vst v63  }
0xa7: {  	p2 =	seq.s32 s14, $0x4;
	p0 =	por p6, p0  }
0xa8: {  	p3 =	seq.s32 s13, $0x4;
	p0 =	por p2, p0  }
0xa9: {  	p6 =	seq.s32 s10, $0x4;
	p0 =	por p3, p0  }
0xaa: {  	p2 =	seq.s32 s22, $0x5;
	p3 =	por p6, p0  }
0xab: {  	p6 =	seq.s32 s19, $0x5;
	s6 =	sadd.s32 @p3 s17, s9;
	s23 =	simm.s32 @p3 $0x0  }
0xac: {  	s25 =	simm.s32 @p3 $0x3400;
	p0 =	por p2, p6;
	p2 =	seq.s32 s21, $0x5  }
0xad: {  	p6 =	seq.s32 s20, $0x5;
	s6 =	sadd.s32 @p3 $0x600, s6;
	p0 =	por p2, p0  }
0xae: {  	[tilespmem:s25], [sflag:$0x1] =	stream.linear.gather @p3 [hbm4b:s6+s23], $0x400, $0x38;
	[tilespmem:$0x4C80] =	vst v63  }
0xaf: {  	p2 =	seq.s32 s18, $0x5;
	p0 =	por p6, p0  }
0xb0: {  	p6 =	seq.s32 s14, $0x5;
	p0 =	por p2, p0  }
0xb1: {  	p2 =	seq.s32 s13, $0x5;
	p0 =	por p6, p0  }
0xb2: {  	p6 =	seq.s32 s10, $0x5;
	p0 =	por p2, p0  }
0xb3: {  	p1 =	seq.s32 s22, $0x6;
	p2 =	por p6, p0  }
0xb4: {  	p6 =	seq.s32 s19, $0x6;
	s6 =	sadd.s32 @p2 s17, s9;
	s23 =	simm.s32 @p2 $0x0  }
0xb5: {  	s25 =	simm.s32 @p2 $0x3800;
	p0 =	por p1, p6;
	p6 =	seq.s32 s21, $0x6  }
0xb6: {  	s6 =	sadd.s32 @p2 $0x680, s6;
	p0 =	por p6, p0;
	p6 =	seq.s32 s20, $0x6  }
0xb7: {  	[tilespmem:s25], [sflag:$0x1] =	stream.linear.gather @p2 [hbm4b:s6+s23], $0x400, $0x38;
	[tilespmem:$0x4C80] =	vst v63  }
0xb8: {  	p0 =	por p6, p0;
	p6 =	seq.s32 s18, $0x6  }
0xb9: {  	p0 =	por p6, p0;
	p6 =	seq.s32 s14, $0x6  }
0xba: {  	p0 =	por p6, p0;
	p6 =	seq.s32 s13, $0x6  }
0xbb: {  	p0 =	por p6, p0;
	p6 =	seq.s32 s10, $0x6  }
0xbc: {  	p1 =	por p6, p0;
	p0 =	seq.s32 s22, $0x7  }
0xbd: {  	p6 =	seq.s32 s19, $0x7;
	s6 =	sadd.s32 @p1 s17, s9;
	s23 =	simm.s32 @p1 $0x0  }
0xbe: {  	s25 =	simm.s32 @p1 $0x3C00;
	p0 =	por p0, p6;
	p6 =	seq.s32 s21, $0x7  }
0xbf: {  	s6 =	sadd.s32 @p1 $0x700, s6;
	p0 =	por p6, p0;
	p6 =	seq.s32 s20, $0x7  }
0xc0: {  	[tilespmem:s25], [sflag:$0x1] =	stream.linear.gather @p1 [hbm4b:s6+s23], $0x400, $0x38;
	[tilespmem:$0x4C80] =	vst v63  }
0xc1: {  	p0 =	por p6, p0;
	p6 =	seq.s32 s18, $0x7  }
0xc2: {  	p0 =	por p6, p0;
	p6 =	seq.s32 s14, $0x7  }
0xc3: {  	p0 =	por p6, p0;
	p6 =	seq.s32 s13, $0x7  }
0xc4: {  	p0 =	por p6, p0;
	p6 =	seq.s32 s10, $0x7  }
0xc5: {  	p0 =	por p6, p0  }
0xc6: {  	s6 =	sadd.s32 @p0 $0x80, s16;
	s23 =	simm.s32 @p0 $0x0;
	s25 =	simm.s32 @p0 $0x4000  }
0xc7: {  	[tilespmem:s25], [sflag:$0x1] =	stream.linear.gather @p0 [hbm4b:s6+s23], $0x400, $0x38;
	[tilespmem:$0x4C80] =	vst v63  }
0xc8: {  	s25 =	sld [smem:$0x7F3];
	_ =	sdelay $0x2  }
0xc9: {  	p6 =	seq.s32 s25, $0x1  }
0xca: {  	s6 =	simm.s32 @p6 $0x1  }
0xcb: {  	_ =	swait.ge @p6 [sflag:s6], $0x400  }
0xcc: {  	s23 =	sld [smem:$0x7F4];
	_ =	sdelay $0x1  }
0xcd: {  	[sflag:s6] =	ssyncset.done @p6 $0x0  }
0xce: {  	[sflag:s6] =	ssyncadd.s32 @p6 $0xFFFFFC00;
	p6 =	seq.s32 s23, $0x1  }
0xcf: {  	s6 =	simm.s32 @p6 $0x1  }
0xd0: {  	_ =	swait.ge @p6 [sflag:s6], $0x400  }
0xd1: {  	s25 =	sld [smem:$0x7F5];
	_ =	sdelay $0x1  }
0xd2: {  	[sflag:s6] =	ssyncset.done @p6 $0x0  }
0xd3: {  	[sflag:s6] =	ssyncadd.s32 @p6 $0xFFFFFC00;
	p6 =	seq.s32 s25, $0x1  }
0xd4: {  	s6 =	simm.s32 @p6 $0x1  }
0xd5: {  	_ =	swait.ge @p6 [sflag:s6], $0x400  }
0xd6: {  	s23 =	sld [smem:$0x7F6];
	_ =	sdelay $0x1  }
0xd7: {  	[sflag:s6] =	ssyncset.done @p6 $0x0  }
0xd8: {  	[sflag:s6] =	ssyncadd.s32 @p6 $0xFFFFFC00;
	p6 =	seq.s32 s23, $0x1  }
0xd9: {  	s6 =	simm.s32 @p6 $0x1  }
0xda: {  	_ =	swait.ge @p6 [sflag:s6], $0x400  }
0xdb: {  	s25 =	sld [smem:$0x7F7];
	_ =	sdelay $0x1  }
0xdc: {  	[sflag:s6] =	ssyncset.done @p6 $0x0  }
0xdd: {  	[sflag:s6] =	ssyncadd.s32 @p6 $0xFFFFFC00;
	p6 =	seq.s32 s25, $0x1  }
0xde: {  	s6 =	simm.s32 @p6 $0x1  }
0xdf: {  	_ =	swait.ge @p6 [sflag:s6], $0x400  }
0xe0: {  	s23 =	sld [smem:$0x7F8];
	_ =	sdelay $0x1  }
0xe1: {  	[sflag:s6] =	ssyncset.done @p6 $0x0  }
0xe2: {  	[sflag:s6] =	ssyncadd.s32 @p6 $0xFFFFFC00;
	p6 =	seq.s32 s23, $0x1  }
0xe3: {  	s6 =	simm.s32 @p6 $0x1  }
0xe4: {  	_ =	swait.ge @p6 [sflag:s6], $0x400  }
0xe5: {  	s25 =	sld [smem:$0x7F9];
	_ =	sdelay $0x1  }
0xe6: {  	[sflag:s6] =	ssyncset.done @p6 $0x0  }
0xe7: {  	[sflag:s6] =	ssyncadd.s32 @p6 $0xFFFFFC00;
	p6 =	seq.s32 s25, $0x1  }
0xe8: {  	s6 =	simm.s32 @p6 $0x1  }
0xe9: {  	_ =	swait.ge @p6 [sflag:s6], $0x400  }
0xea: {  	s23 =	sld [smem:$0x7FA];
	_ =	sdelay $0x1  }
0xeb: {  	[sflag:s6] =	ssyncset.done @p6 $0x0  }
0xec: {  	[sflag:s6] =	ssyncadd.s32 @p6 $0xFFFFFC00;
	p6 =	seq.s32 s23, $0x1  }
0xed: {  	s6 =	simm.s32 @p6 $0x1  }
0xee: {  	_ =	swait.ge @p6 [sflag:s6], $0x400  }
0xef: {  	s25 =	sld [smem:$0x7FB];
	_ =	sdelay $0x1  }
0xf0: {  	[sflag:s6] =	ssyncset.done @p6 $0x0  }
0xf1: {  	[sflag:s6] =	ssyncadd.s32 @p6 $0xFFFFFC00;
	p6 =	seq.s32 s25, $0x1  }
0xf2: {  	s6 =	simm.s32 @p6 $0x1  }
0xf3: {  	_ =	swait.ge @p6 [sflag:s6], $0x400  }
0xf4: {  	s23 =	sld [smem:$0x7FC];
	_ =	sdelay $0x1  }
0xf5: {  	[sflag:s6] =	ssyncset.done @p6 $0x0  }
0xf6: {  	[sflag:s6] =	ssyncadd.s32 @p6 $0xFFFFFC00;
	p6 =	seq.s32 s23, $0x1  }
0xf7: {  	s6 =	simm.s32 @p6 $0x1  }
0xf8: {  	_ =	swait.ge @p6 [sflag:s6], $0x400  }
0xf9: {  	[sflag:s6] =	ssyncset.done @p6 $0x0  }
0xfa: {  	[sflag:s6] =	ssyncadd.s32 @p6 $0xFFFFFC00;
	s6 =	simm.s32 @p5 $0x1  }
0xfb: {  	_ =	swait.ge @p5 [sflag:s6], $0x400  }
0xfc: {  	[sflag:s6] =	ssyncset.done @p5 $0x0  }
0xfd: {  	[sflag:s6] =	ssyncadd.s32 @p5 $0xFFFFFC00;
	s6 =	simm.s32 @p4 $0x1  }
0xfe: {  	_ =	swait.ge @p4 [sflag:s6], $0x400  }
0xff: {  	[sflag:s6] =	ssyncset.done @p4 $0x0  }
0x100: {  	[sflag:s6] =	ssyncadd.s32 @p4 $0xFFFFFC00;
	s6 =	simm.s32 @p3 $0x1  }
0x101: {  	_ =	swait.ge @p3 [sflag:s6], $0x400  }
0x102: {  	[sflag:s6] =	ssyncset.done @p3 $0x0  }
0x103: {  	[sflag:s6] =	ssyncadd.s32 @p3 $0xFFFFFC00;
	s6 =	simm.s32 @p2 $0x1  }
0x104: {  	_ =	swait.ge @p2 [sflag:s6], $0x400  }
0x105: {  	[sflag:s6] =	ssyncset.done @p2 $0x0  }
0x106: {  	[sflag:s6] =	ssyncadd.s32 @p2 $0xFFFFFC00;
	s6 =	simm.s32 @p1 $0x1  }
0x107: {  	_ =	swait.ge @p1 [sflag:s6], $0x400  }
0x108: {  	[sflag:s6] =	ssyncset.done @p1 $0x0  }
0x109: {  	s5 =	sshll.u32 s5, $0xC;
	[sflag:s6] =	ssyncadd.s32 @p1 $0xFFFFFC00;
	s6 =	simm.s32 @p0 $0x1  }
0x10a: {  	s5 =	sshra.s32 s5, $0x2;
	s25 =	sand.u32 $0x70, s28;
	_ =	swait.ge @p0 [sflag:s6], $0x400  }
0x10b: {  	s5 =	sor.u32 s25, s5;
	s25 =	sshll.u32 s12, $0xC;
	[sflag:s6] =	ssyncset.done @p0 $0x0  }
0x10c: {  	s12 =	sshra.s32 s25, $0x2;
	s25 =	rddreg [dreg:$0x12];
	[sflag:s6] =	ssyncadd.s32 @p0 $0xFFFFFC00  }
0x10d: {  	s23 =	sand.u32 $0x70, s25;
	v6 =	vld [tilespmem:s5+$0x400]  }
0x10e: {  	s0 =	sshll.u32 s0, $0xC;
	s5 =	sor.u32 s23, s12;
	s23 =	rddreg [dreg:$0x11]  }
0x10f: {  	s0 =	sshra.s32 s0, $0x2;
	v7 =	vld [tilespmem:s5+$0x480];
	s12 =	sand.u32 $0x70, s23  }
0x110: {  	s31 =	sshll.u32 s31, $0xC;
	s0 =	sor.u32 s12, s0;
	s12 =	rddreg [dreg:$0x10]  }
0x111: {  	v8 =	vmov s28;
	s5 =	sshra.s32 s31, $0x2;
	v9 =	vld [tilespmem:s0+$0x500];
	s6 =	sand.u32 $0x70, s12  }
0x112: {  	s28 =	sshll.u32 s30, $0xC;
	s0 =	sor.u32 s6, s5;
	s6 =	rddreg [dreg:$0xf];
	v6 =	vperm.xlane v6, v8  }
0x113: {  	s30 =	sshra.s32 s28, $0x2;
	v41 =	vmov s25;
	v10 =	vld [tilespmem:s0+$0x580];
	s31 =	sand.u32 $0x70, s6  }
0x114: {  	s25 =	sshll.u32 s29, $0xC;
	v42 =	vmov s23;
	s23 =	rddreg [dreg:$0xe];
	s0 =	sor.u32 s31, s30;
	v7 =	vperm.xlane v7, v41;
	v6 =	vmul.f32 v6, v4  }
0x115: {  	s28 =	sand.u32 $0x70, s23;
	v43 =	vmov s12;
	s5 =	sshra.s32 s25, $0x2;
	v11 =	vld [tilespmem:s0+$0x600]  }
0x116: {  	s29 =	sshll.u32 s26, $0xC;
	s12 =	rddreg [dreg:$0xd];
	s0 =	sor.u32 s28, s5;
	v7 =	vmul.f32 v7, v4;
	v8 =	vperm.xlane v9, v42;
	v6 =	vnsel vm0, $0x0, v6  }
0x117: {  	s30 =	sand.u32 $0x70, s12;
	s5 =	sshra.s32 s29, $0x2;
	v5 =	vadd.f32 v6, v5;
	v6 =	vld [tilespmem:s0+$0x680]  }
0x118: {  	s31 =	sshll.u32 s24, $0xC;
	s24 =	rddreg [dreg:$0xc];
	s0 =	sor.u32 s30, s5;
	v7 =	vsel vm1, $0x0, v7;
	v8 =	vmul.f32 v8, v4;
	v9 =	vperm.xlane v10, v43  }
0x119: {  	v44 =	vmov s6;
	s25 =	sand.u32 $0x70, s24;
	s5 =	sshra.s32 s31, $0x2;
	v5 =	vadd.f32 v7, v5;
	v7 =	vld [tilespmem:s0+$0x700]  }
0x11a: {  	s26 =	sshll.u32 s22, $0xC;
	s0 =	sor.u32 s25, s5;
	v8 =	vsel vm2, $0x0, v8;
	v9 =	vmul.f32 v9, v4;
	v10 =	vperm.xlane v11, v44  }
0x11b: {  	v45 =	vmov s23;
	s28 =	sand.u32 $0x70, s1;
	s5 =	sshra.s32 s26, $0x2;
	v46 =	vld [tilespmem:s0+$0x780];
	v5 =	vadd.f32 v8, v5  }
0x11c: {  	s29 =	sshll.u32 s19, $0xC;
	s0 =	sor.u32 s28, s5;
	v9 =	vsel vm3, $0x0, v9;
	v10 =	vmul.f32 v10, v4;
	v6 =	vperm.xlane v6, v45  }
0x11d: {  	v47 =	vmov s12;
	s30 =	sand.u32 $0x70, s7;
	s5 =	sshra.s32 s29, $0x2;
	v48 =	vld [tilespmem:s0+$0x2400];
	v5 =	vadd.f32 v9, v5  }
0x11e: {  	s31 =	sshll.u32 s21, $0xC;
	s0 =	sor.u32 s30, s5;
	v10 =	vsel vm4, $0x0, v10;
	v6 =	vmul.f32 v6, v4;
	v7 =	vperm.xlane v7, v47  }
0x11f: {  	s6 =	sand.u32 $0x70, s8;
	v49 =	vmov s24;
	s5 =	sshra.s32 s31, $0x2;
	v50 =	vld [tilespmem:s0+$0x2480];
	v5 =	vadd.f32 v10, v5  }
0x120: {  	s12 =	sshll.u32 s20, $0xC;
	s0 =	sor.u32 s6, s5;
	v8 =	vperm.xlane v46, v49;
	v6 =	vsel vm5, $0x0, v6;
	v7 =	vmul.f32 v7, v4  }
0x121: {  	v51 =	vmov s1;
	s19 =	sand.u32 $0x70, s3;
	s20 =	sshra.s32 s12, $0x2;
	v5 =	vadd.f32 v6, v5;
	v6 =	vld [tilespmem:s0+$0x2500]  }
0x122: {  	s21 =	sshll.u32 s18, $0xC;
	v9 =	vperm.xlane v48, v51;
	s0 =	sor.u32 s19, s20;
	v8 =	vmul.f32 v8, v4;
	v7 =	vsel vm6, $0x0, v7  }
0x123: {  	v52 =	vmov s7;
	s22 =	sand.u32 $0x70, s4;
	s1 =	sshra.s32 s21, $0x2;
	v5 =	vadd.f32 v7, v5;
	v7 =	vld [tilespmem:s0+$0x2580]  }
0x124: {  	s23 =	sshll.u32 s14, $0xC;
	v10 =	vperm.xlane v50, v52;
	v9 =	vmul.f32 v9, v4;
	s0 =	sor.u32 s22, s1;
	v8 =	vsel vm7, $0x0, v8  }
0x125: {  	v53 =	vmov s8;
	s24 =	sand.u32 $0x70, s2;
	s1 =	sshra.s32 s23, $0x2;
	v54 =	vld [tilespmem:s0+$0x2600];
	v5 =	vadd.f32 v8, v5  }
0x126: {  	s25 =	sshll.u32 s13, $0xC;
	s26 =	rddreg [dreg:$0x14];
	v10 =	vmul.f32 v10, v4;
	s0 =	sor.u32 s24, s1;
	v9 =	vsel vm8, $0x0, v9;
	v6 =	vperm.xlane v6, v53  }
0x127: {  	v55 =	vmov s3;
	s28 =	sand.u32 $0x70, s26;
	s1 =	sshra.s32 s25, $0x2;
	v56 =	vld [tilespmem:s0+$0x2680];
	v5 =	vadd.f32 v9, v5  }
0x128: {  	s29 =	sshll.u32 s10, $0xC;
	s30 =	rddreg [dreg:$0x13];
	s0 =	sor.u32 s28, s1;
	v10 =	vsel vm9, $0x0, v10;
	v6 =	vmul.f32 v6, v4;
	v7 =	vperm.xlane v7, v55  }
0x129: {  	v57 =	vmov s4;
	s31 =	sand.u32 $0x70, s30;
	s1 =	sshra.s32 s29, $0x2;
	v58 =	vld [tilespmem:s0+$0x2700];
	v5 =	vadd.f32 v10, v5  }
0x12a: {  	s0 =	sor.u32 s31, s1;
	v8 =	vperm.xlane v54, v57;
	v6 =	vsel vm10, $0x0, v6;
	v7 =	vmul.f32 v7, v4  }
0x12b: {  	v59 =	vmov s2;
	v12 =	vld [tilespmem:s0+$0x2780];
	v5 =	vadd.f32 v6, v5  }
0x12c: {  	v60 =	vperm.xlane v56, v59;
	v6 =	vsel vm11, $0x0, v7;
	v7 =	vmul.f32 v8, v4  }
0x12d: {  	v61 =	vmov s26;
	v5 =	vadd.f32 v6, v5  }
0x12e: {  	v62 =	vperm.xlane v58, v61;
	v6 =	vsel vm12, $0x0, v7;
	v7 =	vmul.f32 v60, v4  }
0x12f: {  	s17 =	sadd.s32 $0x800, s17;
	v63 =	vmov s30;
	v5 =	vadd.f32 v6, v5  }
0x130: {  	p0 =	sne.s32 s17, $0x10000;
	v8 =	vmul.f32 v62, v4;
	v6 =	vperm.xlane v12, v63;
	v7 =	vsel vm13, $0x0, v7  }
.Ltmp0:
0x131: {  	v5 =	vadd.f32 v7, v5;
	(pc) =	sbr.rel @p0 .LBB2_2-.Ltmp0, $4  }
0x132: {  	v7 =	vsel vm14, $0x0, v8;
	v4 =	vmul.f32 v6, v4  }
0x133: {  	v5 =	vadd.f32 v7, v5  }
0x134: {  	v4 =	vsel vm15, $0x0, v4  }
0x135: {  	s15 =	sadd.s32 $0x10, s15;
	s11 =	sadd.s32 $0x10, s11;
	s16 =	sadd.s32 $0x100, s16;
	v5 =	vadd.f32 v4, v5  }
0x136: {  	_ = 	snop  }
0x137: {  	s12 =	simm.s32 $0x0;
	s0 =	rddreg [dreg:$0x6];
	s1 =	simm.s32 $0x4400;
	[tilespmem:$0x4400] =	vst v5  }
0x138: {  	[hbm4b:s0+s12] =	stream.linear.scatter [tilespmem:s1], [sflag:$0x2], $0x80, $0x38;
	[tilespmem:$0x4C80] =	vst v63  }
0x139: {  	s1 =	simm.s32 $0x2  }
0x13a: {  	_ =	swait.ge [sflag:s1], $0x80  }
0x13b: {  	[sflag:s1] =	ssyncset.done $0x0  }
0x13c: {  	[sflag:s1] =	ssyncadd.s32 $0xFFFFFF80  }
0x13d: {  	[bflag:$0x0] =	sbarrier.arrive $0xFFFF  }
0x13e: {  	s30 =	sld [smem:$0x7FD];
	_ =	sdelay $0x2  }
0x13f: {  	p0 =	seq.s32 s30, $0x1  }
0x140: {  	s0 =	rddreg @!p0 [dreg:$0x7];
	s2 =	simm.s32 @!p0 $0x4480  }
0x141: {  	[tilespmem:s2], [sflag:$0x2] =	stream.linear.gather @!p0 [hbm4b:s0+s12], $0x800, $0x38;
	[tilespmem:$0x4C80] =	vst v63  }
0x142: {  	s3 =	rddreg [dreg:$0xb];
	_ =	swait.ge @!p0 [sflag:s1], $0x800  }
0x143: {  	[sflag:s1] =	ssyncset.done @!p0 $0x0  }
0x144: {  	[sflag:s1] =	ssyncadd.s32 @!p0 $0xFFFFF800  }
0x145: {  	v4 =	vld @!p0 [tilespmem:$0x4480];
	_ =	sdelay $0x1  }
0x146: {  	v5 =	vld @!p0 [tilespmem:$0x4500];
	_ =	sdelay $0x1  }
0x147: {  	v6 =	vld @!p0 [tilespmem:$0x4580]  }
0x148: {  	v4 =	vadd.f32 @!p0 $0.0e+00, v4  }
0x149: {  	v7 =	vld @!p0 [tilespmem:$0x4600]  }
0x14a: {  	v4 =	vadd.f32 @!p0 v5, v4  }
0x14b: {  	v5 =	vld @!p0 [tilespmem:$0x4680]  }
0x14c: {  	v4 =	vadd.f32 @!p0 v6, v4  }
0x14d: {  	v6 =	vld @!p0 [tilespmem:$0x4700]  }
0x14e: {  	v4 =	vadd.f32 @!p0 v7, v4  }
0x14f: {  	v7 =	vld @!p0 [tilespmem:$0x4780]  }
0x150: {  	v4 =	vadd.f32 @!p0 v5, v4  }
0x151: {  	v5 =	vld @!p0 [tilespmem:$0x4800]  }
0x152: {  	v4 =	vadd.f32 @!p0 v6, v4  }
0x153: {  	v6 =	vld @!p0 [tilespmem:$0x4880]  }
0x154: {  	v4 =	vadd.f32 @!p0 v7, v4  }
0x155: {  	v7 =	vld @!p0 [tilespmem:$0x4900]  }
0x156: {  	v4 =	vadd.f32 @!p0 v5, v4  }
0x157: {  	v5 =	vld @!p0 [tilespmem:$0x4980]  }
0x158: {  	v4 =	vadd.f32 @!p0 v6, v4  }
0x159: {  	v6 =	vld @!p0 [tilespmem:$0x4A00]  }
0x15a: {  	v4 =	vadd.f32 @!p0 v7, v4  }
0x15b: {  	v7 =	vld @!p0 [tilespmem:$0x4A80]  }
0x15c: {  	v4 =	vadd.f32 @!p0 v5, v4  }
0x15d: {  	v5 =	vld @!p0 [tilespmem:$0x4B00]  }
0x15e: {  	v4 =	vadd.f32 @!p0 v6, v4  }
0x15f: {  	v6 =	vld @!p0 [tilespmem:$0x4B80]  }
0x160: {  	v4 =	vadd.f32 @!p0 v7, v4  }
0x161: {  	v7 =	vld @!p0 [tilespmem:$0x4C00]  }
0x162: {  	v4 =	vadd.f32 @!p0 v5, v4;
	_ =	sdelay $0x1  }
0x163: {  	v4 =	vadd.f32 @!p0 v6, v4;
	_ =	sdelay $0x1  }
0x164: {  	v4 =	vadd.f32 @!p0 v7, v4;
	_ =	sdelay $0x1  }
0x165: {  	v5 =	vperm.xlane @!p0 v4, v0;
	_ =	sdelay $0x1  }
0x166: {  	v4 =	vadd.f32 @!p0 v5, v4;
	_ =	sdelay $0x1  }
0x167: {  	v5 =	vperm.xlane @!p0 v4, v1;
	_ =	sdelay $0x1  }
0x168: {  	v4 =	vadd.f32 @!p0 v5, v4;
	_ =	sdelay $0x1  }
0x169: {  	v5 =	vperm.xlane @!p0 v4, v2;
	_ =	sdelay $0x1  }
0x16a: {  	v4 =	vadd.f32 @!p0 v5, v4;
	_ =	sdelay $0x1  }
0x16b: {  	v5 =	vperm.xlane @!p0 v4, v3;
	_ =	sdelay $0x1  }
0x16c: {  	v4 =	vadd.f32 @!p0 v5, v4;
	_ =	sdelay $0x1  }
0x16d: {  	v4 =	vmul.f32 @!p0 $-6.103515630e-05, v4;
	_ =	sdelay $0x1  }
0x16e: {  	s2 =	simm.s32 @!p0 $0x4400;
	s0 =	rddreg @!p0 [dreg:$0x8];
	[tilespmem:$0x4400] =	vst @!p0 v4  }
0x16f: {  	[hbm4b:s0+s12] =	stream.linear.scatter @!p0 [tilespmem:s2], [sflag:$0x2], $0x80, $0x38;
	[tilespmem:$0x4C80] =	vst v63  }
0x170: {  	_ =	swait.ge @!p0 [sflag:s1], $0x80  }
0x171: {  	s3 =	sadd.s32 $0x1, s3;
	[sflag:s1] =	ssyncset.done @!p0 $0x0;
	s31 =	rddreg [dreg:$0x9]  }
0x172: {  	[sflag:s1] =	ssyncadd.s32 @!p0 $0xFFFFFF80;
	p0 =	sne.s32 s3, s31  }
.Ltmp1:
0x173: {  	_ = 	snop;
	(pc) =	sbr.rel @p0 .LBB2_1-.Ltmp1, $1  }
0x174: {  	_ =	sdelay $0x3  }
0x175: {  	_ =	sfence.sel $0x180000  }
0x176: {  	[bflag:$0x0] =	sbarrier.arrive $0xFFFF  }
0x177: {  	_ =	strace $0x90000047  }
0x178: {  	[bflag:$0x2] =	sbarrier.arrive $0xFFFF  }
0x179: {  	s1 =	sld [smem:$0x7FD];
	_ =	sdelay $0x2  }
0x17a: {  	s0 =	rddreg [dreg:$0x3];
	p0 =	seq.s32 s1, $0x1  }
0x17b: {  	s0 =	sadd.s32 @!p0 $0x100000, s0  }
0x17c: {  	[sflag:s0] =	ssyncadd.tile.s32 @!p0 $0x1;
	_ =	shalt  }
.Lfunc_end2:
_tile_overlayer_lowered:
.L_overlay_start_2:
0x17d: {  	(tag) =	ssettag $0x2  }
0x17e: {  	s0 =	rddreg [dreg:$0x0];
	s2 =	stileid.u32  }
0x17f: {  	s1 =	rddreg [dreg:$0x1];
	p0 =	sne.s32 s2, $0x0  }
0x180: {  	s3 =	rddreg [dreg:$0x2];
	[bflag:$0x3] =	sbarrier.arrive $0xFFFF;
	s2 =	simm.s32 @!p0 $0x1C02  }
0x181: {  	[timem:s3], [sflag:s2] =	dma.local @!p0 [hbm:s0], s1  }
0x182: {  	s0 =	simm.s32 @!p0 $0x2  }
0x183: {  	_ =	swait.ge @!p0 [sflag:s0], s1  }
0x184: {  	s1 =	ssub.s32 @!p0 $0x0, s1;
	[sflag:s0] =	ssyncset.done @!p0 $0x0  }
0x185: {  	[sflag:s0] =	ssyncadd.s32 @!p0 s1  }
0x186: {  	[bflag:$0x3] =	sbarrier.arrive $0xFFFF  }
0x187: {  	_ =	shalt  }

</sc_bundles>
